<compile_context>
chip_gen: v7x
topology: tpu7x:2x2x1
jax: 0.10.2.dev20260603
libtpu: 0.0.44.dev20260713+nightly
codegen_flags: <defaults>
</compile_context>

<pallas_src>
import functools

import jax
import jax.numpy as jnp
from jax import lax
from jax.experimental import pallas as pl
from jax.experimental.pallas import tpu as pltpu
from jax.experimental.pallas import tpu_sc as plsc

B = 32
N_OBJ = 16
P = 8732
PP = 8736
N_CLASSES = 81
THRESHOLD = 0.5
NEG_POS_RATIO = 3
ALPHA = 1.0

_LOG2C = (1.442517050360905, -0.7178986301307554, 0.45689541829556735,
          -0.27736778756842734, 0.121916876841407, -0.026067318216536958)
_LN2 = 0.6931471805599453


def _smooth_l1(d):
    ad = jnp.abs(d)
    return jnp.where(ad < 1.0, 0.5 * d * d, ad - 0.5)


def _image_kernel(boxes_ref, boxes_t_ref, labels_ref, priors_ref, plocs_ref,
                  scores_ref, u_ref, loc_ref, npos_ref):
    bxy = boxes_ref[0]
    bt = boxes_t_ref[0]
    labf = labels_ref[0]
    pk = priors_ref[...]
    pl_t = plocs_ref[0]

    pcx = pk[0:1, :]
    pcy = pk[1:2, :]
    px0 = pk[2:3, :]
    py0 = pk[3:4, :]
    px1 = pk[4:5, :]
    py1 = pk[5:6, :]
    area_b = pk[6:7, :]
    rpw = pk[7:8, :]
    rph = pk[8:9, :]
    l5pw = pk[9:10, :]
    l5ph = pk[10:11, :]

    bx0 = bxy[:, 0:1]
    by0 = bxy[:, 1:2]
    bx1 = bxy[:, 2:3]
    by1 = bxy[:, 3:4]

    ix = jnp.maximum(jnp.minimum(bx1, px1) - jnp.maximum(bx0, px0), 0.0)
    iy = jnp.maximum(jnp.minimum(by1, py1) - jnp.maximum(by0, py0), 0.0)
    inter = ix * iy
    area_a = (bx1 - bx0) * (by1 - by0)
    overlap = inter / (area_a + area_b - inter)

    ovl = jnp.max(overlap, axis=0, keepdims=True)
    obj_iota = lax.broadcasted_iota(jnp.int32, (N_OBJ, P), 0)
    obj_idx = jnp.min(jnp.where(overlap == ovl, obj_iota, N_OBJ),
                      axis=0, keepdims=True)

    row_max = jnp.max(overlap, axis=1, keepdims=True)
    lane_iota = lax.broadcasted_iota(jnp.int32, (N_OBJ, P), 1)
    prior_idx = jnp.min(jnp.where(overlap == row_max, lane_iota, P),
                        axis=1, keepdims=True)

    hitP = lane_iota == prior_idx
    forced = jnp.max(jnp.where(hitP, obj_iota, -1),
                     axis=0, keepdims=True)
    is_forced = forced >= 0
    obj_idx = jnp.where(is_forced, forced, obj_idx)
    ovl = jnp.where(is_forced, 1.0, ovl)

    onehot = (obj_iota == obj_idx).astype(jnp.float32)
    l5w = jnp.log(bt[2:3, :] - bt[0:1, :]) * 5.0
    l5h = jnp.log(bt[3:4, :] - bt[1:2, :]) * 5.0
    gmat = jnp.concatenate(
        [labf, bt, l5w, l5h, jnp.zeros((1, N_OBJ), jnp.float32)],
        axis=0)
    g = jnp.dot(gmat, onehot, preferred_element_type=jnp.float32)

    label_prior = jnp.where(ovl < THRESHOLD, 0.0, g[0:1, :])
    pos_row = label_prior > 0.0
    posf = pos_row.astype(jnp.float32)
    n_pos = jnp.sum(pos_row.astype(jnp.int32), keepdims=True)

    gx0 = g[1:2, :]
    gy0 = g[2:3, :]
    gx1 = g[3:4, :]
    gy1 = g[4:5, :]
    cx = (gx0 + gx1) * 0.5
    cy = (gy0 + gy1) * 0.5
    t0 = (cx - pcx) * rpw
    t1 = (cy - pcy) * rph
    t2 = g[5:6, :] - l5pw
    t3 = g[6:7, :] - l5ph
    loss = (_smooth_l1(pl_t[0:1, :] - t0) + _smooth_l1(pl_t[1:2, :] - t1)
            + _smooth_l1(pl_t[2:3, :] - t2) + _smooth_l1(pl_t[3:4, :] - t3))
    loc_ref[0] = jnp.sum(loss * posf, keepdims=True)
    npos_ref[0] = n_pos

    s = scores_ref[0]
    li = jnp.transpose(label_prior, (1, 0)).astype(jnp.int32)
    e = jnp.exp(s)
    ones_c = jnp.ones((N_CLASSES, 1), jnp.float32)
    se = jnp.dot(e, ones_c, preferred_element_type=jnp.float32)
    ci = lax.broadcasted_iota(jnp.int32, (P, N_CLASSES), 1)
    e_true = jnp.where(ci == li, e, 0.0)
    es = jnp.dot(e_true, ones_c, preferred_element_type=jnp.float32)
    u = se / es
    pos = li > 0
    u_signed = jnp.where(pos, -u, u)
    u_row = jnp.transpose(u_signed, (1, 0))
    u_ref[0] = jnp.concatenate(
        [u_row, jnp.ones((1, PP - P), jnp.float32)], axis=1)


def _sc_mine_kernel(u_hbm, out_hbm, u_v, c_v, res_v, sem):
    del sem
    wid = lax.axis_index("s") * 2 + lax.axis_index("c")
    pltpu.sync_copy(u_hbm.at[wid], u_v)

    nchunk = PP // 16

    def body_log(i, carry):
        possum, nposv = carry
        for q in range(6):
            u16 = u_v[pl.ds((i * 6 + q) * 16, 16)]
            au = jnp.abs(u16)
            bb = plsc.bitcast(au, jnp.int32)
            ex = ((bb >> 23) - 127).astype(jnp.float32)
            m = plsc.bitcast((bb & 0x7FFFFF) | 0x3F800000, jnp.float32)
            t = m - 1.0
            poly = _LOG2C[5]
            for cc in (_LOG2C[4], _LOG2C[3], _LOG2C[2], _LOG2C[1], _LOG2C[0]):
                poly = poly * t + cc
            c16 = jnp.maximum((ex + poly * t) * _LN2, 0.0)
            pos = u16 < 0.0
            c_v[pl.ds((i * 6 + q) * 16, 16)] = jnp.where(pos, 0.0, c16)
            possum = possum + jnp.where(pos, c16, 0.0)
            nposv = nposv + plsc.all_reduce_population_count(pos)
        return (possum, nposv)

    possum, nposv = lax.fori_loop(
        0, nchunk // 6, body_log,
        (jnp.zeros((16,), jnp.float32), jnp.zeros((16,), jnp.int32)))
    k3 = nposv * NEG_POS_RATIO

    ans = jnp.zeros((16,), jnp.int32)
    for bit in range(30, 15, -1):
        cand = ans | (1 << bit)

        def body_cnt(i, acc, cand=cand):
            for q in range(6):
                cb = plsc.bitcast(c_v[pl.ds((i * 6 + q) * 16, 16)], jnp.int32)
                acc = acc + plsc.all_reduce_population_count(cb >= cand)
            return acc

        cntv = lax.fori_loop(0, nchunk // 6, body_cnt,
                             jnp.zeros((16,), jnp.int32))
        ans = jnp.where(cntv >= k3, cand, ans)
    t_f = plsc.bitcast(ans, jnp.float32)

    def body_sum(i, carry):
        sg, cg = carry
        for q in range(6):
            c16 = c_v[pl.ds((i * 6 + q) * 16, 16)]
            gt = c16 > t_f
            sg = sg + jnp.where(gt, c16, 0.0)
            cg = cg + plsc.all_reduce_population_count(gt)
        return (sg, cg)

    sumv, cntg = lax.fori_loop(0, nchunk // 6, body_sum,
                               (jnp.zeros((16,), jnp.float32),
                                jnp.zeros((16,), jnp.int32)))

    i16 = lax.iota(jnp.int32, 16)
    misc = jnp.where(i16 == 0, t_f,
                     jnp.where(i16 == 1, cntg.astype(jnp.float32),
                               jnp.where(i16 == 2, k3.astype(jnp.float32),
                                         0.0)))
    res_v[pl.ds(0, 16)] = possum
    res_v[pl.ds(16, 16)] = sumv
    res_v[pl.ds(32, 16)] = misc
    pltpu.sync_copy(res_v, out_hbm.at[wid])


def _combine_kernel(sc_ref, npos_ref, loc_sum_ref, conf_out_ref, loc_out_ref):
    sc = sc_ref[...]
    pos_t = jnp.sum(sc[:, 0:16], keepdims=True).reshape(1, 1)
    sum_gt = jnp.sum(sc[:, 16:32], axis=1, keepdims=True)
    t = sc[:, 32:33]
    cnt_gt = sc[:, 33:34]
    k3 = sc[:, 34:35]
    hard = sum_gt + (k3 - cnt_gt) * t
    hard_t = jnp.sum(hard, keepdims=True).reshape(1, 1)
    npos = npos_ref[...].reshape(B, 1)
    n_total = jnp.sum(npos, keepdims=True).astype(jnp.float32)
    loc_t = jnp.sum(loc_sum_ref[...], keepdims=True).reshape(1, 1)
    conf_out_ref[...] = (hard_t + pos_t) / n_total
    loc_out_ref[...] = loc_t / (4.0 * n_total)


def kernel(predicted_locs, predicted_scores, boxes, labels, priors_cxcy):
    plocs_t = jnp.transpose(predicted_locs, (0, 2, 1))
    boxes_t = jnp.transpose(boxes, (0, 2, 1))
    labelsf = labels.astype(jnp.float32).reshape(B, 1, N_OBJ)

    pt = jnp.transpose(priors_cxcy, (1, 0))
    pcx, pcy, pw, ph = pt[0:1], pt[1:2], pt[2:3], pt[3:4]
    px0 = pcx - pw * 0.5
    py0 = pcy - ph * 0.5
    px1 = pcx + pw * 0.5
    py1 = pcy + ph * 0.5
    priors_pack = jnp.concatenate(
        [pcx, pcy, px0, py0, px1, py1,
         (px1 - px0) * (py1 - py0),
         10.0 / pw, 10.0 / ph,
         5.0 * jnp.log(pw), 5.0 * jnp.log(ph),
         jnp.zeros((5, P), jnp.float32)], axis=0)

    u_signed, loc_sums, npos = pl.pallas_call(
        _image_kernel,
        grid=(B,),
        in_specs=[
            pl.BlockSpec((1, N_OBJ, 4), lambda i: (i, 0, 0)),
            pl.BlockSpec((1, 4, N_OBJ), lambda i: (i, 0, 0)),
            pl.BlockSpec((1, 1, N_OBJ), lambda i: (i, 0, 0)),
            pl.BlockSpec((16, P), lambda i: (0, 0)),
            pl.BlockSpec((1, 4, P), lambda i: (i, 0, 0)),
            pl.BlockSpec((1, P, N_CLASSES), lambda i: (i, 0, 0)),
        ],
        out_specs=[
            pl.BlockSpec((1, 1, PP), lambda i: (i, 0, 0)),
            pl.BlockSpec((1, 1, 1), lambda i: (i, 0, 0)),
            pl.BlockSpec((1, 1, 1), lambda i: (i, 0, 0)),
        ],
        out_shape=[
            jax.ShapeDtypeStruct((B, 1, PP), jnp.float32),
            jax.ShapeDtypeStruct((B, 1, 1), jnp.float32),
            jax.ShapeDtypeStruct((B, 1, 1), jnp.int32),
        ],
    )(boxes, boxes_t, labelsf, priors_pack, plocs_t, predicted_scores)

    sc_mine = functools.partial(
        pl.kernel,
        out_type=jax.ShapeDtypeStruct((B, 48), jnp.float32),
        mesh=plsc.VectorSubcoreMesh(core_axis_name="c", subcore_axis_name="s"),
        compiler_params=pltpu.CompilerParams(needs_layout_passes=False),
        scratch_types=[
            pltpu.VMEM((PP,), jnp.float32),
            pltpu.VMEM((PP,), jnp.float32),
            pltpu.VMEM((48,), jnp.float32),
            pltpu.SemaphoreType.DMA,
        ],
    )(_sc_mine_kernel)
    sc_out = sc_mine(u_signed.reshape(B, PP))

    conf_loss, loc_loss = pl.pallas_call(
        _combine_kernel,
        in_specs=[
            pl.BlockSpec((B, 48), lambda: (0, 0)),
            pl.BlockSpec((B, 1, 1), lambda: (0, 0, 0)),
            pl.BlockSpec((B, 1, 1), lambda: (0, 0, 0)),
        ],
        out_specs=[
            pl.BlockSpec((1, 1), lambda: (0, 0)),
            pl.BlockSpec((1, 1), lambda: (0, 0)),
        ],
        out_shape=[
            jax.ShapeDtypeStruct((1, 1), jnp.float32),
            jax.ShapeDtypeStruct((1, 1), jnp.float32),
        ],
    )(sc_out, npos, loc_sums)

    return (conf_loss[0, 0], ALPHA * loc_loss[0, 0])

# --- scband reference (transcript-rebuilt; emitter-appended) ---
"""Pipeline reference for scband-multi-box-loss-71708773974165 (READ-ONLY COPY).

The authoritative reference and input builder live on the scoring server;
editing this copy changes nothing except your own understanding.
"""

import jax, jax.numpy as jnp
import numpy as np
from math import sqrt

B = 32
N_OBJ = 16
N_CLASSES = 81
THRESHOLD = 0.5
NEG_POS_RATIO = 3
ALPHA = 1.0


def create_priors():
    fmaps = [38, 19, 10, 5, 3, 1]
    scales = [0.1, 0.2, 0.375, 0.55, 0.725, 0.9]
    ars = [[1.0, 2.0, 0.5],
           [1.0, 2.0, 3.0, 0.5, 1.0 / 3.0],
           [1.0, 2.0, 3.0, 0.5, 1.0 / 3.0],
           [1.0, 2.0, 3.0, 0.5, 1.0 / 3.0],
           [1.0, 2.0, 0.5],
           [1.0, 2.0, 0.5]]
    priors = []
    for k, fd in enumerate(fmaps):
        for i in range(fd):
            for j in range(fd):
                cx = (j + 0.5) / fd
                cy = (i + 0.5) / fd
                for ar in ars[k]:
                    priors.append([cx, cy, scales[k] * sqrt(ar), scales[k] / sqrt(ar)])
                    if ar == 1.0:
                        s = sqrt(scales[k] * scales[k + 1]) if k + 1 < len(fmaps) else 1.0
                        priors.append([cx, cy, s, s])
    return np.clip(np.asarray(priors, dtype=np.float32), 0.0, 1.0)


def cxcy_to_xy(c):
    return jnp.concatenate([c[..., :2] - c[..., 2:] / 2.0, c[..., :2] + c[..., 2:] / 2.0], axis=-1)


def xy_to_cxcy(xy):
    return jnp.concatenate([(xy[..., :2] + xy[..., 2:]) / 2.0, xy[..., 2:] - xy[..., :2]], axis=-1)


def cxcy_to_gcxgcy(c, p):
    return jnp.concatenate([(c[..., :2] - p[..., :2]) / (p[..., 2:] / 10.0),
                            jnp.log(c[..., 2:] / p[..., 2:]) * 5.0], axis=-1)


def jaccard(a, b):
    lo = jnp.maximum(a[:, None, :2], b[None, :, :2])
    hi = jnp.minimum(a[:, None, 2:], b[None, :, 2:])
    inter = jnp.clip(hi - lo, 0.0, None).prod(-1)
    area_a = (a[:, 2] - a[:, 0]) * (a[:, 3] - a[:, 1])
    area_b = (b[:, 2] - b[:, 0]) * (b[:, 3] - b[:, 1])
    return inter / (area_a[:, None] + area_b[None, :] - inter)


def setup_inputs(seed: int = 0):
    key = jax.random.key(seed)
    k1, k2, k3, k4, k5 = jax.random.split(key, 5)
    priors_cxcy = jnp.asarray(create_priors())
    P = priors_cxcy.shape[0]
    predicted_locs = jax.random.normal(k1, (B, P, 4), dtype=jnp.float32)
    predicted_scores = jax.random.normal(k2, (B, P, N_CLASSES), dtype=jnp.float32)
    centers = jax.random.uniform(k3, (B, N_OBJ, 2), minval=0.2, maxval=0.8)
    sizes = jax.random.uniform(k4, (B, N_OBJ, 2), minval=0.05, maxval=0.3)
    boxes = jnp.concatenate([centers - sizes / 2.0, centers + sizes / 2.0], axis=-1).astype(jnp.float32)
    labels = jax.random.randint(k5, (B, N_OBJ), 1, N_CLASSES)
    return {"predicted_locs": predicted_locs, "predicted_scores": predicted_scores,
            "boxes": boxes, "labels": labels, "priors_cxcy": priors_cxcy}


def _match(boxes_i, labels_i, priors_xy, priors_cxcy):
    overlap = jaccard(boxes_i, priors_xy)
    overlap_for_each_prior = overlap.max(axis=0)
    object_index_for_each_prior = overlap.argmax(axis=0)
    prior_index_for_each_object = overlap.argmax(axis=1)
    object_index_for_each_prior = object_index_for_each_prior.at[prior_index_for_each_object].set(
        jnp.arange(boxes_i.shape[0]))
    overlap_for_each_prior = overlap_for_each_prior.at[prior_index_for_each_object].set(1.0)
    label_for_each_prior = labels_i[object_index_for_each_prior]
    label_for_each_prior = jnp.where(overlap_for_each_prior < THRESHOLD, 0, label_for_each_prior)
    true_locs_i = cxcy_to_gcxgcy(xy_to_cxcy(boxes_i[object_index_for_each_prior]), priors_cxcy)
    return true_locs_i, label_for_each_prior


def _smooth_l1(d):
    ad = jnp.abs(d)
    return jnp.where(ad < 1.0, 0.5 * d * d, ad - 0.5)


def reference(predicted_locs, predicted_scores, boxes, labels, priors_cxcy):
    priors_xy = cxcy_to_xy(priors_cxcy)
    true_locs, true_classes = jax.vmap(_match, in_axes=(0, 0, None, None))(boxes, labels, priors_xy, priors_cxcy)
    pos = true_classes > 0
    n_positives = pos.sum(axis=1)
    n_pos_total = pos.sum().astype(jnp.float32)
    # SmoothL1Loss(reduction='mean') over the positive-prior selection -> sum / (num_pos*4)
    loc_loss = (_smooth_l1(predicted_locs - true_locs) * pos[..., None].astype(jnp.float32)).sum() / (4.0 * n_pos_total)
    logp = jax.nn.log_softmax(predicted_scores, axis=-1)
    conf_loss_all = -jnp.take_along_axis(logp, true_classes[..., None], axis=-1)[..., 0]
    conf_loss_pos = (conf_loss_all * pos.astype(jnp.float32)).sum()
    conf_loss_neg = jnp.where(pos, 0.0, conf_loss_all)
    conf_loss_neg_sorted = -jnp.sort(-conf_loss_neg, axis=1)
    P = conf_loss_neg.shape[1]
    hard_negatives = jnp.arange(P)[None, :] < (NEG_POS_RATIO * n_positives)[:, None]
    conf_loss_hard_neg = (conf_loss_neg_sorted * hard_negatives.astype(jnp.float32)).sum()
    conf_loss = (conf_loss_hard_neg + conf_loss_pos) / n_pos_total
    return (conf_loss, ALPHA * loc_loss)

if __name__ == "__main__":
    import jax
    _d = setup_inputs()
    print(jax.jit(kernel)(*tuple(_d.values())))

</pallas_src>

<mosaic_0001>
#map = affine_map<(d0, d1) -> (0, 0)>
module attributes {stable_mosaic.version = 14 : i64} {
  func.func @_sc_mine_kernel(%arg0: i32, %arg1: i32, %arg2: memref<32x8736xf32, #tpu.memory_space<hbm>>, %arg3: memref<32x48xf32, #tpu.memory_space<hbm>>, %arg4: memref<8736xf32, #tpu.memory_space<vmem>>, %arg5: memref<8736xf32, #tpu.memory_space<vmem>>, %arg6: memref<48xf32, #tpu.memory_space<vmem>>, %arg7: memref<!tpu.dma_semaphore, #tpu.memory_space<semaphore_mem>>) attributes {dimension_semantics = [#tpu.dimension_semantics<core_parallel>, #tpu.dimension_semantics<subcore_parallel>], iteration_bounds = array<i64: 2, 16>, scalar_prefetch = 0 : i64, scratch_operands = 4 : i64, tpu.core_type = #tpu.core_type<sc_vector_subcore>, window_params = [{transform_indices = #map}, {transform_indices = #map}]} {
    %mul3A = arith.constant 2 : i32
    %mul3A_0 = arith.muli %arg1, %mul3A : i32
    %add3A = arith.addi %mul3A_0, %arg0 : i32
    "tpu.region"() ({
      %run_scoped3A = tpu.sem_alloc : memref<!tpu.dma_semaphore, #tpu.memory_space<semaphore_mem>>
      %dma_start3A = arith.constant 0 : i32
      %dma_start3A_234 = tpu.memref_slice %arg2[%add3A, %dma_start3A] : memref<32x8736xf32, #tpu.memory_space<hbm>> -> memref<1x8736xf32, #tpu.memory_space<hbm>>
      %dma_start3A_235 = tpu.memref_squeeze %dma_start3A_234 : memref<1x8736xf32, #tpu.memory_space<hbm>> -> memref<8736xf32, #tpu.memory_space<hbm>>
      %dma_start3A_236 = arith.constant 0 : i32
      %dma_start3A_237 = tpu.memref_slice %arg2[%add3A, %dma_start3A_236] : memref<32x8736xf32, #tpu.memory_space<hbm>> -> memref<1x8736xf32, #tpu.memory_space<hbm>>
      %dma_start3A_238 = tpu.memref_squeeze %dma_start3A_237 : memref<1x8736xf32, #tpu.memory_space<hbm>> -> memref<8736xf32, #tpu.memory_space<hbm>>
      tpu.enqueue_dma source(%dma_start3A_238 : memref<8736xf32, #tpu.memory_space<hbm>>) target(%arg4 : memref<8736xf32, #tpu.memory_space<vmem>>) target_semaphore(%run_scoped3A : memref<!tpu.dma_semaphore, #tpu.memory_space<semaphore_mem>>)
      %dma_wait3A = arith.constant 0 : i32
      %dma_wait3A_239 = tpu.memref_slice %arg2[%add3A, %dma_wait3A] : memref<32x8736xf32, #tpu.memory_space<hbm>> -> memref<1x8736xf32, #tpu.memory_space<hbm>>
      %dma_wait3A_240 = tpu.memref_squeeze %dma_wait3A_239 : memref<1x8736xf32, #tpu.memory_space<hbm>> -> memref<8736xf32, #tpu.memory_space<hbm>>
      %dma_wait3A_241 = arith.constant 0 : i32
      %dma_wait3A_242 = tpu.memref_slice %arg2[%add3A, %dma_wait3A_241] : memref<32x8736xf32, #tpu.memory_space<hbm>> -> memref<1x8736xf32, #tpu.memory_space<hbm>>
      %dma_wait3A_243 = tpu.memref_squeeze %dma_wait3A_242 : memref<1x8736xf32, #tpu.memory_space<hbm>> -> memref<8736xf32, #tpu.memory_space<hbm>>
      tpu.wait_dma2 semaphore(%run_scoped3A : memref<!tpu.dma_semaphore, #tpu.memory_space<semaphore_mem>>) src(%dma_wait3A_243 : memref<8736xf32, #tpu.memory_space<hbm>>) dst(%arg4 : memref<8736xf32, #tpu.memory_space<vmem>>)
      tpu.yield
    }) : () -> ()
    %broadcast_in_dim3A = arith.constant 0.000000e+00 : f32
    %broadcast_in_dim3A_1 = vector.broadcast %broadcast_in_dim3A : f32 to vector<16xf32>
    %broadcast_in_dim3A_2 = arith.constant 0 : i32
    %broadcast_in_dim3A_3 = vector.broadcast %broadcast_in_dim3A_2 : i32 to vector<16xi32>
    %scan3A = arith.constant 0 : i32
    %scan3A_4 = arith.constant 91 : i32
    %scan3A_5 = arith.addi %scan3A, %scan3A_4 : i32
    %scan3A_6 = arith.constant 1 : i32
    %scan3A_7:2 = scf.for %scan3A_234 = %scan3A to %scan3A_5 step %scan3A_6 iter_args(%scan3A_235 = %broadcast_in_dim3A_1, %scan3A_236 = %broadcast_in_dim3A_3) -> (vector<16xf32>, vector<16xi32>)  : i32 {
      %mul3A_237 = arith.constant 6 : i32
      %mul3A_238 = arith.muli %scan3A_234, %mul3A_237 : i32
      %add3A_239 = arith.constant 0 : i32
      %add3A_240 = arith.addi %mul3A_238, %add3A_239 : i32
      %mul3A_241 = arith.constant 16 : i32
      %mul3A_242 = arith.muli %add3A_240, %mul3A_241 : i32
      %get3A = arith.index_cast %mul3A_242 : i32 to index
      %get3A_243 = tpu.vector_load %arg4[%get3A] {strides = array<i32>} : memref<8736xf32, #tpu.memory_space<vmem>>, vector<16xf32>,
      %abs3A = math.absf %get3A_243 : vector<16xf32>
      %bitcast3A_244 = vector.bitcast %abs3A : vector<16xf32> to vector<16xi32>
      %shift_right_arithmetic3A = arith.constant 23 : i32
      %shift_right_arithmetic3A_245 = vector.broadcast %shift_right_arithmetic3A : i32 to vector<16xi32>
      %shift_right_arithmetic3A_246 = arith.shrsi %bitcast3A_244, %shift_right_arithmetic3A_245 : vector<16xi32>
      %sub3A = arith.constant 127 : i32
      %sub3A_247 = vector.broadcast %sub3A : i32 to vector<16xi32>
      %sub3A_248 = arith.subi %shift_right_arithmetic3A_246, %sub3A_247 : vector<16xi32>
      %convert_element_type3A_249 = arith.sitofp %sub3A_248 : vector<16xi32> to vector<16xf32>
      %and3A = arith.constant 8388607 : i32
      %and3A_250 = vector.broadcast %and3A : i32 to vector<16xi32>
      %and3A_251 = arith.andi %bitcast3A_244, %and3A_250 : vector<16xi32>
      %or3A_252 = arith.constant 1065353216 : i32
      %or3A_253 = vector.broadcast %or3A_252 : i32 to vector<16xi32>
      %or3A_254 = arith.ori %and3A_251, %or3A_253 : vector<16xi32>
      %bitcast3A_255 = vector.bitcast %or3A_254 : vector<16xi32> to vector<16xf32>
      %sub3A_256 = arith.constant 1.000000e+00 : f32
      %sub3A_257 = vector.broadcast %sub3A_256 : f32 to vector<16xf32>
      %sub3A_258 = arith.subf %bitcast3A_255, %sub3A_257 : vector<16xf32>
      %mul3A_259 = arith.constant -0.0260673184 : f32
      %mul3A_260 = vector.broadcast %mul3A_259 : f32 to vector<16xf32>
      %mul3A_261 = arith.mulf %mul3A_260, %sub3A_258 : vector<16xf32>
      %add3A_262 = arith.constant 0.121916875 : f32
      %add3A_263 = vector.broadcast %add3A_262 : f32 to vector<16xf32>
      %add3A_264 = arith.addf %mul3A_261, %add3A_263 : vector<16xf32>
      %mul3A_265 = arith.mulf %add3A_264, %sub3A_258 : vector<16xf32>
      %add3A_266 = arith.constant -0.2773678 : f32
      %add3A_267 = vector.broadcast %add3A_266 : f32 to vector<16xf32>
      %add3A_268 = arith.addf %mul3A_265, %add3A_267 : vector<16xf32>
      %mul3A_269 = arith.mulf %add3A_268, %sub3A_258 : vector<16xf32>
      %add3A_270 = arith.constant 0.456895411 : f32
      %add3A_271 = vector.broadcast %add3A_270 : f32 to vector<16xf32>
      %add3A_272 = arith.addf %mul3A_269, %add3A_271 : vector<16xf32>
      %mul3A_273 = arith.mulf %add3A_272, %sub3A_258 : vector<16xf32>
      %add3A_274 = arith.constant -0.717898607 : f32
      %add3A_275 = vector.broadcast %add3A_274 : f32 to vector<16xf32>
      %add3A_276 = arith.addf %mul3A_273, %add3A_275 : vector<16xf32>
      %mul3A_277 = arith.mulf %add3A_276, %sub3A_258 : vector<16xf32>
      %add3A_278 = arith.constant 1.44251704 : f32
      %add3A_279 = vector.broadcast %add3A_278 : f32 to vector<16xf32>
      %add3A_280 = arith.addf %mul3A_277, %add3A_279 : vector<16xf32>
      %mul3A_281 = arith.mulf %add3A_280, %sub3A_258 : vector<16xf32>
      %add3A_282 = arith.addf %convert_element_type3A_249, %mul3A_281 : vector<16xf32>
      %mul3A_283 = arith.constant 0.693147182 : f32
      %mul3A_284 = vector.broadcast %mul3A_283 : f32 to vector<16xf32>
      %mul3A_285 = arith.mulf %add3A_282, %mul3A_284 : vector<16xf32>
      %max3A = arith.constant 0.000000e+00 : f32
      %max3A_286 = vector.broadcast %max3A : f32 to vector<16xf32>
      %max3A_287 = arith.maximumf %mul3A_285, %max3A_286 : vector<16xf32>
      %lt3A = arith.constant 0.000000e+00 : f32
      %lt3A_288 = vector.broadcast %lt3A : f32 to vector<16xf32>
      %lt3A_289 = arith.cmpf olt, %get3A_243, %lt3A_288 : vector<16xf32>
      %jit3A_290 = arith.constant 0.000000e+00 : f32
      %broadcast_in_dim3A_291 = vector.broadcast %jit3A_290 : f32 to vector<16xf32>
      %select_n3A_292 = arith.select %lt3A_289, %broadcast_in_dim3A_291, %max3A_287 : vector<16xi1>, vector<16xf32>
      %mul3A_293 = arith.constant 6 : i32
      %mul3A_294 = arith.muli %scan3A_234, %mul3A_293 : i32
      %add3A_295 = arith.constant 0 : i32
      %add3A_296 = arith.addi %mul3A_294, %add3A_295 : i32
      %mul3A_297 = arith.constant 16 : i32
      %mul3A_298 = arith.muli %add3A_296, %mul3A_297 : i32
      %swap3A_299 = arith.index_cast %mul3A_298 : i32 to index
      %swap3A_300 = tpu.vector_load %arg5[%swap3A_299] {strides = array<i32>} : memref<8736xf32, #tpu.memory_space<vmem>>, vector<16xf32>,
      tpu.vector_store %arg5[%swap3A_299], %select_n3A_292 {strides = array<i32>} : memref<8736xf32, #tpu.memory_space<vmem>>, vector<16xf32>,
      %jit3A_301 = arith.constant 0.000000e+00 : f32
      %broadcast_in_dim3A_302 = vector.broadcast %jit3A_301 : f32 to vector<16xf32>
      %select_n3A_303 = arith.select %lt3A_289, %max3A_287, %broadcast_in_dim3A_302 : vector<16xi1>, vector<16xf32>
      %add3A_304 = arith.addf %scan3A_235, %select_n3A_303 : vector<16xf32>
      %all_reduce_population_count3A = tpu.all_reduce %lt3A_289 {dim = 0 : i64, kind = #tpu.reduction_kind<sum>} : vector<16xi1> -> vector<16xi32>
      %add3A_305 = arith.addi %scan3A_236, %all_reduce_population_count3A : vector<16xi32>
      %mul3A_306 = arith.constant 6 : i32
      %mul3A_307 = arith.muli %scan3A_234, %mul3A_306 : i32
      %add3A_308 = arith.constant 1 : i32
      %add3A_309 = arith.addi %mul3A_307, %add3A_308 : i32
      %mul3A_310 = arith.constant 16 : i32
      %mul3A_311 = arith.muli %add3A_309, %mul3A_310 : i32
      %get3A_312 = arith.index_cast %mul3A_311 : i32 to index
      %get3A_313 = tpu.vector_load %arg4[%get3A_312] {strides = array<i32>} : memref<8736xf32, #tpu.memory_space<vmem>>, vector<16xf32>,
      %abs3A_314 = math.absf %get3A_313 : vector<16xf32>
      %bitcast3A_315 = vector.bitcast %abs3A_314 : vector<16xf32> to vector<16xi32>
      %shift_right_arithmetic3A_316 = arith.constant 23 : i32
      %shift_right_arithmetic3A_317 = vector.broadcast %shift_right_arithmetic3A_316 : i32 to vector<16xi32>
      %shift_right_arithmetic3A_318 = arith.shrsi %bitcast3A_315, %shift_right_arithmetic3A_317 : vector<16xi32>
      %sub3A_319 = arith.constant 127 : i32
      %sub3A_320 = vector.broadcast %sub3A_319 : i32 to vector<16xi32>
      %sub3A_321 = arith.subi %shift_right_arithmetic3A_318, %sub3A_320 : vector<16xi32>
      %convert_element_type3A_322 = arith.sitofp %sub3A_321 : vector<16xi32> to vector<16xf32>
      %and3A_323 = arith.constant 8388607 : i32
      %and3A_324 = vector.broadcast %and3A_323 : i32 to vector<16xi32>
      %and3A_325 = arith.andi %bitcast3A_315, %and3A_324 : vector<16xi32>
      %or3A_326 = arith.constant 1065353216 : i32
      %or3A_327 = vector.broadcast %or3A_326 : i32 to vector<16xi32>
      %or3A_328 = arith.ori %and3A_325, %or3A_327 : vector<16xi32>
      %bitcast3A_329 = vector.bitcast %or3A_328 : vector<16xi32> to vector<16xf32>
      %sub3A_330 = arith.constant 1.000000e+00 : f32
      %sub3A_331 = vector.broadcast %sub3A_330 : f32 to vector<16xf32>
      %sub3A_332 = arith.subf %bitcast3A_329, %sub3A_331 : vector<16xf32>
      %mul3A_333 = arith.constant -0.0260673184 : f32
      %mul3A_334 = vector.broadcast %mul3A_333 : f32 to vector<16xf32>
      %mul3A_335 = arith.mulf %mul3A_334, %sub3A_332 : vector<16xf32>
      %add3A_336 = arith.constant 0.121916875 : f32
      %add3A_337 = vector.broadcast %add3A_336 : f32 to vector<16xf32>
      %add3A_338 = arith.addf %mul3A_335, %add3A_337 : vector<16xf32>
      %mul3A_339 = arith.mulf %add3A_338, %sub3A_332 : vector<16xf32>
      %add3A_340 = arith.constant -0.2773678 : f32
      %add3A_341 = vector.broadcast %add3A_340 : f32 to vector<16xf32>
      %add3A_342 = arith.addf %mul3A_339, %add3A_341 : vector<16xf32>
      %mul3A_343 = arith.mulf %add3A_342, %sub3A_332 : vector<16xf32>
      %add3A_344 = arith.constant 0.456895411 : f32
      %add3A_345 = vector.broadcast %add3A_344 : f32 to vector<16xf32>
      %add3A_346 = arith.addf %mul3A_343, %add3A_345 : vector<16xf32>
      %mul3A_347 = arith.mulf %add3A_346, %sub3A_332 : vector<16xf32>
      %add3A_348 = arith.constant -0.717898607 : f32
      %add3A_349 = vector.broadcast %add3A_348 : f32 to vector<16xf32>
      %add3A_350 = arith.addf %mul3A_347, %add3A_349 : vector<16xf32>
      %mul3A_351 = arith.mulf %add3A_350, %sub3A_332 : vector<16xf32>
      %add3A_352 = arith.constant 1.44251704 : f32
      %add3A_353 = vector.broadcast %add3A_352 : f32 to vector<16xf32>
      %add3A_354 = arith.addf %mul3A_351, %add3A_353 : vector<16xf32>
      %mul3A_355 = arith.mulf %add3A_354, %sub3A_332 : vector<16xf32>
      %add3A_356 = arith.addf %convert_element_type3A_322, %mul3A_355 : vector<16xf32>
      %mul3A_357 = arith.constant 0.693147182 : f32
      %mul3A_358 = vector.broadcast %mul3A_357 : f32 to vector<16xf32>
      %mul3A_359 = arith.mulf %add3A_356, %mul3A_358 : vector<16xf32>
      %max3A_360 = arith.constant 0.000000e+00 : f32
      %max3A_361 = vector.broadcast %max3A_360 : f32 to vector<16xf32>
      %max3A_362 = arith.maximumf %mul3A_359, %max3A_361 : vector<16xf32>
      %lt3A_363 = arith.constant 0.000000e+00 : f32
      %lt3A_364 = vector.broadcast %lt3A_363 : f32 to vector<16xf32>
      %lt3A_365 = arith.cmpf olt, %get3A_313, %lt3A_364 : vector<16xf32>
      %jit3A_366 = arith.constant 0.000000e+00 : f32
      %broadcast_in_dim3A_367 = vector.broadcast %jit3A_366 : f32 to vector<16xf32>
      %select_n3A_368 = arith.select %lt3A_365, %broadcast_in_dim3A_367, %max3A_362 : vector<16xi1>, vector<16xf32>
      %mul3A_369 = arith.constant 6 : i32
      %mul3A_370 = arith.muli %scan3A_234, %mul3A_369 : i32
      %add3A_371 = arith.constant 1 : i32
      %add3A_372 = arith.addi %mul3A_370, %add3A_371 : i32
      %mul3A_373 = arith.constant 16 : i32
      %mul3A_374 = arith.muli %add3A_372, %mul3A_373 : i32
      %swap3A_375 = arith.index_cast %mul3A_374 : i32 to index
      %swap3A_376 = tpu.vector_load %arg5[%swap3A_375] {strides = array<i32>} : memref<8736xf32, #tpu.memory_space<vmem>>, vector<16xf32>,
      tpu.vector_store %arg5[%swap3A_375], %select_n3A_368 {strides = array<i32>} : memref<8736xf32, #tpu.memory_space<vmem>>, vector<16xf32>,
      %jit3A_377 = arith.constant 0.000000e+00 : f32
      %broadcast_in_dim3A_378 = vector.broadcast %jit3A_377 : f32 to vector<16xf32>
      %select_n3A_379 = arith.select %lt3A_365, %max3A_362, %broadcast_in_dim3A_378 : vector<16xi1>, vector<16xf32>
      %add3A_380 = arith.addf %add3A_304, %select_n3A_379 : vector<16xf32>
      %all_reduce_population_count3A_381 = tpu.all_reduce %lt3A_365 {dim = 0 : i64, kind = #tpu.reduction_kind<sum>} : vector<16xi1> -> vector<16xi32>
      %add3A_382 = arith.addi %add3A_305, %all_reduce_population_count3A_381 : vector<16xi32>
      %mul3A_383 = arith.constant 6 : i32
      %mul3A_384 = arith.muli %scan3A_234, %mul3A_383 : i32
      %add3A_385 = arith.constant 2 : i32
      %add3A_386 = arith.addi %mul3A_384, %add3A_385 : i32
      %mul3A_387 = arith.constant 16 : i32
      %mul3A_388 = arith.muli %add3A_386, %mul3A_387 : i32
      %get3A_389 = arith.index_cast %mul3A_388 : i32 to index
      %get3A_390 = tpu.vector_load %arg4[%get3A_389] {strides = array<i32>} : memref<8736xf32, #tpu.memory_space<vmem>>, vector<16xf32>,
      %abs3A_391 = math.absf %get3A_390 : vector<16xf32>
      %bitcast3A_392 = vector.bitcast %abs3A_391 : vector<16xf32> to vector<16xi32>
      %shift_right_arithmetic3A_393 = arith.constant 23 : i32
      %shift_right_arithmetic3A_394 = vector.broadcast %shift_right_arithmetic3A_393 : i32 to vector<16xi32>
      %shift_right_arithmetic3A_395 = arith.shrsi %bitcast3A_392, %shift_right_arithmetic3A_394 : vector<16xi32>
      %sub3A_396 = arith.constant 127 : i32
      %sub3A_397 = vector.broadcast %sub3A_396 : i32 to vector<16xi32>
      %sub3A_398 = arith.subi %shift_right_arithmetic3A_395, %sub3A_397 : vector<16xi32>
      %convert_element_type3A_399 = arith.sitofp %sub3A_398 : vector<16xi32> to vector<16xf32>
      %and3A_400 = arith.constant 8388607 : i32
      %and3A_401 = vector.broadcast %and3A_400 : i32 to vector<16xi32>
      %and3A_402 = arith.andi %bitcast3A_392, %and3A_401 : vector<16xi32>
      %or3A_403 = arith.constant 1065353216 : i32
      %or3A_404 = vector.broadcast %or3A_403 : i32 to vector<16xi32>
      %or3A_405 = arith.ori %and3A_402, %or3A_404 : vector<16xi32>
      %bitcast3A_406 = vector.bitcast %or3A_405 : vector<16xi32> to vector<16xf32>
      %sub3A_407 = arith.constant 1.000000e+00 : f32
      %sub3A_408 = vector.broadcast %sub3A_407 : f32 to vector<16xf32>
      %sub3A_409 = arith.subf %bitcast3A_406, %sub3A_408 : vector<16xf32>
      %mul3A_410 = arith.constant -0.0260673184 : f32
      %mul3A_411 = vector.broadcast %mul3A_410 : f32 to vector<16xf32>
      %mul3A_412 = arith.mulf %mul3A_411, %sub3A_409 : vector<16xf32>
      %add3A_413 = arith.constant 0.121916875 : f32
      %add3A_414 = vector.broadcast %add3A_413 : f32 to vector<16xf32>
      %add3A_415 = arith.addf %mul3A_412, %add3A_414 : vector<16xf32>
      %mul3A_416 = arith.mulf %add3A_415, %sub3A_409 : vector<16xf32>
      %add3A_417 = arith.constant -0.2773678 : f32
      %add3A_418 = vector.broadcast %add3A_417 : f32 to vector<16xf32>
      %add3A_419 = arith.addf %mul3A_416, %add3A_418 : vector<16xf32>
      %mul3A_420 = arith.mulf %add3A_419, %sub3A_409 : vector<16xf32>
      %add3A_421 = arith.constant 0.456895411 : f32
      %add3A_422 = vector.broadcast %add3A_421 : f32 to vector<16xf32>
      %add3A_423 = arith.addf %mul3A_420, %add3A_422 : vector<16xf32>
      %mul3A_424 = arith.mulf %add3A_423, %sub3A_409 : vector<16xf32>
      %add3A_425 = arith.constant -0.717898607 : f32
      %add3A_426 = vector.broadcast %add3A_425 : f32 to vector<16xf32>
      %add3A_427 = arith.addf %mul3A_424, %add3A_426 : vector<16xf32>
      %mul3A_428 = arith.mulf %add3A_427, %sub3A_409 : vector<16xf32>
      %add3A_429 = arith.constant 1.44251704 : f32
      %add3A_430 = vector.broadcast %add3A_429 : f32 to vector<16xf32>
      %add3A_431 = arith.addf %mul3A_428, %add3A_430 : vector<16xf32>
      %mul3A_432 = arith.mulf %add3A_431, %sub3A_409 : vector<16xf32>
      %add3A_433 = arith.addf %convert_element_type3A_399, %mul3A_432 : vector<16xf32>
      %mul3A_434 = arith.constant 0.693147182 : f32
      %mul3A_435 = vector.broadcast %mul3A_434 : f32 to vector<16xf32>
      %mul3A_436 = arith.mulf %add3A_433, %mul3A_435 : vector<16xf32>
      %max3A_437 = arith.constant 0.000000e+00 : f32
      %max3A_438 = vector.broadcast %max3A_437 : f32 to vector<16xf32>
      %max3A_439 = arith.maximumf %mul3A_436, %max3A_438 : vector<16xf32>
      %lt3A_440 = arith.constant 0.000000e+00 : f32
      %lt3A_441 = vector.broadcast %lt3A_440 : f32 to vector<16xf32>
      %lt3A_442 = arith.cmpf olt, %get3A_390, %lt3A_441 : vector<16xf32>
      %jit3A_443 = arith.constant 0.000000e+00 : f32
      %broadcast_in_dim3A_444 = vector.broadcast %jit3A_443 : f32 to vector<16xf32>
      %select_n3A_445 = arith.select %lt3A_442, %broadcast_in_dim3A_444, %max3A_439 : vector<16xi1>, vector<16xf32>
      %mul3A_446 = arith.constant 6 : i32
      %mul3A_447 = arith.muli %scan3A_234, %mul3A_446 : i32
      %add3A_448 = arith.constant 2 : i32
      %add3A_449 = arith.addi %mul3A_447, %add3A_448 : i32
      %mul3A_450 = arith.constant 16 : i32
      %mul3A_451 = arith.muli %add3A_449, %mul3A_450 : i32
      %swap3A_452 = arith.index_cast %mul3A_451 : i32 to index
      %swap3A_453 = tpu.vector_load %arg5[%swap3A_452] {strides = array<i32>} : memref<8736xf32, #tpu.memory_space<vmem>>, vector<16xf32>,
      tpu.vector_store %arg5[%swap3A_452], %select_n3A_445 {strides = array<i32>} : memref<8736xf32, #tpu.memory_space<vmem>>, vector<16xf32>,
      %jit3A_454 = arith.constant 0.000000e+00 : f32
      %broadcast_in_dim3A_455 = vector.broadcast %jit3A_454 : f32 to vector<16xf32>
      %select_n3A_456 = arith.select %lt3A_442, %max3A_439, %broadcast_in_dim3A_455 : vector<16xi1>, vector<16xf32>
      %add3A_457 = arith.addf %add3A_380, %select_n3A_456 : vector<16xf32>
      %all_reduce_population_count3A_458 = tpu.all_reduce %lt3A_442 {dim = 0 : i64, kind = #tpu.reduction_kind<sum>} : vector<16xi1> -> vector<16xi32>
      %add3A_459 = arith.addi %add3A_382, %all_reduce_population_count3A_458 : vector<16xi32>
      %mul3A_460 = arith.constant 6 : i32
      %mul3A_461 = arith.muli %scan3A_234, %mul3A_460 : i32
      %add3A_462 = arith.constant 3 : i32
      %add3A_463 = arith.addi %mul3A_461, %add3A_462 : i32
      %mul3A_464 = arith.constant 16 : i32
      %mul3A_465 = arith.muli %add3A_463, %mul3A_464 : i32
      %get3A_466 = arith.index_cast %mul3A_465 : i32 to index
      %get3A_467 = tpu.vector_load %arg4[%get3A_466] {strides = array<i32>} : memref<8736xf32, #tpu.memory_space<vmem>>, vector<16xf32>,
      %abs3A_468 = math.absf %get3A_467 : vector<16xf32>
      %bitcast3A_469 = vector.bitcast %abs3A_468 : vector<16xf32> to vector<16xi32>
      %shift_right_arithmetic3A_470 = arith.constant 23 : i32
      %shift_right_arithmetic3A_471 = vector.broadcast %shift_right_arithmetic3A_470 : i32 to vector<16xi32>
      %shift_right_arithmetic3A_472 = arith.shrsi %bitcast3A_469, %shift_right_arithmetic3A_471 : vector<16xi32>
      %sub3A_473 = arith.constant 127 : i32
      %sub3A_474 = vector.broadcast %sub3A_473 : i32 to vector<16xi32>
      %sub3A_475 = arith.subi %shift_right_arithmetic3A_472, %sub3A_474 : vector<16xi32>
      %convert_element_type3A_476 = arith.sitofp %sub3A_475 : vector<16xi32> to vector<16xf32>
      %and3A_477 = arith.constant 8388607 : i32
      %and3A_478 = vector.broadcast %and3A_477 : i32 to vector<16xi32>
      %and3A_479 = arith.andi %bitcast3A_469, %and3A_478 : vector<16xi32>
      %or3A_480 = arith.constant 1065353216 : i32
      %or3A_481 = vector.broadcast %or3A_480 : i32 to vector<16xi32>
      %or3A_482 = arith.ori %and3A_479, %or3A_481 : vector<16xi32>
      %bitcast3A_483 = vector.bitcast %or3A_482 : vector<16xi32> to vector<16xf32>
      %sub3A_484 = arith.constant 1.000000e+00 : f32
      %sub3A_485 = vector.broadcast %sub3A_484 : f32 to vector<16xf32>
      %sub3A_486 = arith.subf %bitcast3A_483, %sub3A_485 : vector<16xf32>
      %mul3A_487 = arith.constant -0.0260673184 : f32
      %mul3A_488 = vector.broadcast %mul3A_487 : f32 to vector<16xf32>
      %mul3A_489 = arith.mulf %mul3A_488, %sub3A_486 : vector<16xf32>
      %add3A_490 = arith.constant 0.121916875 : f32
      %add3A_491 = vector.broadcast %add3A_490 : f32 to vector<16xf32>
      %add3A_492 = arith.addf %mul3A_489, %add3A_491 : vector<16xf32>
      %mul3A_493 = arith.mulf %add3A_492, %sub3A_486 : vector<16xf32>
      %add3A_494 = arith.constant -0.2773678 : f32
      %add3A_495 = vector.broadcast %add3A_494 : f32 to vector<16xf32>
      %add3A_496 = arith.addf %mul3A_493, %add3A_495 : vector<16xf32>
      %mul3A_497 = arith.mulf %add3A_496, %sub3A_486 : vector<16xf32>
      %add3A_498 = arith.constant 0.456895411 : f32
      %add3A_499 = vector.broadcast %add3A_498 : f32 to vector<16xf32>
      %add3A_500 = arith.addf %mul3A_497, %add3A_499 : vector<16xf32>
      %mul3A_501 = arith.mulf %add3A_500, %sub3A_486 : vector<16xf32>
      %add3A_502 = arith.constant -0.717898607 : f32
      %add3A_503 = vector.broadcast %add3A_502 : f32 to vector<16xf32>
      %add3A_504 = arith.addf %mul3A_501, %add3A_503 : vector<16xf32>
      %mul3A_505 = arith.mulf %add3A_504, %sub3A_486 : vector<16xf32>
      %add3A_506 = arith.constant 1.44251704 : f32
      %add3A_507 = vector.broadcast %add3A_506 : f32 to vector<16xf32>
      %add3A_508 = arith.addf %mul3A_505, %add3A_507 : vector<16xf32>
      %mul3A_509 = arith.mulf %add3A_508, %sub3A_486 : vector<16xf32>
      %add3A_510 = arith.addf %convert_element_type3A_476, %mul3A_509 : vector<16xf32>
      %mul3A_511 = arith.constant 0.693147182 : f32
      %mul3A_512 = vector.broadcast %mul3A_511 : f32 to vector<16xf32>
      %mul3A_513 = arith.mulf %add3A_510, %mul3A_512 : vector<16xf32>
      %max3A_514 = arith.constant 0.000000e+00 : f32
      %max3A_515 = vector.broadcast %max3A_514 : f32 to vector<16xf32>
      %max3A_516 = arith.maximumf %mul3A_513, %max3A_515 : vector<16xf32>
      %lt3A_517 = arith.constant 0.000000e+00 : f32
      %lt3A_518 = vector.broadcast %lt3A_517 : f32 to vector<16xf32>
      %lt3A_519 = arith.cmpf olt, %get3A_467, %lt3A_518 : vector<16xf32>
      %jit3A_520 = arith.constant 0.000000e+00 : f32
      %broadcast_in_dim3A_521 = vector.broadcast %jit3A_520 : f32 to vector<16xf32>
      %select_n3A_522 = arith.select %lt3A_519, %broadcast_in_dim3A_521, %max3A_516 : vector<16xi1>, vector<16xf32>
      %mul3A_523 = arith.constant 6 : i32
      %mul3A_524 = arith.muli %scan3A_234, %mul3A_523 : i32
      %add3A_525 = arith.constant 3 : i32
      %add3A_526 = arith.addi %mul3A_524, %add3A_525 : i32
      %mul3A_527 = arith.constant 16 : i32
      %mul3A_528 = arith.muli %add3A_526, %mul3A_527 : i32
      %swap3A_529 = arith.index_cast %mul3A_528 : i32 to index
      %swap3A_530 = tpu.vector_load %arg5[%swap3A_529] {strides = array<i32>} : memref<8736xf32, #tpu.memory_space<vmem>>, vector<16xf32>,
      tpu.vector_store %arg5[%swap3A_529], %select_n3A_522 {strides = array<i32>} : memref<8736xf32, #tpu.memory_space<vmem>>, vector<16xf32>,
      %jit3A_531 = arith.constant 0.000000e+00 : f32
      %broadcast_in_dim3A_532 = vector.broadcast %jit3A_531 : f32 to vector<16xf32>
      %select_n3A_533 = arith.select %lt3A_519, %max3A_516, %broadcast_in_dim3A_532 : vector<16xi1>, vector<16xf32>
      %add3A_534 = arith.addf %add3A_457, %select_n3A_533 : vector<16xf32>
      %all_reduce_population_count3A_535 = tpu.all_reduce %lt3A_519 {dim = 0 : i64, kind = #tpu.reduction_kind<sum>} : vector<16xi1> -> vector<16xi32>
      %add3A_536 = arith.addi %add3A_459, %all_reduce_population_count3A_535 : vector<16xi32>
      %mul3A_537 = arith.constant 6 : i32
      %mul3A_538 = arith.muli %scan3A_234, %mul3A_537 : i32
      %add3A_539 = arith.constant 4 : i32
      %add3A_540 = arith.addi %mul3A_538, %add3A_539 : i32
      %mul3A_541 = arith.constant 16 : i32
      %mul3A_542 = arith.muli %add3A_540, %mul3A_541 : i32
      %get3A_543 = arith.index_cast %mul3A_542 : i32 to index
      %get3A_544 = tpu.vector_load %arg4[%get3A_543] {strides = array<i32>} : memref<8736xf32, #tpu.memory_space<vmem>>, vector<16xf32>,
      %abs3A_545 = math.absf %get3A_544 : vector<16xf32>
      %bitcast3A_546 = vector.bitcast %abs3A_545 : vector<16xf32> to vector<16xi32>
      %shift_right_arithmetic3A_547 = arith.constant 23 : i32
      %shift_right_arithmetic3A_548 = vector.broadcast %shift_right_arithmetic3A_547 : i32 to vector<16xi32>
      %shift_right_arithmetic3A_549 = arith.shrsi %bitcast3A_546, %shift_right_arithmetic3A_548 : vector<16xi32>
      %sub3A_550 = arith.constant 127 : i32
      %sub3A_551 = vector.broadcast %sub3A_550 : i32 to vector<16xi32>
      %sub3A_552 = arith.subi %shift_right_arithmetic3A_549, %sub3A_551 : vector<16xi32>
      %convert_element_type3A_553 = arith.sitofp %sub3A_552 : vector<16xi32> to vector<16xf32>
      %and3A_554 = arith.constant 8388607 : i32
      %and3A_555 = vector.broadcast %and3A_554 : i32 to vector<16xi32>
      %and3A_556 = arith.andi %bitcast3A_546, %and3A_555 : vector<16xi32>
      %or3A_557 = arith.constant 1065353216 : i32
      %or3A_558 = vector.broadcast %or3A_557 : i32 to vector<16xi32>
      %or3A_559 = arith.ori %and3A_556, %or3A_558 : vector<16xi32>
      %bitcast3A_560 = vector.bitcast %or3A_559 : vector<16xi32> to vector<16xf32>
      %sub3A_561 = arith.constant 1.000000e+00 : f32
      %sub3A_562 = vector.broadcast %sub3A_561 : f32 to vector<16xf32>
      %sub3A_563 = arith.subf %bitcast3A_560, %sub3A_562 : vector<16xf32>
      %mul3A_564 = arith.constant -0.0260673184 : f32
      %mul3A_565 = vector.broadcast %mul3A_564 : f32 to vector<16xf32>
      %mul3A_566 = arith.mulf %mul3A_565, %sub3A_563 : vector<16xf32>
      %add3A_567 = arith.constant 0.121916875 : f32
      %add3A_568 = vector.broadcast %add3A_567 : f32 to vector<16xf32>
      %add3A_569 = arith.addf %mul3A_566, %add3A_568 : vector<16xf32>
      %mul3A_570 = arith.mulf %add3A_569, %sub3A_563 : vector<16xf32>
      %add3A_571 = arith.constant -0.2773678 : f32
      %add3A_572 = vector.broadcast %add3A_571 : f32 to vector<16xf32>
      %add3A_573 = arith.addf %mul3A_570, %add3A_572 : vector<16xf32>
      %mul3A_574 = arith.mulf %add3A_573, %sub3A_563 : vector<16xf32>
      %add3A_575 = arith.constant 0.456895411 : f32
      %add3A_576 = vector.broadcast %add3A_575 : f32 to vector<16xf32>
      %add3A_577 = arith.addf %mul3A_574, %add3A_576 : vector<16xf32>
      %mul3A_578 = arith.mulf %add3A_577, %sub3A_563 : vector<16xf32>
      %add3A_579 = arith.constant -0.717898607 : f32
      %add3A_580 = vector.broadcast %add3A_579 : f32 to vector<16xf32>
      %add3A_581 = arith.addf %mul3A_578, %add3A_580 : vector<16xf32>
      %mul3A_582 = arith.mulf %add3A_581, %sub3A_563 : vector<16xf32>
      %add3A_583 = arith.constant 1.44251704 : f32
      %add3A_584 = vector.broadcast %add3A_583 : f32 to vector<16xf32>
      %add3A_585 = arith.addf %mul3A_582, %add3A_584 : vector<16xf32>
      %mul3A_586 = arith.mulf %add3A_585, %sub3A_563 : vector<16xf32>
      %add3A_587 = arith.addf %convert_element_type3A_553, %mul3A_586 : vector<16xf32>
      %mul3A_588 = arith.constant 0.693147182 : f32
      %mul3A_589 = vector.broadcast %mul3A_588 : f32 to vector<16xf32>
      %mul3A_590 = arith.mulf %add3A_587, %mul3A_589 : vector<16xf32>
      %max3A_591 = arith.constant 0.000000e+00 : f32
      %max3A_592 = vector.broadcast %max3A_591 : f32 to vector<16xf32>
      %max3A_593 = arith.maximumf %mul3A_590, %max3A_592 : vector<16xf32>
      %lt3A_594 = arith.constant 0.000000e+00 : f32
      %lt3A_595 = vector.broadcast %lt3A_594 : f32 to vector<16xf32>
      %lt3A_596 = arith.cmpf olt, %get3A_544, %lt3A_595 : vector<16xf32>
      %jit3A_597 = arith.constant 0.000000e+00 : f32
      %broadcast_in_dim3A_598 = vector.broadcast %jit3A_597 : f32 to vector<16xf32>
      %select_n3A_599 = arith.select %lt3A_596, %broadcast_in_dim3A_598, %max3A_593 : vector<16xi1>, vector<16xf32>
      %mul3A_600 = arith.constant 6 : i32
      %mul3A_601 = arith.muli %scan3A_234, %mul3A_600 : i32
      %add3A_602 = arith.constant 4 : i32
      %add3A_603 = arith.addi %mul3A_601, %add3A_602 : i32
      %mul3A_604 = arith.constant 16 : i32
      %mul3A_605 = arith.muli %add3A_603, %mul3A_604 : i32
      %swap3A_606 = arith.index_cast %mul3A_605 : i32 to index
      %swap3A_607 = tpu.vector_load %arg5[%swap3A_606] {strides = array<i32>} : memref<8736xf32, #tpu.memory_space<vmem>>, vector<16xf32>,
      tpu.vector_store %arg5[%swap3A_606], %select_n3A_599 {strides = array<i32>} : memref<8736xf32, #tpu.memory_space<vmem>>, vector<16xf32>,
      %jit3A_608 = arith.constant 0.000000e+00 : f32
      %broadcast_in_dim3A_609 = vector.broadcast %jit3A_608 : f32 to vector<16xf32>
      %select_n3A_610 = arith.select %lt3A_596, %max3A_593, %broadcast_in_dim3A_609 : vector<16xi1>, vector<16xf32>
      %add3A_611 = arith.addf %add3A_534, %select_n3A_610 : vector<16xf32>
      %all_reduce_population_count3A_612 = tpu.all_reduce %lt3A_596 {dim = 0 : i64, kind = #tpu.reduction_kind<sum>} : vector<16xi1> -> vector<16xi32>
      %add3A_613 = arith.addi %add3A_536, %all_reduce_population_count3A_612 : vector<16xi32>
      %mul3A_614 = arith.constant 6 : i32
      %mul3A_615 = arith.muli %scan3A_234, %mul3A_614 : i32
      %add3A_616 = arith.constant 5 : i32
      %add3A_617 = arith.addi %mul3A_615, %add3A_616 : i32
      %mul3A_618 = arith.constant 16 : i32
      %mul3A_619 = arith.muli %add3A_617, %mul3A_618 : i32
      %get3A_620 = arith.index_cast %mul3A_619 : i32 to index
      %get3A_621 = tpu.vector_load %arg4[%get3A_620] {strides = array<i32>} : memref<8736xf32, #tpu.memory_space<vmem>>, vector<16xf32>,
      %abs3A_622 = math.absf %get3A_621 : vector<16xf32>
      %bitcast3A_623 = vector.bitcast %abs3A_622 : vector<16xf32> to vector<16xi32>
      %shift_right_arithmetic3A_624 = arith.constant 23 : i32
      %shift_right_arithmetic3A_625 = vector.broadcast %shift_right_arithmetic3A_624 : i32 to vector<16xi32>
      %shift_right_arithmetic3A_626 = arith.shrsi %bitcast3A_623, %shift_right_arithmetic3A_625 : vector<16xi32>
      %sub3A_627 = arith.constant 127 : i32
      %sub3A_628 = vector.broadcast %sub3A_627 : i32 to vector<16xi32>
      %sub3A_629 = arith.subi %shift_right_arithmetic3A_626, %sub3A_628 : vector<16xi32>
      %convert_element_type3A_630 = arith.sitofp %sub3A_629 : vector<16xi32> to vector<16xf32>
      %and3A_631 = arith.constant 8388607 : i32
      %and3A_632 = vector.broadcast %and3A_631 : i32 to vector<16xi32>
      %and3A_633 = arith.andi %bitcast3A_623, %and3A_632 : vector<16xi32>
      %or3A_634 = arith.constant 1065353216 : i32
      %or3A_635 = vector.broadcast %or3A_634 : i32 to vector<16xi32>
      %or3A_636 = arith.ori %and3A_633, %or3A_635 : vector<16xi32>
      %bitcast3A_637 = vector.bitcast %or3A_636 : vector<16xi32> to vector<16xf32>
      %sub3A_638 = arith.constant 1.000000e+00 : f32
      %sub3A_639 = vector.broadcast %sub3A_638 : f32 to vector<16xf32>
      %sub3A_640 = arith.subf %bitcast3A_637, %sub3A_639 : vector<16xf32>
      %mul3A_641 = arith.constant -0.0260673184 : f32
      %mul3A_642 = vector.broadcast %mul3A_641 : f32 to vector<16xf32>
      %mul3A_643 = arith.mulf %mul3A_642, %sub3A_640 : vector<16xf32>
      %add3A_644 = arith.constant 0.121916875 : f32
      %add3A_645 = vector.broadcast %add3A_644 : f32 to vector<16xf32>
      %add3A_646 = arith.addf %mul3A_643, %add3A_645 : vector<16xf32>
      %mul3A_647 = arith.mulf %add3A_646, %sub3A_640 : vector<16xf32>
      %add3A_648 = arith.constant -0.2773678 : f32
      %add3A_649 = vector.broadcast %add3A_648 : f32 to vector<16xf32>
      %add3A_650 = arith.addf %mul3A_647, %add3A_649 : vector<16xf32>
      %mul3A_651 = arith.mulf %add3A_650, %sub3A_640 : vector<16xf32>
      %add3A_652 = arith.constant 0.456895411 : f32
      %add3A_653 = vector.broadcast %add3A_652 : f32 to vector<16xf32>
      %add3A_654 = arith.addf %mul3A_651, %add3A_653 : vector<16xf32>
      %mul3A_655 = arith.mulf %add3A_654, %sub3A_640 : vector<16xf32>
      %add3A_656 = arith.constant -0.717898607 : f32
      %add3A_657 = vector.broadcast %add3A_656 : f32 to vector<16xf32>
      %add3A_658 = arith.addf %mul3A_655, %add3A_657 : vector<16xf32>
      %mul3A_659 = arith.mulf %add3A_658, %sub3A_640 : vector<16xf32>
      %add3A_660 = arith.constant 1.44251704 : f32
      %add3A_661 = vector.broadcast %add3A_660 : f32 to vector<16xf32>
      %add3A_662 = arith.addf %mul3A_659, %add3A_661 : vector<16xf32>
      %mul3A_663 = arith.mulf %add3A_662, %sub3A_640 : vector<16xf32>
      %add3A_664 = arith.addf %convert_element_type3A_630, %mul3A_663 : vector<16xf32>
      %mul3A_665 = arith.constant 0.693147182 : f32
      %mul3A_666 = vector.broadcast %mul3A_665 : f32 to vector<16xf32>
      %mul3A_667 = arith.mulf %add3A_664, %mul3A_666 : vector<16xf32>
      %max3A_668 = arith.constant 0.000000e+00 : f32
      %max3A_669 = vector.broadcast %max3A_668 : f32 to vector<16xf32>
      %max3A_670 = arith.maximumf %mul3A_667, %max3A_669 : vector<16xf32>
      %lt3A_671 = arith.constant 0.000000e+00 : f32
      %lt3A_672 = vector.broadcast %lt3A_671 : f32 to vector<16xf32>
      %lt3A_673 = arith.cmpf olt, %get3A_621, %lt3A_672 : vector<16xf32>
      %jit3A_674 = arith.constant 0.000000e+00 : f32
      %broadcast_in_dim3A_675 = vector.broadcast %jit3A_674 : f32 to vector<16xf32>
      %select_n3A_676 = arith.select %lt3A_673, %broadcast_in_dim3A_675, %max3A_670 : vector<16xi1>, vector<16xf32>
      %mul3A_677 = arith.constant 6 : i32
      %mul3A_678 = arith.muli %scan3A_234, %mul3A_677 : i32
      %add3A_679 = arith.constant 5 : i32
      %add3A_680 = arith.addi %mul3A_678, %add3A_679 : i32
      %mul3A_681 = arith.constant 16 : i32
      %mul3A_682 = arith.muli %add3A_680, %mul3A_681 : i32
      %swap3A_683 = arith.index_cast %mul3A_682 : i32 to index
      %swap3A_684 = tpu.vector_load %arg5[%swap3A_683] {strides = array<i32>} : memref<8736xf32, #tpu.memory_space<vmem>>, vector<16xf32>,
      tpu.vector_store %arg5[%swap3A_683], %select_n3A_676 {strides = array<i32>} : memref<8736xf32, #tpu.memory_space<vmem>>, vector<16xf32>,
      %jit3A_685 = arith.constant 0.000000e+00 : f32
      %broadcast_in_dim3A_686 = vector.broadcast %jit3A_685 : f32 to vector<16xf32>
      %select_n3A_687 = arith.select %lt3A_673, %max3A_670, %broadcast_in_dim3A_686 : vector<16xi1>, vector<16xf32>
      %add3A_688 = arith.addf %add3A_611, %select_n3A_687 : vector<16xf32>
      %all_reduce_population_count3A_689 = tpu.all_reduce %lt3A_673 {dim = 0 : i64, kind = #tpu.reduction_kind<sum>} : vector<16xi1> -> vector<16xi32>
      %add3A_690 = arith.addi %add3A_613, %all_reduce_population_count3A_689 : vector<16xi32>
      scf.yield %add3A_688, %add3A_690 : vector<16xf32>, vector<16xi32>
    }
    %scan3A_8 = arith.constant 91 : i32
    %mul3A_9 = arith.constant 3 : i32
    %mul3A_10 = vector.broadcast %mul3A_9 : i32 to vector<16xi32>
    %mul3A_11 = arith.muli %scan3A_7#1, %mul3A_10 : vector<16xi32>
    %broadcast_in_dim3A_12 = arith.constant 0 : i32
    %broadcast_in_dim3A_13 = vector.broadcast %broadcast_in_dim3A_12 : i32 to vector<16xi32>
    %or3A = arith.constant 1073741824 : i32
    %or3A_14 = vector.broadcast %or3A : i32 to vector<16xi32>
    %or3A_15 = arith.ori %broadcast_in_dim3A_13, %or3A_14 : vector<16xi32>
    %broadcast_in_dim3A_16 = arith.constant 0 : i32
    %broadcast_in_dim3A_17 = vector.broadcast %broadcast_in_dim3A_16 : i32 to vector<16xi32>
    %scan3A_18 = arith.constant 0 : i32
    %scan3A_19 = arith.constant 91 : i32
    %scan3A_20 = arith.addi %scan3A_18, %scan3A_19 : i32
    %scan3A_21 = arith.constant 1 : i32
    %scan3A_22 = scf.for %scan3A_234 = %scan3A_18 to %scan3A_20 step %scan3A_21 iter_args(%scan3A_235 = %broadcast_in_dim3A_17) -> (vector<16xi32>)  : i32 {
      %mul3A_236 = arith.constant 6 : i32
      %mul3A_237 = arith.muli %scan3A_234, %mul3A_236 : i32
      %add3A_238 = arith.constant 0 : i32
      %add3A_239 = arith.addi %mul3A_237, %add3A_238 : i32
      %mul3A_240 = arith.constant 16 : i32
      %mul3A_241 = arith.muli %add3A_239, %mul3A_240 : i32
      %get3A = arith.index_cast %mul3A_241 : i32 to index
      %get3A_242 = tpu.vector_load %arg5[%get3A] {strides = array<i32>} : memref<8736xf32, #tpu.memory_space<vmem>>, vector<16xf32>,
      %bitcast3A_243 = vector.bitcast %get3A_242 : vector<16xf32> to vector<16xi32>
      %ge3A_244 = arith.cmpi sge, %bitcast3A_243, %or3A_15 : vector<16xi32>
      %all_reduce_population_count3A = tpu.all_reduce %ge3A_244 {dim = 0 : i64, kind = #tpu.reduction_kind<sum>} : vector<16xi1> -> vector<16xi32>
      %add3A_245 = arith.addi %scan3A_235, %all_reduce_population_count3A : vector<16xi32>
      %mul3A_246 = arith.constant 6 : i32
      %mul3A_247 = arith.muli %scan3A_234, %mul3A_246 : i32
      %add3A_248 = arith.constant 1 : i32
      %add3A_249 = arith.addi %mul3A_247, %add3A_248 : i32
      %mul3A_250 = arith.constant 16 : i32
      %mul3A_251 = arith.muli %add3A_249, %mul3A_250 : i32
      %get3A_252 = arith.index_cast %mul3A_251 : i32 to index
      %get3A_253 = tpu.vector_load %arg5[%get3A_252] {strides = array<i32>} : memref<8736xf32, #tpu.memory_space<vmem>>, vector<16xf32>,
      %bitcast3A_254 = vector.bitcast %get3A_253 : vector<16xf32> to vector<16xi32>
      %ge3A_255 = arith.cmpi sge, %bitcast3A_254, %or3A_15 : vector<16xi32>
      %all_reduce_population_count3A_256 = tpu.all_reduce %ge3A_255 {dim = 0 : i64, kind = #tpu.reduction_kind<sum>} : vector<16xi1> -> vector<16xi32>
      %add3A_257 = arith.addi %add3A_245, %all_reduce_population_count3A_256 : vector<16xi32>
      %mul3A_258 = arith.constant 6 : i32
      %mul3A_259 = arith.muli %scan3A_234, %mul3A_258 : i32
      %add3A_260 = arith.constant 2 : i32
      %add3A_261 = arith.addi %mul3A_259, %add3A_260 : i32
      %mul3A_262 = arith.constant 16 : i32
      %mul3A_263 = arith.muli %add3A_261, %mul3A_262 : i32
      %get3A_264 = arith.index_cast %mul3A_263 : i32 to index
      %get3A_265 = tpu.vector_load %arg5[%get3A_264] {strides = array<i32>} : memref<8736xf32, #tpu.memory_space<vmem>>, vector<16xf32>,
      %bitcast3A_266 = vector.bitcast %get3A_265 : vector<16xf32> to vector<16xi32>
      %ge3A_267 = arith.cmpi sge, %bitcast3A_266, %or3A_15 : vector<16xi32>
      %all_reduce_population_count3A_268 = tpu.all_reduce %ge3A_267 {dim = 0 : i64, kind = #tpu.reduction_kind<sum>} : vector<16xi1> -> vector<16xi32>
      %add3A_269 = arith.addi %add3A_257, %all_reduce_population_count3A_268 : vector<16xi32>
      %mul3A_270 = arith.constant 6 : i32
      %mul3A_271 = arith.muli %scan3A_234, %mul3A_270 : i32
      %add3A_272 = arith.constant 3 : i32
      %add3A_273 = arith.addi %mul3A_271, %add3A_272 : i32
      %mul3A_274 = arith.constant 16 : i32
      %mul3A_275 = arith.muli %add3A_273, %mul3A_274 : i32
      %get3A_276 = arith.index_cast %mul3A_275 : i32 to index
      %get3A_277 = tpu.vector_load %arg5[%get3A_276] {strides = array<i32>} : memref<8736xf32, #tpu.memory_space<vmem>>, vector<16xf32>,
      %bitcast3A_278 = vector.bitcast %get3A_277 : vector<16xf32> to vector<16xi32>
      %ge3A_279 = arith.cmpi sge, %bitcast3A_278, %or3A_15 : vector<16xi32>
      %all_reduce_population_count3A_280 = tpu.all_reduce %ge3A_279 {dim = 0 : i64, kind = #tpu.reduction_kind<sum>} : vector<16xi1> -> vector<16xi32>
      %add3A_281 = arith.addi %add3A_269, %all_reduce_population_count3A_280 : vector<16xi32>
      %mul3A_282 = arith.constant 6 : i32
      %mul3A_283 = arith.muli %scan3A_234, %mul3A_282 : i32
      %add3A_284 = arith.constant 4 : i32
      %add3A_285 = arith.addi %mul3A_283, %add3A_284 : i32
      %mul3A_286 = arith.constant 16 : i32
      %mul3A_287 = arith.muli %add3A_285, %mul3A_286 : i32
      %get3A_288 = arith.index_cast %mul3A_287 : i32 to index
      %get3A_289 = tpu.vector_load %arg5[%get3A_288] {strides = array<i32>} : memref<8736xf32, #tpu.memory_space<vmem>>, vector<16xf32>,
      %bitcast3A_290 = vector.bitcast %get3A_289 : vector<16xf32> to vector<16xi32>
      %ge3A_291 = arith.cmpi sge, %bitcast3A_290, %or3A_15 : vector<16xi32>
      %all_reduce_population_count3A_292 = tpu.all_reduce %ge3A_291 {dim = 0 : i64, kind = #tpu.reduction_kind<sum>} : vector<16xi1> -> vector<16xi32>
      %add3A_293 = arith.addi %add3A_281, %all_reduce_population_count3A_292 : vector<16xi32>
      %mul3A_294 = arith.constant 6 : i32
      %mul3A_295 = arith.muli %scan3A_234, %mul3A_294 : i32
      %add3A_296 = arith.constant 5 : i32
      %add3A_297 = arith.addi %mul3A_295, %add3A_296 : i32
      %mul3A_298 = arith.constant 16 : i32
      %mul3A_299 = arith.muli %add3A_297, %mul3A_298 : i32
      %get3A_300 = arith.index_cast %mul3A_299 : i32 to index
      %get3A_301 = tpu.vector_load %arg5[%get3A_300] {strides = array<i32>} : memref<8736xf32, #tpu.memory_space<vmem>>, vector<16xf32>,
      %bitcast3A_302 = vector.bitcast %get3A_301 : vector<16xf32> to vector<16xi32>
      %ge3A_303 = arith.cmpi sge, %bitcast3A_302, %or3A_15 : vector<16xi32>
      %all_reduce_population_count3A_304 = tpu.all_reduce %ge3A_303 {dim = 0 : i64, kind = #tpu.reduction_kind<sum>} : vector<16xi1> -> vector<16xi32>
      %add3A_305 = arith.addi %add3A_293, %all_reduce_population_count3A_304 : vector<16xi32>
      scf.yield %add3A_305 : vector<16xi32>
    }
    %scan3A_23 = arith.constant 91 : i32
    %ge3A = arith.cmpi sge, %scan3A_22, %mul3A_11 : vector<16xi32>
    %select_n3A = arith.select %ge3A, %or3A_15, %broadcast_in_dim3A_13 : vector<16xi1>, vector<16xi32>
    %or3A_24 = arith.constant 536870912 : i32
    %or3A_25 = vector.broadcast %or3A_24 : i32 to vector<16xi32>
    %or3A_26 = arith.ori %select_n3A, %or3A_25 : vector<16xi32>
    %broadcast_in_dim3A_27 = arith.constant 0 : i32
    %broadcast_in_dim3A_28 = vector.broadcast %broadcast_in_dim3A_27 : i32 to vector<16xi32>
    %scan3A_29 = arith.constant 0 : i32
    %scan3A_30 = arith.constant 91 : i32
    %scan3A_31 = arith.addi %scan3A_29, %scan3A_30 : i32
    %scan3A_32 = arith.constant 1 : i32
    %scan3A_33 = scf.for %scan3A_234 = %scan3A_29 to %scan3A_31 step %scan3A_32 iter_args(%scan3A_235 = %broadcast_in_dim3A_28) -> (vector<16xi32>)  : i32 {
      %mul3A_236 = arith.constant 6 : i32
      %mul3A_237 = arith.muli %scan3A_234, %mul3A_236 : i32
      %add3A_238 = arith.constant 0 : i32
      %add3A_239 = arith.addi %mul3A_237, %add3A_238 : i32
      %mul3A_240 = arith.constant 16 : i32
      %mul3A_241 = arith.muli %add3A_239, %mul3A_240 : i32
      %get3A = arith.index_cast %mul3A_241 : i32 to index
      %get3A_242 = tpu.vector_load %arg5[%get3A] {strides = array<i32>} : memref<8736xf32, #tpu.memory_space<vmem>>, vector<16xf32>,
      %bitcast3A_243 = vector.bitcast %get3A_242 : vector<16xf32> to vector<16xi32>
      %ge3A_244 = arith.cmpi sge, %bitcast3A_243, %or3A_26 : vector<16xi32>
      %all_reduce_population_count3A = tpu.all_reduce %ge3A_244 {dim = 0 : i64, kind = #tpu.reduction_kind<sum>} : vector<16xi1> -> vector<16xi32>
      %add3A_245 = arith.addi %scan3A_235, %all_reduce_population_count3A : vector<16xi32>
      %mul3A_246 = arith.constant 6 : i32
      %mul3A_247 = arith.muli %scan3A_234, %mul3A_246 : i32
      %add3A_248 = arith.constant 1 : i32
      %add3A_249 = arith.addi %mul3A_247, %add3A_248 : i32
      %mul3A_250 = arith.constant 16 : i32
      %mul3A_251 = arith.muli %add3A_249, %mul3A_250 : i32
      %get3A_252 = arith.index_cast %mul3A_251 : i32 to index
      %get3A_253 = tpu.vector_load %arg5[%get3A_252] {strides = array<i32>} : memref<8736xf32, #tpu.memory_space<vmem>>, vector<16xf32>,
      %bitcast3A_254 = vector.bitcast %get3A_253 : vector<16xf32> to vector<16xi32>
      %ge3A_255 = arith.cmpi sge, %bitcast3A_254, %or3A_26 : vector<16xi32>
      %all_reduce_population_count3A_256 = tpu.all_reduce %ge3A_255 {dim = 0 : i64, kind = #tpu.reduction_kind<sum>} : vector<16xi1> -> vector<16xi32>
      %add3A_257 = arith.addi %add3A_245, %all_reduce_population_count3A_256 : vector<16xi32>
      %mul3A_258 = arith.constant 6 : i32
      %mul3A_259 = arith.muli %scan3A_234, %mul3A_258 : i32
      %add3A_260 = arith.constant 2 : i32
      %add3A_261 = arith.addi %mul3A_259, %add3A_260 : i32
      %mul3A_262 = arith.constant 16 : i32
      %mul3A_263 = arith.muli %add3A_261, %mul3A_262 : i32
      %get3A_264 = arith.index_cast %mul3A_263 : i32 to index
      %get3A_265 = tpu.vector_load %arg5[%get3A_264] {strides = array<i32>} : memref<8736xf32, #tpu.memory_space<vmem>>, vector<16xf32>,
      %bitcast3A_266 = vector.bitcast %get3A_265 : vector<16xf32> to vector<16xi32>
      %ge3A_267 = arith.cmpi sge, %bitcast3A_266, %or3A_26 : vector<16xi32>
      %all_reduce_population_count3A_268 = tpu.all_reduce %ge3A_267 {dim = 0 : i64, kind = #tpu.reduction_kind<sum>} : vector<16xi1> -> vector<16xi32>
      %add3A_269 = arith.addi %add3A_257, %all_reduce_population_count3A_268 : vector<16xi32>
      %mul3A_270 = arith.constant 6 : i32
      %mul3A_271 = arith.muli %scan3A_234, %mul3A_270 : i32
      %add3A_272 = arith.constant 3 : i32
      %add3A_273 = arith.addi %mul3A_271, %add3A_272 : i32
      %mul3A_274 = arith.constant 16 : i32
      %mul3A_275 = arith.muli %add3A_273, %mul3A_274 : i32
      %get3A_276 = arith.index_cast %mul3A_275 : i32 to index
      %get3A_277 = tpu.vector_load %arg5[%get3A_276] {strides = array<i32>} : memref<8736xf32, #tpu.memory_space<vmem>>, vector<16xf32>,
      %bitcast3A_278 = vector.bitcast %get3A_277 : vector<16xf32> to vector<16xi32>
      %ge3A_279 = arith.cmpi sge, %bitcast3A_278, %or3A_26 : vector<16xi32>
      %all_reduce_population_count3A_280 = tpu.all_reduce %ge3A_279 {dim = 0 : i64, kind = #tpu.reduction_kind<sum>} : vector<16xi1> -> vector<16xi32>
      %add3A_281 = arith.addi %add3A_269, %all_reduce_population_count3A_280 : vector<16xi32>
      %mul3A_282 = arith.constant 6 : i32
      %mul3A_283 = arith.muli %scan3A_234, %mul3A_282 : i32
      %add3A_284 = arith.constant 4 : i32
      %add3A_285 = arith.addi %mul3A_283, %add3A_284 : i32
      %mul3A_286 = arith.constant 16 : i32
      %mul3A_287 = arith.muli %add3A_285, %mul3A_286 : i32
      %get3A_288 = arith.index_cast %mul3A_287 : i32 to index
      %get3A_289 = tpu.vector_load %arg5[%get3A_288] {strides = array<i32>} : memref<8736xf32, #tpu.memory_space<vmem>>, vector<16xf32>,
      %bitcast3A_290 = vector.bitcast %get3A_289 : vector<16xf32> to vector<16xi32>
      %ge3A_291 = arith.cmpi sge, %bitcast3A_290, %or3A_26 : vector<16xi32>
      %all_reduce_population_count3A_292 = tpu.all_reduce %ge3A_291 {dim = 0 : i64, kind = #tpu.reduction_kind<sum>} : vector<16xi1> -> vector<16xi32>
      %add3A_293 = arith.addi %add3A_281, %all_reduce_population_count3A_292 : vector<16xi32>
      %mul3A_294 = arith.constant 6 : i32
      %mul3A_295 = arith.muli %scan3A_234, %mul3A_294 : i32
      %add3A_296 = arith.constant 5 : i32
      %add3A_297 = arith.addi %mul3A_295, %add3A_296 : i32
      %mul3A_298 = arith.constant 16 : i32
      %mul3A_299 = arith.muli %add3A_297, %mul3A_298 : i32
      %get3A_300 = arith.index_cast %mul3A_299 : i32 to index
      %get3A_301 = tpu.vector_load %arg5[%get3A_300] {strides = array<i32>} : memref<8736xf32, #tpu.memory_space<vmem>>, vector<16xf32>,
      %bitcast3A_302 = vector.bitcast %get3A_301 : vector<16xf32> to vector<16xi32>
      %ge3A_303 = arith.cmpi sge, %bitcast3A_302, %or3A_26 : vector<16xi32>
      %all_reduce_population_count3A_304 = tpu.all_reduce %ge3A_303 {dim = 0 : i64, kind = #tpu.reduction_kind<sum>} : vector<16xi1> -> vector<16xi32>
      %add3A_305 = arith.addi %add3A_293, %all_reduce_population_count3A_304 : vector<16xi32>
      scf.yield %add3A_305 : vector<16xi32>
    }
    %scan3A_34 = arith.constant 91 : i32
    %ge3A_35 = arith.cmpi sge, %scan3A_33, %mul3A_11 : vector<16xi32>
    %select_n3A_36 = arith.select %ge3A_35, %or3A_26, %select_n3A : vector<16xi1>, vector<16xi32>
    %or3A_37 = arith.constant 268435456 : i32
    %or3A_38 = vector.broadcast %or3A_37 : i32 to vector<16xi32>
    %or3A_39 = arith.ori %select_n3A_36, %or3A_38 : vector<16xi32>
    %broadcast_in_dim3A_40 = arith.constant 0 : i32
    %broadcast_in_dim3A_41 = vector.broadcast %broadcast_in_dim3A_40 : i32 to vector<16xi32>
    %scan3A_42 = arith.constant 0 : i32
    %scan3A_43 = arith.constant 91 : i32
    %scan3A_44 = arith.addi %scan3A_42, %scan3A_43 : i32
    %scan3A_45 = arith.constant 1 : i32
    %scan3A_46 = scf.for %scan3A_234 = %scan3A_42 to %scan3A_44 step %scan3A_45 iter_args(%scan3A_235 = %broadcast_in_dim3A_41) -> (vector<16xi32>)  : i32 {
      %mul3A_236 = arith.constant 6 : i32
      %mul3A_237 = arith.muli %scan3A_234, %mul3A_236 : i32
      %add3A_238 = arith.constant 0 : i32
      %add3A_239 = arith.addi %mul3A_237, %add3A_238 : i32
      %mul3A_240 = arith.constant 16 : i32
      %mul3A_241 = arith.muli %add3A_239, %mul3A_240 : i32
      %get3A = arith.index_cast %mul3A_241 : i32 to index
      %get3A_242 = tpu.vector_load %arg5[%get3A] {strides = array<i32>} : memref<8736xf32, #tpu.memory_space<vmem>>, vector<16xf32>,
      %bitcast3A_243 = vector.bitcast %get3A_242 : vector<16xf32> to vector<16xi32>
      %ge3A_244 = arith.cmpi sge, %bitcast3A_243, %or3A_39 : vector<16xi32>
      %all_reduce_population_count3A = tpu.all_reduce %ge3A_244 {dim = 0 : i64, kind = #tpu.reduction_kind<sum>} : vector<16xi1> -> vector<16xi32>
      %add3A_245 = arith.addi %scan3A_235, %all_reduce_population_count3A : vector<16xi32>
      %mul3A_246 = arith.constant 6 : i32
      %mul3A_247 = arith.muli %scan3A_234, %mul3A_246 : i32
      %add3A_248 = arith.constant 1 : i32
      %add3A_249 = arith.addi %mul3A_247, %add3A_248 : i32
      %mul3A_250 = arith.constant 16 : i32
      %mul3A_251 = arith.muli %add3A_249, %mul3A_250 : i32
      %get3A_252 = arith.index_cast %mul3A_251 : i32 to index
      %get3A_253 = tpu.vector_load %arg5[%get3A_252] {strides = array<i32>} : memref<8736xf32, #tpu.memory_space<vmem>>, vector<16xf32>,
      %bitcast3A_254 = vector.bitcast %get3A_253 : vector<16xf32> to vector<16xi32>
      %ge3A_255 = arith.cmpi sge, %bitcast3A_254, %or3A_39 : vector<16xi32>
      %all_reduce_population_count3A_256 = tpu.all_reduce %ge3A_255 {dim = 0 : i64, kind = #tpu.reduction_kind<sum>} : vector<16xi1> -> vector<16xi32>
      %add3A_257 = arith.addi %add3A_245, %all_reduce_population_count3A_256 : vector<16xi32>
      %mul3A_258 = arith.constant 6 : i32
      %mul3A_259 = arith.muli %scan3A_234, %mul3A_258 : i32
      %add3A_260 = arith.constant 2 : i32
      %add3A_261 = arith.addi %mul3A_259, %add3A_260 : i32
      %mul3A_262 = arith.constant 16 : i32
      %mul3A_263 = arith.muli %add3A_261, %mul3A_262 : i32
      %get3A_264 = arith.index_cast %mul3A_263 : i32 to index
      %get3A_265 = tpu.vector_load %arg5[%get3A_264] {strides = array<i32>} : memref<8736xf32, #tpu.memory_space<vmem>>, vector<16xf32>,
      %bitcast3A_266 = vector.bitcast %get3A_265 : vector<16xf32> to vector<16xi32>
      %ge3A_267 = arith.cmpi sge, %bitcast3A_266, %or3A_39 : vector<16xi32>
      %all_reduce_population_count3A_268 = tpu.all_reduce %ge3A_267 {dim = 0 : i64, kind = #tpu.reduction_kind<sum>} : vector<16xi1> -> vector<16xi32>
      %add3A_269 = arith.addi %add3A_257, %all_reduce_population_count3A_268 : vector<16xi32>
      %mul3A_270 = arith.constant 6 : i32
      %mul3A_271 = arith.muli %scan3A_234, %mul3A_270 : i32
      %add3A_272 = arith.constant 3 : i32
      %add3A_273 = arith.addi %mul3A_271, %add3A_272 : i32
      %mul3A_274 = arith.constant 16 : i32
      %mul3A_275 = arith.muli %add3A_273, %mul3A_274 : i32
      %get3A_276 = arith.index_cast %mul3A_275 : i32 to index
      %get3A_277 = tpu.vector_load %arg5[%get3A_276] {strides = array<i32>} : memref<8736xf32, #tpu.memory_space<vmem>>, vector<16xf32>,
      %bitcast3A_278 = vector.bitcast %get3A_277 : vector<16xf32> to vector<16xi32>
      %ge3A_279 = arith.cmpi sge, %bitcast3A_278, %or3A_39 : vector<16xi32>
      %all_reduce_population_count3A_280 = tpu.all_reduce %ge3A_279 {dim = 0 : i64, kind = #tpu.reduction_kind<sum>} : vector<16xi1> -> vector<16xi32>
      %add3A_281 = arith.addi %add3A_269, %all_reduce_population_count3A_280 : vector<16xi32>
      %mul3A_282 = arith.constant 6 : i32
      %mul3A_283 = arith.muli %scan3A_234, %mul3A_282 : i32
      %add3A_284 = arith.constant 4 : i32
      %add3A_285 = arith.addi %mul3A_283, %add3A_284 : i32
      %mul3A_286 = arith.constant 16 : i32
      %mul3A_287 = arith.muli %add3A_285, %mul3A_286 : i32
      %get3A_288 = arith.index_cast %mul3A_287 : i32 to index
      %get3A_289 = tpu.vector_load %arg5[%get3A_288] {strides = array<i32>} : memref<8736xf32, #tpu.memory_space<vmem>>, vector<16xf32>,
      %bitcast3A_290 = vector.bitcast %get3A_289 : vector<16xf32> to vector<16xi32>
      %ge3A_291 = arith.cmpi sge, %bitcast3A_290, %or3A_39 : vector<16xi32>
      %all_reduce_population_count3A_292 = tpu.all_reduce %ge3A_291 {dim = 0 : i64, kind = #tpu.reduction_kind<sum>} : vector<16xi1> -> vector<16xi32>
      %add3A_293 = arith.addi %add3A_281, %all_reduce_population_count3A_292 : vector<16xi32>
      %mul3A_294 = arith.constant 6 : i32
      %mul3A_295 = arith.muli %scan3A_234, %mul3A_294 : i32
      %add3A_296 = arith.constant 5 : i32
      %add3A_297 = arith.addi %mul3A_295, %add3A_296 : i32
      %mul3A_298 = arith.constant 16 : i32
      %mul3A_299 = arith.muli %add3A_297, %mul3A_298 : i32
      %get3A_300 = arith.index_cast %mul3A_299 : i32 to index
      %get3A_301 = tpu.vector_load %arg5[%get3A_300] {strides = array<i32>} : memref<8736xf32, #tpu.memory_space<vmem>>, vector<16xf32>,
      %bitcast3A_302 = vector.bitcast %get3A_301 : vector<16xf32> to vector<16xi32>
      %ge3A_303 = arith.cmpi sge, %bitcast3A_302, %or3A_39 : vector<16xi32>
      %all_reduce_population_count3A_304 = tpu.all_reduce %ge3A_303 {dim = 0 : i64, kind = #tpu.reduction_kind<sum>} : vector<16xi1> -> vector<16xi32>
      %add3A_305 = arith.addi %add3A_293, %all_reduce_population_count3A_304 : vector<16xi32>
      scf.yield %add3A_305 : vector<16xi32>
    }
    %scan3A_47 = arith.constant 91 : i32
    %ge3A_48 = arith.cmpi sge, %scan3A_46, %mul3A_11 : vector<16xi32>
    %select_n3A_49 = arith.select %ge3A_48, %or3A_39, %select_n3A_36 : vector<16xi1>, vector<16xi32>
    %or3A_50 = arith.constant 134217728 : i32
    %or3A_51 = vector.broadcast %or3A_50 : i32 to vector<16xi32>
    %or3A_52 = arith.ori %select_n3A_49, %or3A_51 : vector<16xi32>
    %broadcast_in_dim3A_53 = arith.constant 0 : i32
    %broadcast_in_dim3A_54 = vector.broadcast %broadcast_in_dim3A_53 : i32 to vector<16xi32>
    %scan3A_55 = arith.constant 0 : i32
    %scan3A_56 = arith.constant 91 : i32
    %scan3A_57 = arith.addi %scan3A_55, %scan3A_56 : i32
    %scan3A_58 = arith.constant 1 : i32
    %scan3A_59 = scf.for %scan3A_234 = %scan3A_55 to %scan3A_57 step %scan3A_58 iter_args(%scan3A_235 = %broadcast_in_dim3A_54) -> (vector<16xi32>)  : i32 {
      %mul3A_236 = arith.constant 6 : i32
      %mul3A_237 = arith.muli %scan3A_234, %mul3A_236 : i32
      %add3A_238 = arith.constant 0 : i32
      %add3A_239 = arith.addi %mul3A_237, %add3A_238 : i32
      %mul3A_240 = arith.constant 16 : i32
      %mul3A_241 = arith.muli %add3A_239, %mul3A_240 : i32
      %get3A = arith.index_cast %mul3A_241 : i32 to index
      %get3A_242 = tpu.vector_load %arg5[%get3A] {strides = array<i32>} : memref<8736xf32, #tpu.memory_space<vmem>>, vector<16xf32>,
      %bitcast3A_243 = vector.bitcast %get3A_242 : vector<16xf32> to vector<16xi32>
      %ge3A_244 = arith.cmpi sge, %bitcast3A_243, %or3A_52 : vector<16xi32>
      %all_reduce_population_count3A = tpu.all_reduce %ge3A_244 {dim = 0 : i64, kind = #tpu.reduction_kind<sum>} : vector<16xi1> -> vector<16xi32>
      %add3A_245 = arith.addi %scan3A_235, %all_reduce_population_count3A : vector<16xi32>
      %mul3A_246 = arith.constant 6 : i32
      %mul3A_247 = arith.muli %scan3A_234, %mul3A_246 : i32
      %add3A_248 = arith.constant 1 : i32
      %add3A_249 = arith.addi %mul3A_247, %add3A_248 : i32
      %mul3A_250 = arith.constant 16 : i32
      %mul3A_251 = arith.muli %add3A_249, %mul3A_250 : i32
      %get3A_252 = arith.index_cast %mul3A_251 : i32 to index
      %get3A_253 = tpu.vector_load %arg5[%get3A_252] {strides = array<i32>} : memref<8736xf32, #tpu.memory_space<vmem>>, vector<16xf32>,
      %bitcast3A_254 = vector.bitcast %get3A_253 : vector<16xf32> to vector<16xi32>
      %ge3A_255 = arith.cmpi sge, %bitcast3A_254, %or3A_52 : vector<16xi32>
      %all_reduce_population_count3A_256 = tpu.all_reduce %ge3A_255 {dim = 0 : i64, kind = #tpu.reduction_kind<sum>} : vector<16xi1> -> vector<16xi32>
      %add3A_257 = arith.addi %add3A_245, %all_reduce_population_count3A_256 : vector<16xi32>
      %mul3A_258 = arith.constant 6 : i32
      %mul3A_259 = arith.muli %scan3A_234, %mul3A_258 : i32
      %add3A_260 = arith.constant 2 : i32
      %add3A_261 = arith.addi %mul3A_259, %add3A_260 : i32
      %mul3A_262 = arith.constant 16 : i32
      %mul3A_263 = arith.muli %add3A_261, %mul3A_262 : i32
      %get3A_264 = arith.index_cast %mul3A_263 : i32 to index
      %get3A_265 = tpu.vector_load %arg5[%get3A_264] {strides = array<i32>} : memref<8736xf32, #tpu.memory_space<vmem>>, vector<16xf32>,
      %bitcast3A_266 = vector.bitcast %get3A_265 : vector<16xf32> to vector<16xi32>
      %ge3A_267 = arith.cmpi sge, %bitcast3A_266, %or3A_52 : vector<16xi32>
      %all_reduce_population_count3A_268 = tpu.all_reduce %ge3A_267 {dim = 0 : i64, kind = #tpu.reduction_kind<sum>} : vector<16xi1> -> vector<16xi32>
      %add3A_269 = arith.addi %add3A_257, %all_reduce_population_count3A_268 : vector<16xi32>
      %mul3A_270 = arith.constant 6 : i32
      %mul3A_271 = arith.muli %scan3A_234, %mul3A_270 : i32
      %add3A_272 = arith.constant 3 : i32
      %add3A_273 = arith.addi %mul3A_271, %add3A_272 : i32
      %mul3A_274 = arith.constant 16 : i32
      %mul3A_275 = arith.muli %add3A_273, %mul3A_274 : i32
      %get3A_276 = arith.index_cast %mul3A_275 : i32 to index
      %get3A_277 = tpu.vector_load %arg5[%get3A_276] {strides = array<i32>} : memref<8736xf32, #tpu.memory_space<vmem>>, vector<16xf32>,
      %bitcast3A_278 = vector.bitcast %get3A_277 : vector<16xf32> to vector<16xi32>
      %ge3A_279 = arith.cmpi sge, %bitcast3A_278, %or3A_52 : vector<16xi32>
      %all_reduce_population_count3A_280 = tpu.all_reduce %ge3A_279 {dim = 0 : i64, kind = #tpu.reduction_kind<sum>} : vector<16xi1> -> vector<16xi32>
      %add3A_281 = arith.addi %add3A_269, %all_reduce_population_count3A_280 : vector<16xi32>
      %mul3A_282 = arith.constant 6 : i32
      %mul3A_283 = arith.muli %scan3A_234, %mul3A_282 : i32
      %add3A_284 = arith.constant 4 : i32
      %add3A_285 = arith.addi %mul3A_283, %add3A_284 : i32
      %mul3A_286 = arith.constant 16 : i32
      %mul3A_287 = arith.muli %add3A_285, %mul3A_286 : i32
      %get3A_288 = arith.index_cast %mul3A_287 : i32 to index
      %get3A_289 = tpu.vector_load %arg5[%get3A_288] {strides = array<i32>} : memref<8736xf32, #tpu.memory_space<vmem>>, vector<16xf32>,
      %bitcast3A_290 = vector.bitcast %get3A_289 : vector<16xf32> to vector<16xi32>
      %ge3A_291 = arith.cmpi sge, %bitcast3A_290, %or3A_52 : vector<16xi32>
      %all_reduce_population_count3A_292 = tpu.all_reduce %ge3A_291 {dim = 0 : i64, kind = #tpu.reduction_kind<sum>} : vector<16xi1> -> vector<16xi32>
      %add3A_293 = arith.addi %add3A_281, %all_reduce_population_count3A_292 : vector<16xi32>
      %mul3A_294 = arith.constant 6 : i32
      %mul3A_295 = arith.muli %scan3A_234, %mul3A_294 : i32
      %add3A_296 = arith.constant 5 : i32
      %add3A_297 = arith.addi %mul3A_295, %add3A_296 : i32
      %mul3A_298 = arith.constant 16 : i32
      %mul3A_299 = arith.muli %add3A_297, %mul3A_298 : i32
      %get3A_300 = arith.index_cast %mul3A_299 : i32 to index
      %get3A_301 = tpu.vector_load %arg5[%get3A_300] {strides = array<i32>} : memref<8736xf32, #tpu.memory_space<vmem>>, vector<16xf32>,
      %bitcast3A_302 = vector.bitcast %get3A_301 : vector<16xf32> to vector<16xi32>
      %ge3A_303 = arith.cmpi sge, %bitcast3A_302, %or3A_52 : vector<16xi32>
      %all_reduce_population_count3A_304 = tpu.all_reduce %ge3A_303 {dim = 0 : i64, kind = #tpu.reduction_kind<sum>} : vector<16xi1> -> vector<16xi32>
      %add3A_305 = arith.addi %add3A_293, %all_reduce_population_count3A_304 : vector<16xi32>
      scf.yield %add3A_305 : vector<16xi32>
    }
    %scan3A_60 = arith.constant 91 : i32
    %ge3A_61 = arith.cmpi sge, %scan3A_59, %mul3A_11 : vector<16xi32>
    %select_n3A_62 = arith.select %ge3A_61, %or3A_52, %select_n3A_49 : vector<16xi1>, vector<16xi32>
    %or3A_63 = arith.constant 67108864 : i32
    %or3A_64 = vector.broadcast %or3A_63 : i32 to vector<16xi32>
    %or3A_65 = arith.ori %select_n3A_62, %or3A_64 : vector<16xi32>
    %broadcast_in_dim3A_66 = arith.constant 0 : i32
    %broadcast_in_dim3A_67 = vector.broadcast %broadcast_in_dim3A_66 : i32 to vector<16xi32>
    %scan3A_68 = arith.constant 0 : i32
    %scan3A_69 = arith.constant 91 : i32
    %scan3A_70 = arith.addi %scan3A_68, %scan3A_69 : i32
    %scan3A_71 = arith.constant 1 : i32
    %scan3A_72 = scf.for %scan3A_234 = %scan3A_68 to %scan3A_70 step %scan3A_71 iter_args(%scan3A_235 = %broadcast_in_dim3A_67) -> (vector<16xi32>)  : i32 {
      %mul3A_236 = arith.constant 6 : i32
      %mul3A_237 = arith.muli %scan3A_234, %mul3A_236 : i32
      %add3A_238 = arith.constant 0 : i32
      %add3A_239 = arith.addi %mul3A_237, %add3A_238 : i32
      %mul3A_240 = arith.constant 16 : i32
      %mul3A_241 = arith.muli %add3A_239, %mul3A_240 : i32
      %get3A = arith.index_cast %mul3A_241 : i32 to index
      %get3A_242 = tpu.vector_load %arg5[%get3A] {strides = array<i32>} : memref<8736xf32, #tpu.memory_space<vmem>>, vector<16xf32>,
      %bitcast3A_243 = vector.bitcast %get3A_242 : vector<16xf32> to vector<16xi32>
      %ge3A_244 = arith.cmpi sge, %bitcast3A_243, %or3A_65 : vector<16xi32>
      %all_reduce_population_count3A = tpu.all_reduce %ge3A_244 {dim = 0 : i64, kind = #tpu.reduction_kind<sum>} : vector<16xi1> -> vector<16xi32>
      %add3A_245 = arith.addi %scan3A_235, %all_reduce_population_count3A : vector<16xi32>
      %mul3A_246 = arith.constant 6 : i32
      %mul3A_247 = arith.muli %scan3A_234, %mul3A_246 : i32
      %add3A_248 = arith.constant 1 : i32
      %add3A_249 = arith.addi %mul3A_247, %add3A_248 : i32
      %mul3A_250 = arith.constant 16 : i32
      %mul3A_251 = arith.muli %add3A_249, %mul3A_250 : i32
      %get3A_252 = arith.index_cast %mul3A_251 : i32 to index
      %get3A_253 = tpu.vector_load %arg5[%get3A_252] {strides = array<i32>} : memref<8736xf32, #tpu.memory_space<vmem>>, vector<16xf32>,
      %bitcast3A_254 = vector.bitcast %get3A_253 : vector<16xf32> to vector<16xi32>
      %ge3A_255 = arith.cmpi sge, %bitcast3A_254, %or3A_65 : vector<16xi32>
      %all_reduce_population_count3A_256 = tpu.all_reduce %ge3A_255 {dim = 0 : i64, kind = #tpu.reduction_kind<sum>} : vector<16xi1> -> vector<16xi32>
      %add3A_257 = arith.addi %add3A_245, %all_reduce_population_count3A_256 : vector<16xi32>
      %mul3A_258 = arith.constant 6 : i32
      %mul3A_259 = arith.muli %scan3A_234, %mul3A_258 : i32
      %add3A_260 = arith.constant 2 : i32
      %add3A_261 = arith.addi %mul3A_259, %add3A_260 : i32
      %mul3A_262 = arith.constant 16 : i32
      %mul3A_263 = arith.muli %add3A_261, %mul3A_262 : i32
      %get3A_264 = arith.index_cast %mul3A_263 : i32 to index
      %get3A_265 = tpu.vector_load %arg5[%get3A_264] {strides = array<i32>} : memref<8736xf32, #tpu.memory_space<vmem>>, vector<16xf32>,
      %bitcast3A_266 = vector.bitcast %get3A_265 : vector<16xf32> to vector<16xi32>
      %ge3A_267 = arith.cmpi sge, %bitcast3A_266, %or3A_65 : vector<16xi32>
      %all_reduce_population_count3A_268 = tpu.all_reduce %ge3A_267 {dim = 0 : i64, kind = #tpu.reduction_kind<sum>} : vector<16xi1> -> vector<16xi32>
      %add3A_269 = arith.addi %add3A_257, %all_reduce_population_count3A_268 : vector<16xi32>
      %mul3A_270 = arith.constant 6 : i32
      %mul3A_271 = arith.muli %scan3A_234, %mul3A_270 : i32
      %add3A_272 = arith.constant 3 : i32
      %add3A_273 = arith.addi %mul3A_271, %add3A_272 : i32
      %mul3A_274 = arith.constant 16 : i32
      %mul3A_275 = arith.muli %add3A_273, %mul3A_274 : i32
      %get3A_276 = arith.index_cast %mul3A_275 : i32 to index
      %get3A_277 = tpu.vector_load %arg5[%get3A_276] {strides = array<i32>} : memref<8736xf32, #tpu.memory_space<vmem>>, vector<16xf32>,
      %bitcast3A_278 = vector.bitcast %get3A_277 : vector<16xf32> to vector<16xi32>
      %ge3A_279 = arith.cmpi sge, %bitcast3A_278, %or3A_65 : vector<16xi32>
      %all_reduce_population_count3A_280 = tpu.all_reduce %ge3A_279 {dim = 0 : i64, kind = #tpu.reduction_kind<sum>} : vector<16xi1> -> vector<16xi32>
      %add3A_281 = arith.addi %add3A_269, %all_reduce_population_count3A_280 : vector<16xi32>
      %mul3A_282 = arith.constant 6 : i32
      %mul3A_283 = arith.muli %scan3A_234, %mul3A_282 : i32
      %add3A_284 = arith.constant 4 : i32
      %add3A_285 = arith.addi %mul3A_283, %add3A_284 : i32
      %mul3A_286 = arith.constant 16 : i32
      %mul3A_287 = arith.muli %add3A_285, %mul3A_286 : i32
      %get3A_288 = arith.index_cast %mul3A_287 : i32 to index
      %get3A_289 = tpu.vector_load %arg5[%get3A_288] {strides = array<i32>} : memref<8736xf32, #tpu.memory_space<vmem>>, vector<16xf32>,
      %bitcast3A_290 = vector.bitcast %get3A_289 : vector<16xf32> to vector<16xi32>
      %ge3A_291 = arith.cmpi sge, %bitcast3A_290, %or3A_65 : vector<16xi32>
      %all_reduce_population_count3A_292 = tpu.all_reduce %ge3A_291 {dim = 0 : i64, kind = #tpu.reduction_kind<sum>} : vector<16xi1> -> vector<16xi32>
      %add3A_293 = arith.addi %add3A_281, %all_reduce_population_count3A_292 : vector<16xi32>
      %mul3A_294 = arith.constant 6 : i32
      %mul3A_295 = arith.muli %scan3A_234, %mul3A_294 : i32
      %add3A_296 = arith.constant 5 : i32
      %add3A_297 = arith.addi %mul3A_295, %add3A_296 : i32
      %mul3A_298 = arith.constant 16 : i32
      %mul3A_299 = arith.muli %add3A_297, %mul3A_298 : i32
      %get3A_300 = arith.index_cast %mul3A_299 : i32 to index
      %get3A_301 = tpu.vector_load %arg5[%get3A_300] {strides = array<i32>} : memref<8736xf32, #tpu.memory_space<vmem>>, vector<16xf32>,
      %bitcast3A_302 = vector.bitcast %get3A_301 : vector<16xf32> to vector<16xi32>
      %ge3A_303 = arith.cmpi sge, %bitcast3A_302, %or3A_65 : vector<16xi32>
      %all_reduce_population_count3A_304 = tpu.all_reduce %ge3A_303 {dim = 0 : i64, kind = #tpu.reduction_kind<sum>} : vector<16xi1> -> vector<16xi32>
      %add3A_305 = arith.addi %add3A_293, %all_reduce_population_count3A_304 : vector<16xi32>
      scf.yield %add3A_305 : vector<16xi32>
    }
    %scan3A_73 = arith.constant 91 : i32
    %ge3A_74 = arith.cmpi sge, %scan3A_72, %mul3A_11 : vector<16xi32>
    %select_n3A_75 = arith.select %ge3A_74, %or3A_65, %select_n3A_62 : vector<16xi1>, vector<16xi32>
    %or3A_76 = arith.constant 33554432 : i32
    %or3A_77 = vector.broadcast %or3A_76 : i32 to vector<16xi32>
    %or3A_78 = arith.ori %select_n3A_75, %or3A_77 : vector<16xi32>
    %broadcast_in_dim3A_79 = arith.constant 0 : i32
    %broadcast_in_dim3A_80 = vector.broadcast %broadcast_in_dim3A_79 : i32 to vector<16xi32>
    %scan3A_81 = arith.constant 0 : i32
    %scan3A_82 = arith.constant 91 : i32
    %scan3A_83 = arith.addi %scan3A_81, %scan3A_82 : i32
    %scan3A_84 = arith.constant 1 : i32
    %scan3A_85 = scf.for %scan3A_234 = %scan3A_81 to %scan3A_83 step %scan3A_84 iter_args(%scan3A_235 = %broadcast_in_dim3A_80) -> (vector<16xi32>)  : i32 {
      %mul3A_236 = arith.constant 6 : i32
      %mul3A_237 = arith.muli %scan3A_234, %mul3A_236 : i32
      %add3A_238 = arith.constant 0 : i32
      %add3A_239 = arith.addi %mul3A_237, %add3A_238 : i32
      %mul3A_240 = arith.constant 16 : i32
      %mul3A_241 = arith.muli %add3A_239, %mul3A_240 : i32
      %get3A = arith.index_cast %mul3A_241 : i32 to index
      %get3A_242 = tpu.vector_load %arg5[%get3A] {strides = array<i32>} : memref<8736xf32, #tpu.memory_space<vmem>>, vector<16xf32>,
      %bitcast3A_243 = vector.bitcast %get3A_242 : vector<16xf32> to vector<16xi32>
      %ge3A_244 = arith.cmpi sge, %bitcast3A_243, %or3A_78 : vector<16xi32>
      %all_reduce_population_count3A = tpu.all_reduce %ge3A_244 {dim = 0 : i64, kind = #tpu.reduction_kind<sum>} : vector<16xi1> -> vector<16xi32>
      %add3A_245 = arith.addi %scan3A_235, %all_reduce_population_count3A : vector<16xi32>
      %mul3A_246 = arith.constant 6 : i32
      %mul3A_247 = arith.muli %scan3A_234, %mul3A_246 : i32
      %add3A_248 = arith.constant 1 : i32
      %add3A_249 = arith.addi %mul3A_247, %add3A_248 : i32
      %mul3A_250 = arith.constant 16 : i32
      %mul3A_251 = arith.muli %add3A_249, %mul3A_250 : i32
      %get3A_252 = arith.index_cast %mul3A_251 : i32 to index
      %get3A_253 = tpu.vector_load %arg5[%get3A_252] {strides = array<i32>} : memref<8736xf32, #tpu.memory_space<vmem>>, vector<16xf32>,
      %bitcast3A_254 = vector.bitcast %get3A_253 : vector<16xf32> to vector<16xi32>
      %ge3A_255 = arith.cmpi sge, %bitcast3A_254, %or3A_78 : vector<16xi32>
      %all_reduce_population_count3A_256 = tpu.all_reduce %ge3A_255 {dim = 0 : i64, kind = #tpu.reduction_kind<sum>} : vector<16xi1> -> vector<16xi32>
      %add3A_257 = arith.addi %add3A_245, %all_reduce_population_count3A_256 : vector<16xi32>
      %mul3A_258 = arith.constant 6 : i32
      %mul3A_259 = arith.muli %scan3A_234, %mul3A_258 : i32
      %add3A_260 = arith.constant 2 : i32
      %add3A_261 = arith.addi %mul3A_259, %add3A_260 : i32
      %mul3A_262 = arith.constant 16 : i32
      %mul3A_263 = arith.muli %add3A_261, %mul3A_262 : i32
      %get3A_264 = arith.index_cast %mul3A_263 : i32 to index
      %get3A_265 = tpu.vector_load %arg5[%get3A_264] {strides = array<i32>} : memref<8736xf32, #tpu.memory_space<vmem>>, vector<16xf32>,
      %bitcast3A_266 = vector.bitcast %get3A_265 : vector<16xf32> to vector<16xi32>
      %ge3A_267 = arith.cmpi sge, %bitcast3A_266, %or3A_78 : vector<16xi32>
      %all_reduce_population_count3A_268 = tpu.all_reduce %ge3A_267 {dim = 0 : i64, kind = #tpu.reduction_kind<sum>} : vector<16xi1> -> vector<16xi32>
      %add3A_269 = arith.addi %add3A_257, %all_reduce_population_count3A_268 : vector<16xi32>
      %mul3A_270 = arith.constant 6 : i32
      %mul3A_271 = arith.muli %scan3A_234, %mul3A_270 : i32
      %add3A_272 = arith.constant 3 : i32
      %add3A_273 = arith.addi %mul3A_271, %add3A_272 : i32
      %mul3A_274 = arith.constant 16 : i32
      %mul3A_275 = arith.muli %add3A_273, %mul3A_274 : i32
      %get3A_276 = arith.index_cast %mul3A_275 : i32 to index
      %get3A_277 = tpu.vector_load %arg5[%get3A_276] {strides = array<i32>} : memref<8736xf32, #tpu.memory_space<vmem>>, vector<16xf32>,
      %bitcast3A_278 = vector.bitcast %get3A_277 : vector<16xf32> to vector<16xi32>
      %ge3A_279 = arith.cmpi sge, %bitcast3A_278, %or3A_78 : vector<16xi32>
      %all_reduce_population_count3A_280 = tpu.all_reduce %ge3A_279 {dim = 0 : i64, kind = #tpu.reduction_kind<sum>} : vector<16xi1> -> vector<16xi32>
      %add3A_281 = arith.addi %add3A_269, %all_reduce_population_count3A_280 : vector<16xi32>
      %mul3A_282 = arith.constant 6 : i32
      %mul3A_283 = arith.muli %scan3A_234, %mul3A_282 : i32
      %add3A_284 = arith.constant 4 : i32
      %add3A_285 = arith.addi %mul3A_283, %add3A_284 : i32
      %mul3A_286 = arith.constant 16 : i32
      %mul3A_287 = arith.muli %add3A_285, %mul3A_286 : i32
      %get3A_288 = arith.index_cast %mul3A_287 : i32 to index
      %get3A_289 = tpu.vector_load %arg5[%get3A_288] {strides = array<i32>} : memref<8736xf32, #tpu.memory_space<vmem>>, vector<16xf32>,
      %bitcast3A_290 = vector.bitcast %get3A_289 : vector<16xf32> to vector<16xi32>
      %ge3A_291 = arith.cmpi sge, %bitcast3A_290, %or3A_78 : vector<16xi32>
      %all_reduce_population_count3A_292 = tpu.all_reduce %ge3A_291 {dim = 0 : i64, kind = #tpu.reduction_kind<sum>} : vector<16xi1> -> vector<16xi32>
      %add3A_293 = arith.addi %add3A_281, %all_reduce_population_count3A_292 : vector<16xi32>
      %mul3A_294 = arith.constant 6 : i32
      %mul3A_295 = arith.muli %scan3A_234, %mul3A_294 : i32
      %add3A_296 = arith.constant 5 : i32
      %add3A_297 = arith.addi %mul3A_295, %add3A_296 : i32
      %mul3A_298 = arith.constant 16 : i32
      %mul3A_299 = arith.muli %add3A_297, %mul3A_298 : i32
      %get3A_300 = arith.index_cast %mul3A_299 : i32 to index
      %get3A_301 = tpu.vector_load %arg5[%get3A_300] {strides = array<i32>} : memref<8736xf32, #tpu.memory_space<vmem>>, vector<16xf32>,
      %bitcast3A_302 = vector.bitcast %get3A_301 : vector<16xf32> to vector<16xi32>
      %ge3A_303 = arith.cmpi sge, %bitcast3A_302, %or3A_78 : vector<16xi32>
      %all_reduce_population_count3A_304 = tpu.all_reduce %ge3A_303 {dim = 0 : i64, kind = #tpu.reduction_kind<sum>} : vector<16xi1> -> vector<16xi32>
      %add3A_305 = arith.addi %add3A_293, %all_reduce_population_count3A_304 : vector<16xi32>
      scf.yield %add3A_305 : vector<16xi32>
    }
    %scan3A_86 = arith.constant 91 : i32
    %ge3A_87 = arith.cmpi sge, %scan3A_85, %mul3A_11 : vector<16xi32>
    %select_n3A_88 = arith.select %ge3A_87, %or3A_78, %select_n3A_75 : vector<16xi1>, vector<16xi32>
    %or3A_89 = arith.constant 16777216 : i32
    %or3A_90 = vector.broadcast %or3A_89 : i32 to vector<16xi32>
    %or3A_91 = arith.ori %select_n3A_88, %or3A_90 : vector<16xi32>
    %broadcast_in_dim3A_92 = arith.constant 0 : i32
    %broadcast_in_dim3A_93 = vector.broadcast %broadcast_in_dim3A_92 : i32 to vector<16xi32>
    %scan3A_94 = arith.constant 0 : i32
    %scan3A_95 = arith.constant 91 : i32
    %scan3A_96 = arith.addi %scan3A_94, %scan3A_95 : i32
    %scan3A_97 = arith.constant 1 : i32
    %scan3A_98 = scf.for %scan3A_234 = %scan3A_94 to %scan3A_96 step %scan3A_97 iter_args(%scan3A_235 = %broadcast_in_dim3A_93) -> (vector<16xi32>)  : i32 {
      %mul3A_236 = arith.constant 6 : i32
      %mul3A_237 = arith.muli %scan3A_234, %mul3A_236 : i32
      %add3A_238 = arith.constant 0 : i32
      %add3A_239 = arith.addi %mul3A_237, %add3A_238 : i32
      %mul3A_240 = arith.constant 16 : i32
      %mul3A_241 = arith.muli %add3A_239, %mul3A_240 : i32
      %get3A = arith.index_cast %mul3A_241 : i32 to index
      %get3A_242 = tpu.vector_load %arg5[%get3A] {strides = array<i32>} : memref<8736xf32, #tpu.memory_space<vmem>>, vector<16xf32>,
      %bitcast3A_243 = vector.bitcast %get3A_242 : vector<16xf32> to vector<16xi32>
      %ge3A_244 = arith.cmpi sge, %bitcast3A_243, %or3A_91 : vector<16xi32>
      %all_reduce_population_count3A = tpu.all_reduce %ge3A_244 {dim = 0 : i64, kind = #tpu.reduction_kind<sum>} : vector<16xi1> -> vector<16xi32>
      %add3A_245 = arith.addi %scan3A_235, %all_reduce_population_count3A : vector<16xi32>
      %mul3A_246 = arith.constant 6 : i32
      %mul3A_247 = arith.muli %scan3A_234, %mul3A_246 : i32
      %add3A_248 = arith.constant 1 : i32
      %add3A_249 = arith.addi %mul3A_247, %add3A_248 : i32
      %mul3A_250 = arith.constant 16 : i32
      %mul3A_251 = arith.muli %add3A_249, %mul3A_250 : i32
      %get3A_252 = arith.index_cast %mul3A_251 : i32 to index
      %get3A_253 = tpu.vector_load %arg5[%get3A_252] {strides = array<i32>} : memref<8736xf32, #tpu.memory_space<vmem>>, vector<16xf32>,
      %bitcast3A_254 = vector.bitcast %get3A_253 : vector<16xf32> to vector<16xi32>
      %ge3A_255 = arith.cmpi sge, %bitcast3A_254, %or3A_91 : vector<16xi32>
      %all_reduce_population_count3A_256 = tpu.all_reduce %ge3A_255 {dim = 0 : i64, kind = #tpu.reduction_kind<sum>} : vector<16xi1> -> vector<16xi32>
      %add3A_257 = arith.addi %add3A_245, %all_reduce_population_count3A_256 : vector<16xi32>
      %mul3A_258 = arith.constant 6 : i32
      %mul3A_259 = arith.muli %scan3A_234, %mul3A_258 : i32
      %add3A_260 = arith.constant 2 : i32
      %add3A_261 = arith.addi %mul3A_259, %add3A_260 : i32
      %mul3A_262 = arith.constant 16 : i32
      %mul3A_263 = arith.muli %add3A_261, %mul3A_262 : i32
      %get3A_264 = arith.index_cast %mul3A_263 : i32 to index
      %get3A_265 = tpu.vector_load %arg5[%get3A_264] {strides = array<i32>} : memref<8736xf32, #tpu.memory_space<vmem>>, vector<16xf32>,
      %bitcast3A_266 = vector.bitcast %get3A_265 : vector<16xf32> to vector<16xi32>
      %ge3A_267 = arith.cmpi sge, %bitcast3A_266, %or3A_91 : vector<16xi32>
      %all_reduce_population_count3A_268 = tpu.all_reduce %ge3A_267 {dim = 0 : i64, kind = #tpu.reduction_kind<sum>} : vector<16xi1> -> vector<16xi32>
      %add3A_269 = arith.addi %add3A_257, %all_reduce_population_count3A_268 : vector<16xi32>
      %mul3A_270 = arith.constant 6 : i32
      %mul3A_271 = arith.muli %scan3A_234, %mul3A_270 : i32
      %add3A_272 = arith.constant 3 : i32
      %add3A_273 = arith.addi %mul3A_271, %add3A_272 : i32
      %mul3A_274 = arith.constant 16 : i32
      %mul3A_275 = arith.muli %add3A_273, %mul3A_274 : i32
      %get3A_276 = arith.index_cast %mul3A_275 : i32 to index
      %get3A_277 = tpu.vector_load %arg5[%get3A_276] {strides = array<i32>} : memref<8736xf32, #tpu.memory_space<vmem>>, vector<16xf32>,
      %bitcast3A_278 = vector.bitcast %get3A_277 : vector<16xf32> to vector<16xi32>
      %ge3A_279 = arith.cmpi sge, %bitcast3A_278, %or3A_91 : vector<16xi32>
      %all_reduce_population_count3A_280 = tpu.all_reduce %ge3A_279 {dim = 0 : i64, kind = #tpu.reduction_kind<sum>} : vector<16xi1> -> vector<16xi32>
      %add3A_281 = arith.addi %add3A_269, %all_reduce_population_count3A_280 : vector<16xi32>
      %mul3A_282 = arith.constant 6 : i32
      %mul3A_283 = arith.muli %scan3A_234, %mul3A_282 : i32
      %add3A_284 = arith.constant 4 : i32
      %add3A_285 = arith.addi %mul3A_283, %add3A_284 : i32
      %mul3A_286 = arith.constant 16 : i32
      %mul3A_287 = arith.muli %add3A_285, %mul3A_286 : i32
      %get3A_288 = arith.index_cast %mul3A_287 : i32 to index
      %get3A_289 = tpu.vector_load %arg5[%get3A_288] {strides = array<i32>} : memref<8736xf32, #tpu.memory_space<vmem>>, vector<16xf32>,
      %bitcast3A_290 = vector.bitcast %get3A_289 : vector<16xf32> to vector<16xi32>
      %ge3A_291 = arith.cmpi sge, %bitcast3A_290, %or3A_91 : vector<16xi32>
      %all_reduce_population_count3A_292 = tpu.all_reduce %ge3A_291 {dim = 0 : i64, kind = #tpu.reduction_kind<sum>} : vector<16xi1> -> vector<16xi32>
      %add3A_293 = arith.addi %add3A_281, %all_reduce_population_count3A_292 : vector<16xi32>
      %mul3A_294 = arith.constant 6 : i32
      %mul3A_295 = arith.muli %scan3A_234, %mul3A_294 : i32
      %add3A_296 = arith.constant 5 : i32
      %add3A_297 = arith.addi %mul3A_295, %add3A_296 : i32
      %mul3A_298 = arith.constant 16 : i32
      %mul3A_299 = arith.muli %add3A_297, %mul3A_298 : i32
      %get3A_300 = arith.index_cast %mul3A_299 : i32 to index
      %get3A_301 = tpu.vector_load %arg5[%get3A_300] {strides = array<i32>} : memref<8736xf32, #tpu.memory_space<vmem>>, vector<16xf32>,
      %bitcast3A_302 = vector.bitcast %get3A_301 : vector<16xf32> to vector<16xi32>
      %ge3A_303 = arith.cmpi sge, %bitcast3A_302, %or3A_91 : vector<16xi32>
      %all_reduce_population_count3A_304 = tpu.all_reduce %ge3A_303 {dim = 0 : i64, kind = #tpu.reduction_kind<sum>} : vector<16xi1> -> vector<16xi32>
      %add3A_305 = arith.addi %add3A_293, %all_reduce_population_count3A_304 : vector<16xi32>
      scf.yield %add3A_305 : vector<16xi32>
    }
    %scan3A_99 = arith.constant 91 : i32
    %ge3A_100 = arith.cmpi sge, %scan3A_98, %mul3A_11 : vector<16xi32>
    %select_n3A_101 = arith.select %ge3A_100, %or3A_91, %select_n3A_88 : vector<16xi1>, vector<16xi32>
    %or3A_102 = arith.constant 8388608 : i32
    %or3A_103 = vector.broadcast %or3A_102 : i32 to vector<16xi32>
    %or3A_104 = arith.ori %select_n3A_101, %or3A_103 : vector<16xi32>
    %broadcast_in_dim3A_105 = arith.constant 0 : i32
    %broadcast_in_dim3A_106 = vector.broadcast %broadcast_in_dim3A_105 : i32 to vector<16xi32>
    %scan3A_107 = arith.constant 0 : i32
    %scan3A_108 = arith.constant 91 : i32
    %scan3A_109 = arith.addi %scan3A_107, %scan3A_108 : i32
    %scan3A_110 = arith.constant 1 : i32
    %scan3A_111 = scf.for %scan3A_234 = %scan3A_107 to %scan3A_109 step %scan3A_110 iter_args(%scan3A_235 = %broadcast_in_dim3A_106) -> (vector<16xi32>)  : i32 {
      %mul3A_236 = arith.constant 6 : i32
      %mul3A_237 = arith.muli %scan3A_234, %mul3A_236 : i32
      %add3A_238 = arith.constant 0 : i32
      %add3A_239 = arith.addi %mul3A_237, %add3A_238 : i32
      %mul3A_240 = arith.constant 16 : i32
      %mul3A_241 = arith.muli %add3A_239, %mul3A_240 : i32
      %get3A = arith.index_cast %mul3A_241 : i32 to index
      %get3A_242 = tpu.vector_load %arg5[%get3A] {strides = array<i32>} : memref<8736xf32, #tpu.memory_space<vmem>>, vector<16xf32>,
      %bitcast3A_243 = vector.bitcast %get3A_242 : vector<16xf32> to vector<16xi32>
      %ge3A_244 = arith.cmpi sge, %bitcast3A_243, %or3A_104 : vector<16xi32>
      %all_reduce_population_count3A = tpu.all_reduce %ge3A_244 {dim = 0 : i64, kind = #tpu.reduction_kind<sum>} : vector<16xi1> -> vector<16xi32>
      %add3A_245 = arith.addi %scan3A_235, %all_reduce_population_count3A : vector<16xi32>
      %mul3A_246 = arith.constant 6 : i32
      %mul3A_247 = arith.muli %scan3A_234, %mul3A_246 : i32
      %add3A_248 = arith.constant 1 : i32
      %add3A_249 = arith.addi %mul3A_247, %add3A_248 : i32
      %mul3A_250 = arith.constant 16 : i32
      %mul3A_251 = arith.muli %add3A_249, %mul3A_250 : i32
      %get3A_252 = arith.index_cast %mul3A_251 : i32 to index
      %get3A_253 = tpu.vector_load %arg5[%get3A_252] {strides = array<i32>} : memref<8736xf32, #tpu.memory_space<vmem>>, vector<16xf32>,
      %bitcast3A_254 = vector.bitcast %get3A_253 : vector<16xf32> to vector<16xi32>
      %ge3A_255 = arith.cmpi sge, %bitcast3A_254, %or3A_104 : vector<16xi32>
      %all_reduce_population_count3A_256 = tpu.all_reduce %ge3A_255 {dim = 0 : i64, kind = #tpu.reduction_kind<sum>} : vector<16xi1> -> vector<16xi32>
      %add3A_257 = arith.addi %add3A_245, %all_reduce_population_count3A_256 : vector<16xi32>
      %mul3A_258 = arith.constant 6 : i32
      %mul3A_259 = arith.muli %scan3A_234, %mul3A_258 : i32
      %add3A_260 = arith.constant 2 : i32
      %add3A_261 = arith.addi %mul3A_259, %add3A_260 : i32
      %mul3A_262 = arith.constant 16 : i32
      %mul3A_263 = arith.muli %add3A_261, %mul3A_262 : i32
      %get3A_264 = arith.index_cast %mul3A_263 : i32 to index
      %get3A_265 = tpu.vector_load %arg5[%get3A_264] {strides = array<i32>} : memref<8736xf32, #tpu.memory_space<vmem>>, vector<16xf32>,
      %bitcast3A_266 = vector.bitcast %get3A_265 : vector<16xf32> to vector<16xi32>
      %ge3A_267 = arith.cmpi sge, %bitcast3A_266, %or3A_104 : vector<16xi32>
      %all_reduce_population_count3A_268 = tpu.all_reduce %ge3A_267 {dim = 0 : i64, kind = #tpu.reduction_kind<sum>} : vector<16xi1> -> vector<16xi32>
      %add3A_269 = arith.addi %add3A_257, %all_reduce_population_count3A_268 : vector<16xi32>
      %mul3A_270 = arith.constant 6 : i32
      %mul3A_271 = arith.muli %scan3A_234, %mul3A_270 : i32
      %add3A_272 = arith.constant 3 : i32
      %add3A_273 = arith.addi %mul3A_271, %add3A_272 : i32
      %mul3A_274 = arith.constant 16 : i32
      %mul3A_275 = arith.muli %add3A_273, %mul3A_274 : i32
      %get3A_276 = arith.index_cast %mul3A_275 : i32 to index
      %get3A_277 = tpu.vector_load %arg5[%get3A_276] {strides = array<i32>} : memref<8736xf32, #tpu.memory_space<vmem>>, vector<16xf32>,
      %bitcast3A_278 = vector.bitcast %get3A_277 : vector<16xf32> to vector<16xi32>
      %ge3A_279 = arith.cmpi sge, %bitcast3A_278, %or3A_104 : vector<16xi32>
      %all_reduce_population_count3A_280 = tpu.all_reduce %ge3A_279 {dim = 0 : i64, kind = #tpu.reduction_kind<sum>} : vector<16xi1> -> vector<16xi32>
      %add3A_281 = arith.addi %add3A_269, %all_reduce_population_count3A_280 : vector<16xi32>
      %mul3A_282 = arith.constant 6 : i32
      %mul3A_283 = arith.muli %scan3A_234, %mul3A_282 : i32
      %add3A_284 = arith.constant 4 : i32
      %add3A_285 = arith.addi %mul3A_283, %add3A_284 : i32
      %mul3A_286 = arith.constant 16 : i32
      %mul3A_287 = arith.muli %add3A_285, %mul3A_286 : i32
      %get3A_288 = arith.index_cast %mul3A_287 : i32 to index
      %get3A_289 = tpu.vector_load %arg5[%get3A_288] {strides = array<i32>} : memref<8736xf32, #tpu.memory_space<vmem>>, vector<16xf32>,
      %bitcast3A_290 = vector.bitcast %get3A_289 : vector<16xf32> to vector<16xi32>
      %ge3A_291 = arith.cmpi sge, %bitcast3A_290, %or3A_104 : vector<16xi32>
      %all_reduce_population_count3A_292 = tpu.all_reduce %ge3A_291 {dim = 0 : i64, kind = #tpu.reduction_kind<sum>} : vector<16xi1> -> vector<16xi32>
      %add3A_293 = arith.addi %add3A_281, %all_reduce_population_count3A_292 : vector<16xi32>
      %mul3A_294 = arith.constant 6 : i32
      %mul3A_295 = arith.muli %scan3A_234, %mul3A_294 : i32
      %add3A_296 = arith.constant 5 : i32
      %add3A_297 = arith.addi %mul3A_295, %add3A_296 : i32
      %mul3A_298 = arith.constant 16 : i32
      %mul3A_299 = arith.muli %add3A_297, %mul3A_298 : i32
      %get3A_300 = arith.index_cast %mul3A_299 : i32 to index
      %get3A_301 = tpu.vector_load %arg5[%get3A_300] {strides = array<i32>} : memref<8736xf32, #tpu.memory_space<vmem>>, vector<16xf32>,
      %bitcast3A_302 = vector.bitcast %get3A_301 : vector<16xf32> to vector<16xi32>
      %ge3A_303 = arith.cmpi sge, %bitcast3A_302, %or3A_104 : vector<16xi32>
      %all_reduce_population_count3A_304 = tpu.all_reduce %ge3A_303 {dim = 0 : i64, kind = #tpu.reduction_kind<sum>} : vector<16xi1> -> vector<16xi32>
      %add3A_305 = arith.addi %add3A_293, %all_reduce_population_count3A_304 : vector<16xi32>
      scf.yield %add3A_305 : vector<16xi32>
    }
    %scan3A_112 = arith.constant 91 : i32
    %ge3A_113 = arith.cmpi sge, %scan3A_111, %mul3A_11 : vector<16xi32>
    %select_n3A_114 = arith.select %ge3A_113, %or3A_104, %select_n3A_101 : vector<16xi1>, vector<16xi32>
    %or3A_115 = arith.constant 4194304 : i32
    %or3A_116 = vector.broadcast %or3A_115 : i32 to vector<16xi32>
    %or3A_117 = arith.ori %select_n3A_114, %or3A_116 : vector<16xi32>
    %broadcast_in_dim3A_118 = arith.constant 0 : i32
    %broadcast_in_dim3A_119 = vector.broadcast %broadcast_in_dim3A_118 : i32 to vector<16xi32>
    %scan3A_120 = arith.constant 0 : i32
    %scan3A_121 = arith.constant 91 : i32
    %scan3A_122 = arith.addi %scan3A_120, %scan3A_121 : i32
    %scan3A_123 = arith.constant 1 : i32
    %scan3A_124 = scf.for %scan3A_234 = %scan3A_120 to %scan3A_122 step %scan3A_123 iter_args(%scan3A_235 = %broadcast_in_dim3A_119) -> (vector<16xi32>)  : i32 {
      %mul3A_236 = arith.constant 6 : i32
      %mul3A_237 = arith.muli %scan3A_234, %mul3A_236 : i32
      %add3A_238 = arith.constant 0 : i32
      %add3A_239 = arith.addi %mul3A_237, %add3A_238 : i32
      %mul3A_240 = arith.constant 16 : i32
      %mul3A_241 = arith.muli %add3A_239, %mul3A_240 : i32
      %get3A = arith.index_cast %mul3A_241 : i32 to index
      %get3A_242 = tpu.vector_load %arg5[%get3A] {strides = array<i32>} : memref<8736xf32, #tpu.memory_space<vmem>>, vector<16xf32>,
      %bitcast3A_243 = vector.bitcast %get3A_242 : vector<16xf32> to vector<16xi32>
      %ge3A_244 = arith.cmpi sge, %bitcast3A_243, %or3A_117 : vector<16xi32>
      %all_reduce_population_count3A = tpu.all_reduce %ge3A_244 {dim = 0 : i64, kind = #tpu.reduction_kind<sum>} : vector<16xi1> -> vector<16xi32>
      %add3A_245 = arith.addi %scan3A_235, %all_reduce_population_count3A : vector<16xi32>
      %mul3A_246 = arith.constant 6 : i32
      %mul3A_247 = arith.muli %scan3A_234, %mul3A_246 : i32
      %add3A_248 = arith.constant 1 : i32
      %add3A_249 = arith.addi %mul3A_247, %add3A_248 : i32
      %mul3A_250 = arith.constant 16 : i32
      %mul3A_251 = arith.muli %add3A_249, %mul3A_250 : i32
      %get3A_252 = arith.index_cast %mul3A_251 : i32 to index
      %get3A_253 = tpu.vector_load %arg5[%get3A_252] {strides = array<i32>} : memref<8736xf32, #tpu.memory_space<vmem>>, vector<16xf32>,
      %bitcast3A_254 = vector.bitcast %get3A_253 : vector<16xf32> to vector<16xi32>
      %ge3A_255 = arith.cmpi sge, %bitcast3A_254, %or3A_117 : vector<16xi32>
      %all_reduce_population_count3A_256 = tpu.all_reduce %ge3A_255 {dim = 0 : i64, kind = #tpu.reduction_kind<sum>} : vector<16xi1> -> vector<16xi32>
      %add3A_257 = arith.addi %add3A_245, %all_reduce_population_count3A_256 : vector<16xi32>
      %mul3A_258 = arith.constant 6 : i32
      %mul3A_259 = arith.muli %scan3A_234, %mul3A_258 : i32
      %add3A_260 = arith.constant 2 : i32
      %add3A_261 = arith.addi %mul3A_259, %add3A_260 : i32
      %mul3A_262 = arith.constant 16 : i32
      %mul3A_263 = arith.muli %add3A_261, %mul3A_262 : i32
      %get3A_264 = arith.index_cast %mul3A_263 : i32 to index
      %get3A_265 = tpu.vector_load %arg5[%get3A_264] {strides = array<i32>} : memref<8736xf32, #tpu.memory_space<vmem>>, vector<16xf32>,
      %bitcast3A_266 = vector.bitcast %get3A_265 : vector<16xf32> to vector<16xi32>
      %ge3A_267 = arith.cmpi sge, %bitcast3A_266, %or3A_117 : vector<16xi32>
      %all_reduce_population_count3A_268 = tpu.all_reduce %ge3A_267 {dim = 0 : i64, kind = #tpu.reduction_kind<sum>} : vector<16xi1> -> vector<16xi32>
      %add3A_269 = arith.addi %add3A_257, %all_reduce_population_count3A_268 : vector<16xi32>
      %mul3A_270 = arith.constant 6 : i32
      %mul3A_271 = arith.muli %scan3A_234, %mul3A_270 : i32
      %add3A_272 = arith.constant 3 : i32
      %add3A_273 = arith.addi %mul3A_271, %add3A_272 : i32
      %mul3A_274 = arith.constant 16 : i32
      %mul3A_275 = arith.muli %add3A_273, %mul3A_274 : i32
      %get3A_276 = arith.index_cast %mul3A_275 : i32 to index
      %get3A_277 = tpu.vector_load %arg5[%get3A_276] {strides = array<i32>} : memref<8736xf32, #tpu.memory_space<vmem>>, vector<16xf32>,
      %bitcast3A_278 = vector.bitcast %get3A_277 : vector<16xf32> to vector<16xi32>
      %ge3A_279 = arith.cmpi sge, %bitcast3A_278, %or3A_117 : vector<16xi32>
      %all_reduce_population_count3A_280 = tpu.all_reduce %ge3A_279 {dim = 0 : i64, kind = #tpu.reduction_kind<sum>} : vector<16xi1> -> vector<16xi32>
      %add3A_281 = arith.addi %add3A_269, %all_reduce_population_count3A_280 : vector<16xi32>
      %mul3A_282 = arith.constant 6 : i32
      %mul3A_283 = arith.muli %scan3A_234, %mul3A_282 : i32
      %add3A_284 = arith.constant 4 : i32
      %add3A_285 = arith.addi %mul3A_283, %add3A_284 : i32
      %mul3A_286 = arith.constant 16 : i32
      %mul3A_287 = arith.muli %add3A_285, %mul3A_286 : i32
      %get3A_288 = arith.index_cast %mul3A_287 : i32 to index
      %get3A_289 = tpu.vector_load %arg5[%get3A_288] {strides = array<i32>} : memref<8736xf32, #tpu.memory_space<vmem>>, vector<16xf32>,
      %bitcast3A_290 = vector.bitcast %get3A_289 : vector<16xf32> to vector<16xi32>
      %ge3A_291 = arith.cmpi sge, %bitcast3A_290, %or3A_117 : vector<16xi32>
      %all_reduce_population_count3A_292 = tpu.all_reduce %ge3A_291 {dim = 0 : i64, kind = #tpu.reduction_kind<sum>} : vector<16xi1> -> vector<16xi32>
      %add3A_293 = arith.addi %add3A_281, %all_reduce_population_count3A_292 : vector<16xi32>
      %mul3A_294 = arith.constant 6 : i32
      %mul3A_295 = arith.muli %scan3A_234, %mul3A_294 : i32
      %add3A_296 = arith.constant 5 : i32
      %add3A_297 = arith.addi %mul3A_295, %add3A_296 : i32
      %mul3A_298 = arith.constant 16 : i32
      %mul3A_299 = arith.muli %add3A_297, %mul3A_298 : i32
      %get3A_300 = arith.index_cast %mul3A_299 : i32 to index
      %get3A_301 = tpu.vector_load %arg5[%get3A_300] {strides = array<i32>} : memref<8736xf32, #tpu.memory_space<vmem>>, vector<16xf32>,
      %bitcast3A_302 = vector.bitcast %get3A_301 : vector<16xf32> to vector<16xi32>
      %ge3A_303 = arith.cmpi sge, %bitcast3A_302, %or3A_117 : vector<16xi32>
      %all_reduce_population_count3A_304 = tpu.all_reduce %ge3A_303 {dim = 0 : i64, kind = #tpu.reduction_kind<sum>} : vector<16xi1> -> vector<16xi32>
      %add3A_305 = arith.addi %add3A_293, %all_reduce_population_count3A_304 : vector<16xi32>
      scf.yield %add3A_305 : vector<16xi32>
    }
    %scan3A_125 = arith.constant 91 : i32
    %ge3A_126 = arith.cmpi sge, %scan3A_124, %mul3A_11 : vector<16xi32>
    %select_n3A_127 = arith.select %ge3A_126, %or3A_117, %select_n3A_114 : vector<16xi1>, vector<16xi32>
    %or3A_128 = arith.constant 2097152 : i32
    %or3A_129 = vector.broadcast %or3A_128 : i32 to vector<16xi32>
    %or3A_130 = arith.ori %select_n3A_127, %or3A_129 : vector<16xi32>
    %broadcast_in_dim3A_131 = arith.constant 0 : i32
    %broadcast_in_dim3A_132 = vector.broadcast %broadcast_in_dim3A_131 : i32 to vector<16xi32>
    %scan3A_133 = arith.constant 0 : i32
    %scan3A_134 = arith.constant 91 : i32
    %scan3A_135 = arith.addi %scan3A_133, %scan3A_134 : i32
    %scan3A_136 = arith.constant 1 : i32
    %scan3A_137 = scf.for %scan3A_234 = %scan3A_133 to %scan3A_135 step %scan3A_136 iter_args(%scan3A_235 = %broadcast_in_dim3A_132) -> (vector<16xi32>)  : i32 {
      %mul3A_236 = arith.constant 6 : i32
      %mul3A_237 = arith.muli %scan3A_234, %mul3A_236 : i32
      %add3A_238 = arith.constant 0 : i32
      %add3A_239 = arith.addi %mul3A_237, %add3A_238 : i32
      %mul3A_240 = arith.constant 16 : i32
      %mul3A_241 = arith.muli %add3A_239, %mul3A_240 : i32
      %get3A = arith.index_cast %mul3A_241 : i32 to index
      %get3A_242 = tpu.vector_load %arg5[%get3A] {strides = array<i32>} : memref<8736xf32, #tpu.memory_space<vmem>>, vector<16xf32>,
      %bitcast3A_243 = vector.bitcast %get3A_242 : vector<16xf32> to vector<16xi32>
      %ge3A_244 = arith.cmpi sge, %bitcast3A_243, %or3A_130 : vector<16xi32>
      %all_reduce_population_count3A = tpu.all_reduce %ge3A_244 {dim = 0 : i64, kind = #tpu.reduction_kind<sum>} : vector<16xi1> -> vector<16xi32>
      %add3A_245 = arith.addi %scan3A_235, %all_reduce_population_count3A : vector<16xi32>
      %mul3A_246 = arith.constant 6 : i32
      %mul3A_247 = arith.muli %scan3A_234, %mul3A_246 : i32
      %add3A_248 = arith.constant 1 : i32
      %add3A_249 = arith.addi %mul3A_247, %add3A_248 : i32
      %mul3A_250 = arith.constant 16 : i32
      %mul3A_251 = arith.muli %add3A_249, %mul3A_250 : i32
      %get3A_252 = arith.index_cast %mul3A_251 : i32 to index
      %get3A_253 = tpu.vector_load %arg5[%get3A_252] {strides = array<i32>} : memref<8736xf32, #tpu.memory_space<vmem>>, vector<16xf32>,
      %bitcast3A_254 = vector.bitcast %get3A_253 : vector<16xf32> to vector<16xi32>
      %ge3A_255 = arith.cmpi sge, %bitcast3A_254, %or3A_130 : vector<16xi32>
      %all_reduce_population_count3A_256 = tpu.all_reduce %ge3A_255 {dim = 0 : i64, kind = #tpu.reduction_kind<sum>} : vector<16xi1> -> vector<16xi32>
      %add3A_257 = arith.addi %add3A_245, %all_reduce_population_count3A_256 : vector<16xi32>
      %mul3A_258 = arith.constant 6 : i32
      %mul3A_259 = arith.muli %scan3A_234, %mul3A_258 : i32
      %add3A_260 = arith.constant 2 : i32
      %add3A_261 = arith.addi %mul3A_259, %add3A_260 : i32
      %mul3A_262 = arith.constant 16 : i32
      %mul3A_263 = arith.muli %add3A_261, %mul3A_262 : i32
      %get3A_264 = arith.index_cast %mul3A_263 : i32 to index
      %get3A_265 = tpu.vector_load %arg5[%get3A_264] {strides = array<i32>} : memref<8736xf32, #tpu.memory_space<vmem>>, vector<16xf32>,
      %bitcast3A_266 = vector.bitcast %get3A_265 : vector<16xf32> to vector<16xi32>
      %ge3A_267 = arith.cmpi sge, %bitcast3A_266, %or3A_130 : vector<16xi32>
      %all_reduce_population_count3A_268 = tpu.all_reduce %ge3A_267 {dim = 0 : i64, kind = #tpu.reduction_kind<sum>} : vector<16xi1> -> vector<16xi32>
      %add3A_269 = arith.addi %add3A_257, %all_reduce_population_count3A_268 : vector<16xi32>
      %mul3A_270 = arith.constant 6 : i32
      %mul3A_271 = arith.muli %scan3A_234, %mul3A_270 : i32
      %add3A_272 = arith.constant 3 : i32
      %add3A_273 = arith.addi %mul3A_271, %add3A_272 : i32
      %mul3A_274 = arith.constant 16 : i32
      %mul3A_275 = arith.muli %add3A_273, %mul3A_274 : i32
      %get3A_276 = arith.index_cast %mul3A_275 : i32 to index
      %get3A_277 = tpu.vector_load %arg5[%get3A_276] {strides = array<i32>} : memref<8736xf32, #tpu.memory_space<vmem>>, vector<16xf32>,
      %bitcast3A_278 = vector.bitcast %get3A_277 : vector<16xf32> to vector<16xi32>
      %ge3A_279 = arith.cmpi sge, %bitcast3A_278, %or3A_130 : vector<16xi32>
      %all_reduce_population_count3A_280 = tpu.all_reduce %ge3A_279 {dim = 0 : i64, kind = #tpu.reduction_kind<sum>} : vector<16xi1> -> vector<16xi32>
      %add3A_281 = arith.addi %add3A_269, %all_reduce_population_count3A_280 : vector<16xi32>
      %mul3A_282 = arith.constant 6 : i32
      %mul3A_283 = arith.muli %scan3A_234, %mul3A_282 : i32
      %add3A_284 = arith.constant 4 : i32
      %add3A_285 = arith.addi %mul3A_283, %add3A_284 : i32
      %mul3A_286 = arith.constant 16 : i32
      %mul3A_287 = arith.muli %add3A_285, %mul3A_286 : i32
      %get3A_288 = arith.index_cast %mul3A_287 : i32 to index
      %get3A_289 = tpu.vector_load %arg5[%get3A_288] {strides = array<i32>} : memref<8736xf32, #tpu.memory_space<vmem>>, vector<16xf32>,
      %bitcast3A_290 = vector.bitcast %get3A_289 : vector<16xf32> to vector<16xi32>
      %ge3A_291 = arith.cmpi sge, %bitcast3A_290, %or3A_130 : vector<16xi32>
      %all_reduce_population_count3A_292 = tpu.all_reduce %ge3A_291 {dim = 0 : i64, kind = #tpu.reduction_kind<sum>} : vector<16xi1> -> vector<16xi32>
      %add3A_293 = arith.addi %add3A_281, %all_reduce_population_count3A_292 : vector<16xi32>
      %mul3A_294 = arith.constant 6 : i32
      %mul3A_295 = arith.muli %scan3A_234, %mul3A_294 : i32
      %add3A_296 = arith.constant 5 : i32
      %add3A_297 = arith.addi %mul3A_295, %add3A_296 : i32
      %mul3A_298 = arith.constant 16 : i32
      %mul3A_299 = arith.muli %add3A_297, %mul3A_298 : i32
      %get3A_300 = arith.index_cast %mul3A_299 : i32 to index
      %get3A_301 = tpu.vector_load %arg5[%get3A_300] {strides = array<i32>} : memref<8736xf32, #tpu.memory_space<vmem>>, vector<16xf32>,
      %bitcast3A_302 = vector.bitcast %get3A_301 : vector<16xf32> to vector<16xi32>
      %ge3A_303 = arith.cmpi sge, %bitcast3A_302, %or3A_130 : vector<16xi32>
      %all_reduce_population_count3A_304 = tpu.all_reduce %ge3A_303 {dim = 0 : i64, kind = #tpu.reduction_kind<sum>} : vector<16xi1> -> vector<16xi32>
      %add3A_305 = arith.addi %add3A_293, %all_reduce_population_count3A_304 : vector<16xi32>
      scf.yield %add3A_305 : vector<16xi32>
    }
    %scan3A_138 = arith.constant 91 : i32
    %ge3A_139 = arith.cmpi sge, %scan3A_137, %mul3A_11 : vector<16xi32>
    %select_n3A_140 = arith.select %ge3A_139, %or3A_130, %select_n3A_127 : vector<16xi1>, vector<16xi32>
    %or3A_141 = arith.constant 1048576 : i32
    %or3A_142 = vector.broadcast %or3A_141 : i32 to vector<16xi32>
    %or3A_143 = arith.ori %select_n3A_140, %or3A_142 : vector<16xi32>
    %broadcast_in_dim3A_144 = arith.constant 0 : i32
    %broadcast_in_dim3A_145 = vector.broadcast %broadcast_in_dim3A_144 : i32 to vector<16xi32>
    %scan3A_146 = arith.constant 0 : i32
    %scan3A_147 = arith.constant 91 : i32
    %scan3A_148 = arith.addi %scan3A_146, %scan3A_147 : i32
    %scan3A_149 = arith.constant 1 : i32
    %scan3A_150 = scf.for %scan3A_234 = %scan3A_146 to %scan3A_148 step %scan3A_149 iter_args(%scan3A_235 = %broadcast_in_dim3A_145) -> (vector<16xi32>)  : i32 {
      %mul3A_236 = arith.constant 6 : i32
      %mul3A_237 = arith.muli %scan3A_234, %mul3A_236 : i32
      %add3A_238 = arith.constant 0 : i32
      %add3A_239 = arith.addi %mul3A_237, %add3A_238 : i32
      %mul3A_240 = arith.constant 16 : i32
      %mul3A_241 = arith.muli %add3A_239, %mul3A_240 : i32
      %get3A = arith.index_cast %mul3A_241 : i32 to index
      %get3A_242 = tpu.vector_load %arg5[%get3A] {strides = array<i32>} : memref<8736xf32, #tpu.memory_space<vmem>>, vector<16xf32>,
      %bitcast3A_243 = vector.bitcast %get3A_242 : vector<16xf32> to vector<16xi32>
      %ge3A_244 = arith.cmpi sge, %bitcast3A_243, %or3A_143 : vector<16xi32>
      %all_reduce_population_count3A = tpu.all_reduce %ge3A_244 {dim = 0 : i64, kind = #tpu.reduction_kind<sum>} : vector<16xi1> -> vector<16xi32>
      %add3A_245 = arith.addi %scan3A_235, %all_reduce_population_count3A : vector<16xi32>
      %mul3A_246 = arith.constant 6 : i32
      %mul3A_247 = arith.muli %scan3A_234, %mul3A_246 : i32
      %add3A_248 = arith.constant 1 : i32
      %add3A_249 = arith.addi %mul3A_247, %add3A_248 : i32
      %mul3A_250 = arith.constant 16 : i32
      %mul3A_251 = arith.muli %add3A_249, %mul3A_250 : i32
      %get3A_252 = arith.index_cast %mul3A_251 : i32 to index
      %get3A_253 = tpu.vector_load %arg5[%get3A_252] {strides = array<i32>} : memref<8736xf32, #tpu.memory_space<vmem>>, vector<16xf32>,
      %bitcast3A_254 = vector.bitcast %get3A_253 : vector<16xf32> to vector<16xi32>
      %ge3A_255 = arith.cmpi sge, %bitcast3A_254, %or3A_143 : vector<16xi32>
      %all_reduce_population_count3A_256 = tpu.all_reduce %ge3A_255 {dim = 0 : i64, kind = #tpu.reduction_kind<sum>} : vector<16xi1> -> vector<16xi32>
      %add3A_257 = arith.addi %add3A_245, %all_reduce_population_count3A_256 : vector<16xi32>
      %mul3A_258 = arith.constant 6 : i32
      %mul3A_259 = arith.muli %scan3A_234, %mul3A_258 : i32
      %add3A_260 = arith.constant 2 : i32
      %add3A_261 = arith.addi %mul3A_259, %add3A_260 : i32
      %mul3A_262 = arith.constant 16 : i32
      %mul3A_263 = arith.muli %add3A_261, %mul3A_262 : i32
      %get3A_264 = arith.index_cast %mul3A_263 : i32 to index
      %get3A_265 = tpu.vector_load %arg5[%get3A_264] {strides = array<i32>} : memref<8736xf32, #tpu.memory_space<vmem>>, vector<16xf32>,
      %bitcast3A_266 = vector.bitcast %get3A_265 : vector<16xf32> to vector<16xi32>
      %ge3A_267 = arith.cmpi sge, %bitcast3A_266, %or3A_143 : vector<16xi32>
      %all_reduce_population_count3A_268 = tpu.all_reduce %ge3A_267 {dim = 0 : i64, kind = #tpu.reduction_kind<sum>} : vector<16xi1> -> vector<16xi32>
      %add3A_269 = arith.addi %add3A_257, %all_reduce_population_count3A_268 : vector<16xi32>
      %mul3A_270 = arith.constant 6 : i32
      %mul3A_271 = arith.muli %scan3A_234, %mul3A_270 : i32
      %add3A_272 = arith.constant 3 : i32
      %add3A_273 = arith.addi %mul3A_271, %add3A_272 : i32
      %mul3A_274 = arith.constant 16 : i32
      %mul3A_275 = arith.muli %add3A_273, %mul3A_274 : i32
      %get3A_276 = arith.index_cast %mul3A_275 : i32 to index
      %get3A_277 = tpu.vector_load %arg5[%get3A_276] {strides = array<i32>} : memref<8736xf32, #tpu.memory_space<vmem>>, vector<16xf32>,
      %bitcast3A_278 = vector.bitcast %get3A_277 : vector<16xf32> to vector<16xi32>
      %ge3A_279 = arith.cmpi sge, %bitcast3A_278, %or3A_143 : vector<16xi32>
      %all_reduce_population_count3A_280 = tpu.all_reduce %ge3A_279 {dim = 0 : i64, kind = #tpu.reduction_kind<sum>} : vector<16xi1> -> vector<16xi32>
      %add3A_281 = arith.addi %add3A_269, %all_reduce_population_count3A_280 : vector<16xi32>
      %mul3A_282 = arith.constant 6 : i32
      %mul3A_283 = arith.muli %scan3A_234, %mul3A_282 : i32
      %add3A_284 = arith.constant 4 : i32
      %add3A_285 = arith.addi %mul3A_283, %add3A_284 : i32
      %mul3A_286 = arith.constant 16 : i32
      %mul3A_287 = arith.muli %add3A_285, %mul3A_286 : i32
      %get3A_288 = arith.index_cast %mul3A_287 : i32 to index
      %get3A_289 = tpu.vector_load %arg5[%get3A_288] {strides = array<i32>} : memref<8736xf32, #tpu.memory_space<vmem>>, vector<16xf32>,
      %bitcast3A_290 = vector.bitcast %get3A_289 : vector<16xf32> to vector<16xi32>
      %ge3A_291 = arith.cmpi sge, %bitcast3A_290, %or3A_143 : vector<16xi32>
      %all_reduce_population_count3A_292 = tpu.all_reduce %ge3A_291 {dim = 0 : i64, kind = #tpu.reduction_kind<sum>} : vector<16xi1> -> vector<16xi32>
      %add3A_293 = arith.addi %add3A_281, %all_reduce_population_count3A_292 : vector<16xi32>
      %mul3A_294 = arith.constant 6 : i32
      %mul3A_295 = arith.muli %scan3A_234, %mul3A_294 : i32
      %add3A_296 = arith.constant 5 : i32
      %add3A_297 = arith.addi %mul3A_295, %add3A_296 : i32
      %mul3A_298 = arith.constant 16 : i32
      %mul3A_299 = arith.muli %add3A_297, %mul3A_298 : i32
      %get3A_300 = arith.index_cast %mul3A_299 : i32 to index
      %get3A_301 = tpu.vector_load %arg5[%get3A_300] {strides = array<i32>} : memref<8736xf32, #tpu.memory_space<vmem>>, vector<16xf32>,
      %bitcast3A_302 = vector.bitcast %get3A_301 : vector<16xf32> to vector<16xi32>
      %ge3A_303 = arith.cmpi sge, %bitcast3A_302, %or3A_143 : vector<16xi32>
      %all_reduce_population_count3A_304 = tpu.all_reduce %ge3A_303 {dim = 0 : i64, kind = #tpu.reduction_kind<sum>} : vector<16xi1> -> vector<16xi32>
      %add3A_305 = arith.addi %add3A_293, %all_reduce_population_count3A_304 : vector<16xi32>
      scf.yield %add3A_305 : vector<16xi32>
    }
    %scan3A_151 = arith.constant 91 : i32
    %ge3A_152 = arith.cmpi sge, %scan3A_150, %mul3A_11 : vector<16xi32>
    %select_n3A_153 = arith.select %ge3A_152, %or3A_143, %select_n3A_140 : vector<16xi1>, vector<16xi32>
    %or3A_154 = arith.constant 524288 : i32
    %or3A_155 = vector.broadcast %or3A_154 : i32 to vector<16xi32>
    %or3A_156 = arith.ori %select_n3A_153, %or3A_155 : vector<16xi32>
    %broadcast_in_dim3A_157 = arith.constant 0 : i32
    %broadcast_in_dim3A_158 = vector.broadcast %broadcast_in_dim3A_157 : i32 to vector<16xi32>
    %scan3A_159 = arith.constant 0 : i32
    %scan3A_160 = arith.constant 91 : i32
    %scan3A_161 = arith.addi %scan3A_159, %scan3A_160 : i32
    %scan3A_162 = arith.constant 1 : i32
    %scan3A_163 = scf.for %scan3A_234 = %scan3A_159 to %scan3A_161 step %scan3A_162 iter_args(%scan3A_235 = %broadcast_in_dim3A_158) -> (vector<16xi32>)  : i32 {
      %mul3A_236 = arith.constant 6 : i32
      %mul3A_237 = arith.muli %scan3A_234, %mul3A_236 : i32
      %add3A_238 = arith.constant 0 : i32
      %add3A_239 = arith.addi %mul3A_237, %add3A_238 : i32
      %mul3A_240 = arith.constant 16 : i32
      %mul3A_241 = arith.muli %add3A_239, %mul3A_240 : i32
      %get3A = arith.index_cast %mul3A_241 : i32 to index
      %get3A_242 = tpu.vector_load %arg5[%get3A] {strides = array<i32>} : memref<8736xf32, #tpu.memory_space<vmem>>, vector<16xf32>,
      %bitcast3A_243 = vector.bitcast %get3A_242 : vector<16xf32> to vector<16xi32>
      %ge3A_244 = arith.cmpi sge, %bitcast3A_243, %or3A_156 : vector<16xi32>
      %all_reduce_population_count3A = tpu.all_reduce %ge3A_244 {dim = 0 : i64, kind = #tpu.reduction_kind<sum>} : vector<16xi1> -> vector<16xi32>
      %add3A_245 = arith.addi %scan3A_235, %all_reduce_population_count3A : vector<16xi32>
      %mul3A_246 = arith.constant 6 : i32
      %mul3A_247 = arith.muli %scan3A_234, %mul3A_246 : i32
      %add3A_248 = arith.constant 1 : i32
      %add3A_249 = arith.addi %mul3A_247, %add3A_248 : i32
      %mul3A_250 = arith.constant 16 : i32
      %mul3A_251 = arith.muli %add3A_249, %mul3A_250 : i32
      %get3A_252 = arith.index_cast %mul3A_251 : i32 to index
      %get3A_253 = tpu.vector_load %arg5[%get3A_252] {strides = array<i32>} : memref<8736xf32, #tpu.memory_space<vmem>>, vector<16xf32>,
      %bitcast3A_254 = vector.bitcast %get3A_253 : vector<16xf32> to vector<16xi32>
      %ge3A_255 = arith.cmpi sge, %bitcast3A_254, %or3A_156 : vector<16xi32>
      %all_reduce_population_count3A_256 = tpu.all_reduce %ge3A_255 {dim = 0 : i64, kind = #tpu.reduction_kind<sum>} : vector<16xi1> -> vector<16xi32>
      %add3A_257 = arith.addi %add3A_245, %all_reduce_population_count3A_256 : vector<16xi32>
      %mul3A_258 = arith.constant 6 : i32
      %mul3A_259 = arith.muli %scan3A_234, %mul3A_258 : i32
      %add3A_260 = arith.constant 2 : i32
      %add3A_261 = arith.addi %mul3A_259, %add3A_260 : i32
      %mul3A_262 = arith.constant 16 : i32
      %mul3A_263 = arith.muli %add3A_261, %mul3A_262 : i32
      %get3A_264 = arith.index_cast %mul3A_263 : i32 to index
      %get3A_265 = tpu.vector_load %arg5[%get3A_264] {strides = array<i32>} : memref<8736xf32, #tpu.memory_space<vmem>>, vector<16xf32>,
      %bitcast3A_266 = vector.bitcast %get3A_265 : vector<16xf32> to vector<16xi32>
      %ge3A_267 = arith.cmpi sge, %bitcast3A_266, %or3A_156 : vector<16xi32>
      %all_reduce_population_count3A_268 = tpu.all_reduce %ge3A_267 {dim = 0 : i64, kind = #tpu.reduction_kind<sum>} : vector<16xi1> -> vector<16xi32>
      %add3A_269 = arith.addi %add3A_257, %all_reduce_population_count3A_268 : vector<16xi32>
      %mul3A_270 = arith.constant 6 : i32
      %mul3A_271 = arith.muli %scan3A_234, %mul3A_270 : i32
      %add3A_272 = arith.constant 3 : i32
      %add3A_273 = arith.addi %mul3A_271, %add3A_272 : i32
      %mul3A_274 = arith.constant 16 : i32
      %mul3A_275 = arith.muli %add3A_273, %mul3A_274 : i32
      %get3A_276 = arith.index_cast %mul3A_275 : i32 to index
      %get3A_277 = tpu.vector_load %arg5[%get3A_276] {strides = array<i32>} : memref<8736xf32, #tpu.memory_space<vmem>>, vector<16xf32>,
      %bitcast3A_278 = vector.bitcast %get3A_277 : vector<16xf32> to vector<16xi32>
      %ge3A_279 = arith.cmpi sge, %bitcast3A_278, %or3A_156 : vector<16xi32>
      %all_reduce_population_count3A_280 = tpu.all_reduce %ge3A_279 {dim = 0 : i64, kind = #tpu.reduction_kind<sum>} : vector<16xi1> -> vector<16xi32>
      %add3A_281 = arith.addi %add3A_269, %all_reduce_population_count3A_280 : vector<16xi32>
      %mul3A_282 = arith.constant 6 : i32
      %mul3A_283 = arith.muli %scan3A_234, %mul3A_282 : i32
      %add3A_284 = arith.constant 4 : i32
      %add3A_285 = arith.addi %mul3A_283, %add3A_284 : i32
      %mul3A_286 = arith.constant 16 : i32
      %mul3A_287 = arith.muli %add3A_285, %mul3A_286 : i32
      %get3A_288 = arith.index_cast %mul3A_287 : i32 to index
      %get3A_289 = tpu.vector_load %arg5[%get3A_288] {strides = array<i32>} : memref<8736xf32, #tpu.memory_space<vmem>>, vector<16xf32>,
      %bitcast3A_290 = vector.bitcast %get3A_289 : vector<16xf32> to vector<16xi32>
      %ge3A_291 = arith.cmpi sge, %bitcast3A_290, %or3A_156 : vector<16xi32>
      %all_reduce_population_count3A_292 = tpu.all_reduce %ge3A_291 {dim = 0 : i64, kind = #tpu.reduction_kind<sum>} : vector<16xi1> -> vector<16xi32>
      %add3A_293 = arith.addi %add3A_281, %all_reduce_population_count3A_292 : vector<16xi32>
      %mul3A_294 = arith.constant 6 : i32
      %mul3A_295 = arith.muli %scan3A_234, %mul3A_294 : i32
      %add3A_296 = arith.constant 5 : i32
      %add3A_297 = arith.addi %mul3A_295, %add3A_296 : i32
      %mul3A_298 = arith.constant 16 : i32
      %mul3A_299 = arith.muli %add3A_297, %mul3A_298 : i32
      %get3A_300 = arith.index_cast %mul3A_299 : i32 to index
      %get3A_301 = tpu.vector_load %arg5[%get3A_300] {strides = array<i32>} : memref<8736xf32, #tpu.memory_space<vmem>>, vector<16xf32>,
      %bitcast3A_302 = vector.bitcast %get3A_301 : vector<16xf32> to vector<16xi32>
      %ge3A_303 = arith.cmpi sge, %bitcast3A_302, %or3A_156 : vector<16xi32>
      %all_reduce_population_count3A_304 = tpu.all_reduce %ge3A_303 {dim = 0 : i64, kind = #tpu.reduction_kind<sum>} : vector<16xi1> -> vector<16xi32>
      %add3A_305 = arith.addi %add3A_293, %all_reduce_population_count3A_304 : vector<16xi32>
      scf.yield %add3A_305 : vector<16xi32>
    }
    %scan3A_164 = arith.constant 91 : i32
    %ge3A_165 = arith.cmpi sge, %scan3A_163, %mul3A_11 : vector<16xi32>
    %select_n3A_166 = arith.select %ge3A_165, %or3A_156, %select_n3A_153 : vector<16xi1>, vector<16xi32>
    %or3A_167 = arith.constant 262144 : i32
    %or3A_168 = vector.broadcast %or3A_167 : i32 to vector<16xi32>
    %or3A_169 = arith.ori %select_n3A_166, %or3A_168 : vector<16xi32>
    %broadcast_in_dim3A_170 = arith.constant 0 : i32
    %broadcast_in_dim3A_171 = vector.broadcast %broadcast_in_dim3A_170 : i32 to vector<16xi32>
    %scan3A_172 = arith.constant 0 : i32
    %scan3A_173 = arith.constant 91 : i32
    %scan3A_174 = arith.addi %scan3A_172, %scan3A_173 : i32
    %scan3A_175 = arith.constant 1 : i32
    %scan3A_176 = scf.for %scan3A_234 = %scan3A_172 to %scan3A_174 step %scan3A_175 iter_args(%scan3A_235 = %broadcast_in_dim3A_171) -> (vector<16xi32>)  : i32 {
      %mul3A_236 = arith.constant 6 : i32
      %mul3A_237 = arith.muli %scan3A_234, %mul3A_236 : i32
      %add3A_238 = arith.constant 0 : i32
      %add3A_239 = arith.addi %mul3A_237, %add3A_238 : i32
      %mul3A_240 = arith.constant 16 : i32
      %mul3A_241 = arith.muli %add3A_239, %mul3A_240 : i32
      %get3A = arith.index_cast %mul3A_241 : i32 to index
      %get3A_242 = tpu.vector_load %arg5[%get3A] {strides = array<i32>} : memref<8736xf32, #tpu.memory_space<vmem>>, vector<16xf32>,
      %bitcast3A_243 = vector.bitcast %get3A_242 : vector<16xf32> to vector<16xi32>
      %ge3A_244 = arith.cmpi sge, %bitcast3A_243, %or3A_169 : vector<16xi32>
      %all_reduce_population_count3A = tpu.all_reduce %ge3A_244 {dim = 0 : i64, kind = #tpu.reduction_kind<sum>} : vector<16xi1> -> vector<16xi32>
      %add3A_245 = arith.addi %scan3A_235, %all_reduce_population_count3A : vector<16xi32>
      %mul3A_246 = arith.constant 6 : i32
      %mul3A_247 = arith.muli %scan3A_234, %mul3A_246 : i32
      %add3A_248 = arith.constant 1 : i32
      %add3A_249 = arith.addi %mul3A_247, %add3A_248 : i32
      %mul3A_250 = arith.constant 16 : i32
      %mul3A_251 = arith.muli %add3A_249, %mul3A_250 : i32
      %get3A_252 = arith.index_cast %mul3A_251 : i32 to index
      %get3A_253 = tpu.vector_load %arg5[%get3A_252] {strides = array<i32>} : memref<8736xf32, #tpu.memory_space<vmem>>, vector<16xf32>,
      %bitcast3A_254 = vector.bitcast %get3A_253 : vector<16xf32> to vector<16xi32>
      %ge3A_255 = arith.cmpi sge, %bitcast3A_254, %or3A_169 : vector<16xi32>
      %all_reduce_population_count3A_256 = tpu.all_reduce %ge3A_255 {dim = 0 : i64, kind = #tpu.reduction_kind<sum>} : vector<16xi1> -> vector<16xi32>
      %add3A_257 = arith.addi %add3A_245, %all_reduce_population_count3A_256 : vector<16xi32>
      %mul3A_258 = arith.constant 6 : i32
      %mul3A_259 = arith.muli %scan3A_234, %mul3A_258 : i32
      %add3A_260 = arith.constant 2 : i32
      %add3A_261 = arith.addi %mul3A_259, %add3A_260 : i32
      %mul3A_262 = arith.constant 16 : i32
      %mul3A_263 = arith.muli %add3A_261, %mul3A_262 : i32
      %get3A_264 = arith.index_cast %mul3A_263 : i32 to index
      %get3A_265 = tpu.vector_load %arg5[%get3A_264] {strides = array<i32>} : memref<8736xf32, #tpu.memory_space<vmem>>, vector<16xf32>,
      %bitcast3A_266 = vector.bitcast %get3A_265 : vector<16xf32> to vector<16xi32>
      %ge3A_267 = arith.cmpi sge, %bitcast3A_266, %or3A_169 : vector<16xi32>
      %all_reduce_population_count3A_268 = tpu.all_reduce %ge3A_267 {dim = 0 : i64, kind = #tpu.reduction_kind<sum>} : vector<16xi1> -> vector<16xi32>
      %add3A_269 = arith.addi %add3A_257, %all_reduce_population_count3A_268 : vector<16xi32>
      %mul3A_270 = arith.constant 6 : i32
      %mul3A_271 = arith.muli %scan3A_234, %mul3A_270 : i32
      %add3A_272 = arith.constant 3 : i32
      %add3A_273 = arith.addi %mul3A_271, %add3A_272 : i32
      %mul3A_274 = arith.constant 16 : i32
      %mul3A_275 = arith.muli %add3A_273, %mul3A_274 : i32
      %get3A_276 = arith.index_cast %mul3A_275 : i32 to index
      %get3A_277 = tpu.vector_load %arg5[%get3A_276] {strides = array<i32>} : memref<8736xf32, #tpu.memory_space<vmem>>, vector<16xf32>,
      %bitcast3A_278 = vector.bitcast %get3A_277 : vector<16xf32> to vector<16xi32>
      %ge3A_279 = arith.cmpi sge, %bitcast3A_278, %or3A_169 : vector<16xi32>
      %all_reduce_population_count3A_280 = tpu.all_reduce %ge3A_279 {dim = 0 : i64, kind = #tpu.reduction_kind<sum>} : vector<16xi1> -> vector<16xi32>
      %add3A_281 = arith.addi %add3A_269, %all_reduce_population_count3A_280 : vector<16xi32>
      %mul3A_282 = arith.constant 6 : i32
      %mul3A_283 = arith.muli %scan3A_234, %mul3A_282 : i32
      %add3A_284 = arith.constant 4 : i32
      %add3A_285 = arith.addi %mul3A_283, %add3A_284 : i32
      %mul3A_286 = arith.constant 16 : i32
      %mul3A_287 = arith.muli %add3A_285, %mul3A_286 : i32
      %get3A_288 = arith.index_cast %mul3A_287 : i32 to index
      %get3A_289 = tpu.vector_load %arg5[%get3A_288] {strides = array<i32>} : memref<8736xf32, #tpu.memory_space<vmem>>, vector<16xf32>,
      %bitcast3A_290 = vector.bitcast %get3A_289 : vector<16xf32> to vector<16xi32>
      %ge3A_291 = arith.cmpi sge, %bitcast3A_290, %or3A_169 : vector<16xi32>
      %all_reduce_population_count3A_292 = tpu.all_reduce %ge3A_291 {dim = 0 : i64, kind = #tpu.reduction_kind<sum>} : vector<16xi1> -> vector<16xi32>
      %add3A_293 = arith.addi %add3A_281, %all_reduce_population_count3A_292 : vector<16xi32>
      %mul3A_294 = arith.constant 6 : i32
      %mul3A_295 = arith.muli %scan3A_234, %mul3A_294 : i32
      %add3A_296 = arith.constant 5 : i32
      %add3A_297 = arith.addi %mul3A_295, %add3A_296 : i32
      %mul3A_298 = arith.constant 16 : i32
      %mul3A_299 = arith.muli %add3A_297, %mul3A_298 : i32
      %get3A_300 = arith.index_cast %mul3A_299 : i32 to index
      %get3A_301 = tpu.vector_load %arg5[%get3A_300] {strides = array<i32>} : memref<8736xf32, #tpu.memory_space<vmem>>, vector<16xf32>,
      %bitcast3A_302 = vector.bitcast %get3A_301 : vector<16xf32> to vector<16xi32>
      %ge3A_303 = arith.cmpi sge, %bitcast3A_302, %or3A_169 : vector<16xi32>
      %all_reduce_population_count3A_304 = tpu.all_reduce %ge3A_303 {dim = 0 : i64, kind = #tpu.reduction_kind<sum>} : vector<16xi1> -> vector<16xi32>
      %add3A_305 = arith.addi %add3A_293, %all_reduce_population_count3A_304 : vector<16xi32>
      scf.yield %add3A_305 : vector<16xi32>
    }
    %scan3A_177 = arith.constant 91 : i32
    %ge3A_178 = arith.cmpi sge, %scan3A_176, %mul3A_11 : vector<16xi32>
    %select_n3A_179 = arith.select %ge3A_178, %or3A_169, %select_n3A_166 : vector<16xi1>, vector<16xi32>
    %or3A_180 = arith.constant 131072 : i32
    %or3A_181 = vector.broadcast %or3A_180 : i32 to vector<16xi32>
    %or3A_182 = arith.ori %select_n3A_179, %or3A_181 : vector<16xi32>
    %broadcast_in_dim3A_183 = arith.constant 0 : i32
    %broadcast_in_dim3A_184 = vector.broadcast %broadcast_in_dim3A_183 : i32 to vector<16xi32>
    %scan3A_185 = arith.constant 0 : i32
    %scan3A_186 = arith.constant 91 : i32
    %scan3A_187 = arith.addi %scan3A_185, %scan3A_186 : i32
    %scan3A_188 = arith.constant 1 : i32
    %scan3A_189 = scf.for %scan3A_234 = %scan3A_185 to %scan3A_187 step %scan3A_188 iter_args(%scan3A_235 = %broadcast_in_dim3A_184) -> (vector<16xi32>)  : i32 {
      %mul3A_236 = arith.constant 6 : i32
      %mul3A_237 = arith.muli %scan3A_234, %mul3A_236 : i32
      %add3A_238 = arith.constant 0 : i32
      %add3A_239 = arith.addi %mul3A_237, %add3A_238 : i32
      %mul3A_240 = arith.constant 16 : i32
      %mul3A_241 = arith.muli %add3A_239, %mul3A_240 : i32
      %get3A = arith.index_cast %mul3A_241 : i32 to index
      %get3A_242 = tpu.vector_load %arg5[%get3A] {strides = array<i32>} : memref<8736xf32, #tpu.memory_space<vmem>>, vector<16xf32>,
      %bitcast3A_243 = vector.bitcast %get3A_242 : vector<16xf32> to vector<16xi32>
      %ge3A_244 = arith.cmpi sge, %bitcast3A_243, %or3A_182 : vector<16xi32>
      %all_reduce_population_count3A = tpu.all_reduce %ge3A_244 {dim = 0 : i64, kind = #tpu.reduction_kind<sum>} : vector<16xi1> -> vector<16xi32>
      %add3A_245 = arith.addi %scan3A_235, %all_reduce_population_count3A : vector<16xi32>
      %mul3A_246 = arith.constant 6 : i32
      %mul3A_247 = arith.muli %scan3A_234, %mul3A_246 : i32
      %add3A_248 = arith.constant 1 : i32
      %add3A_249 = arith.addi %mul3A_247, %add3A_248 : i32
      %mul3A_250 = arith.constant 16 : i32
      %mul3A_251 = arith.muli %add3A_249, %mul3A_250 : i32
      %get3A_252 = arith.index_cast %mul3A_251 : i32 to index
      %get3A_253 = tpu.vector_load %arg5[%get3A_252] {strides = array<i32>} : memref<8736xf32, #tpu.memory_space<vmem>>, vector<16xf32>,
      %bitcast3A_254 = vector.bitcast %get3A_253 : vector<16xf32> to vector<16xi32>
      %ge3A_255 = arith.cmpi sge, %bitcast3A_254, %or3A_182 : vector<16xi32>
      %all_reduce_population_count3A_256 = tpu.all_reduce %ge3A_255 {dim = 0 : i64, kind = #tpu.reduction_kind<sum>} : vector<16xi1> -> vector<16xi32>
      %add3A_257 = arith.addi %add3A_245, %all_reduce_population_count3A_256 : vector<16xi32>
      %mul3A_258 = arith.constant 6 : i32
      %mul3A_259 = arith.muli %scan3A_234, %mul3A_258 : i32
      %add3A_260 = arith.constant 2 : i32
      %add3A_261 = arith.addi %mul3A_259, %add3A_260 : i32
      %mul3A_262 = arith.constant 16 : i32
      %mul3A_263 = arith.muli %add3A_261, %mul3A_262 : i32
      %get3A_264 = arith.index_cast %mul3A_263 : i32 to index
      %get3A_265 = tpu.vector_load %arg5[%get3A_264] {strides = array<i32>} : memref<8736xf32, #tpu.memory_space<vmem>>, vector<16xf32>,
      %bitcast3A_266 = vector.bitcast %get3A_265 : vector<16xf32> to vector<16xi32>
      %ge3A_267 = arith.cmpi sge, %bitcast3A_266, %or3A_182 : vector<16xi32>
      %all_reduce_population_count3A_268 = tpu.all_reduce %ge3A_267 {dim = 0 : i64, kind = #tpu.reduction_kind<sum>} : vector<16xi1> -> vector<16xi32>
      %add3A_269 = arith.addi %add3A_257, %all_reduce_population_count3A_268 : vector<16xi32>
      %mul3A_270 = arith.constant 6 : i32
      %mul3A_271 = arith.muli %scan3A_234, %mul3A_270 : i32
      %add3A_272 = arith.constant 3 : i32
      %add3A_273 = arith.addi %mul3A_271, %add3A_272 : i32
      %mul3A_274 = arith.constant 16 : i32
      %mul3A_275 = arith.muli %add3A_273, %mul3A_274 : i32
      %get3A_276 = arith.index_cast %mul3A_275 : i32 to index
      %get3A_277 = tpu.vector_load %arg5[%get3A_276] {strides = array<i32>} : memref<8736xf32, #tpu.memory_space<vmem>>, vector<16xf32>,
      %bitcast3A_278 = vector.bitcast %get3A_277 : vector<16xf32> to vector<16xi32>
      %ge3A_279 = arith.cmpi sge, %bitcast3A_278, %or3A_182 : vector<16xi32>
      %all_reduce_population_count3A_280 = tpu.all_reduce %ge3A_279 {dim = 0 : i64, kind = #tpu.reduction_kind<sum>} : vector<16xi1> -> vector<16xi32>
      %add3A_281 = arith.addi %add3A_269, %all_reduce_population_count3A_280 : vector<16xi32>
      %mul3A_282 = arith.constant 6 : i32
      %mul3A_283 = arith.muli %scan3A_234, %mul3A_282 : i32
      %add3A_284 = arith.constant 4 : i32
      %add3A_285 = arith.addi %mul3A_283, %add3A_284 : i32
      %mul3A_286 = arith.constant 16 : i32
      %mul3A_287 = arith.muli %add3A_285, %mul3A_286 : i32
      %get3A_288 = arith.index_cast %mul3A_287 : i32 to index
      %get3A_289 = tpu.vector_load %arg5[%get3A_288] {strides = array<i32>} : memref<8736xf32, #tpu.memory_space<vmem>>, vector<16xf32>,
      %bitcast3A_290 = vector.bitcast %get3A_289 : vector<16xf32> to vector<16xi32>
      %ge3A_291 = arith.cmpi sge, %bitcast3A_290, %or3A_182 : vector<16xi32>
      %all_reduce_population_count3A_292 = tpu.all_reduce %ge3A_291 {dim = 0 : i64, kind = #tpu.reduction_kind<sum>} : vector<16xi1> -> vector<16xi32>
      %add3A_293 = arith.addi %add3A_281, %all_reduce_population_count3A_292 : vector<16xi32>
      %mul3A_294 = arith.constant 6 : i32
      %mul3A_295 = arith.muli %scan3A_234, %mul3A_294 : i32
      %add3A_296 = arith.constant 5 : i32
      %add3A_297 = arith.addi %mul3A_295, %add3A_296 : i32
      %mul3A_298 = arith.constant 16 : i32
      %mul3A_299 = arith.muli %add3A_297, %mul3A_298 : i32
      %get3A_300 = arith.index_cast %mul3A_299 : i32 to index
      %get3A_301 = tpu.vector_load %arg5[%get3A_300] {strides = array<i32>} : memref<8736xf32, #tpu.memory_space<vmem>>, vector<16xf32>,
      %bitcast3A_302 = vector.bitcast %get3A_301 : vector<16xf32> to vector<16xi32>
      %ge3A_303 = arith.cmpi sge, %bitcast3A_302, %or3A_182 : vector<16xi32>
      %all_reduce_population_count3A_304 = tpu.all_reduce %ge3A_303 {dim = 0 : i64, kind = #tpu.reduction_kind<sum>} : vector<16xi1> -> vector<16xi32>
      %add3A_305 = arith.addi %add3A_293, %all_reduce_population_count3A_304 : vector<16xi32>
      scf.yield %add3A_305 : vector<16xi32>
    }
    %scan3A_190 = arith.constant 91 : i32
    %ge3A_191 = arith.cmpi sge, %scan3A_189, %mul3A_11 : vector<16xi32>
    %select_n3A_192 = arith.select %ge3A_191, %or3A_182, %select_n3A_179 : vector<16xi1>, vector<16xi32>
    %or3A_193 = arith.constant 65536 : i32
    %or3A_194 = vector.broadcast %or3A_193 : i32 to vector<16xi32>
    %or3A_195 = arith.ori %select_n3A_192, %or3A_194 : vector<16xi32>
    %broadcast_in_dim3A_196 = arith.constant 0 : i32
    %broadcast_in_dim3A_197 = vector.broadcast %broadcast_in_dim3A_196 : i32 to vector<16xi32>
    %scan3A_198 = arith.constant 0 : i32
    %scan3A_199 = arith.constant 91 : i32
    %scan3A_200 = arith.addi %scan3A_198, %scan3A_199 : i32
    %scan3A_201 = arith.constant 1 : i32
    %scan3A_202 = scf.for %scan3A_234 = %scan3A_198 to %scan3A_200 step %scan3A_201 iter_args(%scan3A_235 = %broadcast_in_dim3A_197) -> (vector<16xi32>)  : i32 {
      %mul3A_236 = arith.constant 6 : i32
      %mul3A_237 = arith.muli %scan3A_234, %mul3A_236 : i32
      %add3A_238 = arith.constant 0 : i32
      %add3A_239 = arith.addi %mul3A_237, %add3A_238 : i32
      %mul3A_240 = arith.constant 16 : i32
      %mul3A_241 = arith.muli %add3A_239, %mul3A_240 : i32
      %get3A = arith.index_cast %mul3A_241 : i32 to index
      %get3A_242 = tpu.vector_load %arg5[%get3A] {strides = array<i32>} : memref<8736xf32, #tpu.memory_space<vmem>>, vector<16xf32>,
      %bitcast3A_243 = vector.bitcast %get3A_242 : vector<16xf32> to vector<16xi32>
      %ge3A_244 = arith.cmpi sge, %bitcast3A_243, %or3A_195 : vector<16xi32>
      %all_reduce_population_count3A = tpu.all_reduce %ge3A_244 {dim = 0 : i64, kind = #tpu.reduction_kind<sum>} : vector<16xi1> -> vector<16xi32>
      %add3A_245 = arith.addi %scan3A_235, %all_reduce_population_count3A : vector<16xi32>
      %mul3A_246 = arith.constant 6 : i32
      %mul3A_247 = arith.muli %scan3A_234, %mul3A_246 : i32
      %add3A_248 = arith.constant 1 : i32
      %add3A_249 = arith.addi %mul3A_247, %add3A_248 : i32
      %mul3A_250 = arith.constant 16 : i32
      %mul3A_251 = arith.muli %add3A_249, %mul3A_250 : i32
      %get3A_252 = arith.index_cast %mul3A_251 : i32 to index
      %get3A_253 = tpu.vector_load %arg5[%get3A_252] {strides = array<i32>} : memref<8736xf32, #tpu.memory_space<vmem>>, vector<16xf32>,
      %bitcast3A_254 = vector.bitcast %get3A_253 : vector<16xf32> to vector<16xi32>
      %ge3A_255 = arith.cmpi sge, %bitcast3A_254, %or3A_195 : vector<16xi32>
      %all_reduce_population_count3A_256 = tpu.all_reduce %ge3A_255 {dim = 0 : i64, kind = #tpu.reduction_kind<sum>} : vector<16xi1> -> vector<16xi32>
      %add3A_257 = arith.addi %add3A_245, %all_reduce_population_count3A_256 : vector<16xi32>
      %mul3A_258 = arith.constant 6 : i32
      %mul3A_259 = arith.muli %scan3A_234, %mul3A_258 : i32
      %add3A_260 = arith.constant 2 : i32
      %add3A_261 = arith.addi %mul3A_259, %add3A_260 : i32
      %mul3A_262 = arith.constant 16 : i32
      %mul3A_263 = arith.muli %add3A_261, %mul3A_262 : i32
      %get3A_264 = arith.index_cast %mul3A_263 : i32 to index
      %get3A_265 = tpu.vector_load %arg5[%get3A_264] {strides = array<i32>} : memref<8736xf32, #tpu.memory_space<vmem>>, vector<16xf32>,
      %bitcast3A_266 = vector.bitcast %get3A_265 : vector<16xf32> to vector<16xi32>
      %ge3A_267 = arith.cmpi sge, %bitcast3A_266, %or3A_195 : vector<16xi32>
      %all_reduce_population_count3A_268 = tpu.all_reduce %ge3A_267 {dim = 0 : i64, kind = #tpu.reduction_kind<sum>} : vector<16xi1> -> vector<16xi32>
      %add3A_269 = arith.addi %add3A_257, %all_reduce_population_count3A_268 : vector<16xi32>
      %mul3A_270 = arith.constant 6 : i32
      %mul3A_271 = arith.muli %scan3A_234, %mul3A_270 : i32
      %add3A_272 = arith.constant 3 : i32
      %add3A_273 = arith.addi %mul3A_271, %add3A_272 : i32
      %mul3A_274 = arith.constant 16 : i32
      %mul3A_275 = arith.muli %add3A_273, %mul3A_274 : i32
      %get3A_276 = arith.index_cast %mul3A_275 : i32 to index
      %get3A_277 = tpu.vector_load %arg5[%get3A_276] {strides = array<i32>} : memref<8736xf32, #tpu.memory_space<vmem>>, vector<16xf32>,
      %bitcast3A_278 = vector.bitcast %get3A_277 : vector<16xf32> to vector<16xi32>
      %ge3A_279 = arith.cmpi sge, %bitcast3A_278, %or3A_195 : vector<16xi32>
      %all_reduce_population_count3A_280 = tpu.all_reduce %ge3A_279 {dim = 0 : i64, kind = #tpu.reduction_kind<sum>} : vector<16xi1> -> vector<16xi32>
      %add3A_281 = arith.addi %add3A_269, %all_reduce_population_count3A_280 : vector<16xi32>
      %mul3A_282 = arith.constant 6 : i32
      %mul3A_283 = arith.muli %scan3A_234, %mul3A_282 : i32
      %add3A_284 = arith.constant 4 : i32
      %add3A_285 = arith.addi %mul3A_283, %add3A_284 : i32
      %mul3A_286 = arith.constant 16 : i32
      %mul3A_287 = arith.muli %add3A_285, %mul3A_286 : i32
      %get3A_288 = arith.index_cast %mul3A_287 : i32 to index
      %get3A_289 = tpu.vector_load %arg5[%get3A_288] {strides = array<i32>} : memref<8736xf32, #tpu.memory_space<vmem>>, vector<16xf32>,
      %bitcast3A_290 = vector.bitcast %get3A_289 : vector<16xf32> to vector<16xi32>
      %ge3A_291 = arith.cmpi sge, %bitcast3A_290, %or3A_195 : vector<16xi32>
      %all_reduce_population_count3A_292 = tpu.all_reduce %ge3A_291 {dim = 0 : i64, kind = #tpu.reduction_kind<sum>} : vector<16xi1> -> vector<16xi32>
      %add3A_293 = arith.addi %add3A_281, %all_reduce_population_count3A_292 : vector<16xi32>
      %mul3A_294 = arith.constant 6 : i32
      %mul3A_295 = arith.muli %scan3A_234, %mul3A_294 : i32
      %add3A_296 = arith.constant 5 : i32
      %add3A_297 = arith.addi %mul3A_295, %add3A_296 : i32
      %mul3A_298 = arith.constant 16 : i32
      %mul3A_299 = arith.muli %add3A_297, %mul3A_298 : i32
      %get3A_300 = arith.index_cast %mul3A_299 : i32 to index
      %get3A_301 = tpu.vector_load %arg5[%get3A_300] {strides = array<i32>} : memref<8736xf32, #tpu.memory_space<vmem>>, vector<16xf32>,
      %bitcast3A_302 = vector.bitcast %get3A_301 : vector<16xf32> to vector<16xi32>
      %ge3A_303 = arith.cmpi sge, %bitcast3A_302, %or3A_195 : vector<16xi32>
      %all_reduce_population_count3A_304 = tpu.all_reduce %ge3A_303 {dim = 0 : i64, kind = #tpu.reduction_kind<sum>} : vector<16xi1> -> vector<16xi32>
      %add3A_305 = arith.addi %add3A_293, %all_reduce_population_count3A_304 : vector<16xi32>
      scf.yield %add3A_305 : vector<16xi32>
    }
    %scan3A_203 = arith.constant 91 : i32
    %ge3A_204 = arith.cmpi sge, %scan3A_202, %mul3A_11 : vector<16xi32>
    %select_n3A_205 = arith.select %ge3A_204, %or3A_195, %select_n3A_192 : vector<16xi1>, vector<16xi32>
    %bitcast3A = vector.bitcast %select_n3A_205 : vector<16xi32> to vector<16xf32>
    %broadcast_in_dim3A_206 = arith.constant 0.000000e+00 : f32
    %broadcast_in_dim3A_207 = vector.broadcast %broadcast_in_dim3A_206 : f32 to vector<16xf32>
    %broadcast_in_dim3A_208 = arith.constant 0 : i32
    %broadcast_in_dim3A_209 = vector.broadcast %broadcast_in_dim3A_208 : i32 to vector<16xi32>
    %scan3A_210 = arith.constant 0 : i32
    %scan3A_211 = arith.constant 91 : i32
    %scan3A_212 = arith.addi %scan3A_210, %scan3A_211 : i32
    %scan3A_213 = arith.constant 1 : i32
    %scan3A_214:2 = scf.for %scan3A_234 = %scan3A_210 to %scan3A_212 step %scan3A_213 iter_args(%scan3A_235 = %broadcast_in_dim3A_207, %scan3A_236 = %broadcast_in_dim3A_209) -> (vector<16xf32>, vector<16xi32>)  : i32 {
      %mul3A_237 = arith.constant 6 : i32
      %mul3A_238 = arith.muli %scan3A_234, %mul3A_237 : i32
      %add3A_239 = arith.constant 0 : i32
      %add3A_240 = arith.addi %mul3A_238, %add3A_239 : i32
      %mul3A_241 = arith.constant 16 : i32
      %mul3A_242 = arith.muli %add3A_240, %mul3A_241 : i32
      %get3A = arith.index_cast %mul3A_242 : i32 to index
      %get3A_243 = tpu.vector_load %arg5[%get3A] {strides = array<i32>} : memref<8736xf32, #tpu.memory_space<vmem>>, vector<16xf32>,
      %gt3A = arith.cmpf ogt, %get3A_243, %bitcast3A : vector<16xf32>
      %jit3A_244 = arith.constant 0.000000e+00 : f32
      %broadcast_in_dim3A_245 = vector.broadcast %jit3A_244 : f32 to vector<16xf32>
      %select_n3A_246 = arith.select %gt3A, %get3A_243, %broadcast_in_dim3A_245 : vector<16xi1>, vector<16xf32>
      %add3A_247 = arith.addf %scan3A_235, %select_n3A_246 : vector<16xf32>
      %all_reduce_population_count3A = tpu.all_reduce %gt3A {dim = 0 : i64, kind = #tpu.reduction_kind<sum>} : vector<16xi1> -> vector<16xi32>
      %add3A_248 = arith.addi %scan3A_236, %all_reduce_population_count3A : vector<16xi32>
      %mul3A_249 = arith.constant 6 : i32
      %mul3A_250 = arith.muli %scan3A_234, %mul3A_249 : i32
      %add3A_251 = arith.constant 1 : i32
      %add3A_252 = arith.addi %mul3A_250, %add3A_251 : i32
      %mul3A_253 = arith.constant 16 : i32
      %mul3A_254 = arith.muli %add3A_252, %mul3A_253 : i32
      %get3A_255 = arith.index_cast %mul3A_254 : i32 to index
      %get3A_256 = tpu.vector_load %arg5[%get3A_255] {strides = array<i32>} : memref<8736xf32, #tpu.memory_space<vmem>>, vector<16xf32>,
      %gt3A_257 = arith.cmpf ogt, %get3A_256, %bitcast3A : vector<16xf32>
      %jit3A_258 = arith.constant 0.000000e+00 : f32
      %broadcast_in_dim3A_259 = vector.broadcast %jit3A_258 : f32 to vector<16xf32>
      %select_n3A_260 = arith.select %gt3A_257, %get3A_256, %broadcast_in_dim3A_259 : vector<16xi1>, vector<16xf32>
      %add3A_261 = arith.addf %add3A_247, %select_n3A_260 : vector<16xf32>
      %all_reduce_population_count3A_262 = tpu.all_reduce %gt3A_257 {dim = 0 : i64, kind = #tpu.reduction_kind<sum>} : vector<16xi1> -> vector<16xi32>
      %add3A_263 = arith.addi %add3A_248, %all_reduce_population_count3A_262 : vector<16xi32>
      %mul3A_264 = arith.constant 6 : i32
      %mul3A_265 = arith.muli %scan3A_234, %mul3A_264 : i32
      %add3A_266 = arith.constant 2 : i32
      %add3A_267 = arith.addi %mul3A_265, %add3A_266 : i32
      %mul3A_268 = arith.constant 16 : i32
      %mul3A_269 = arith.muli %add3A_267, %mul3A_268 : i32
      %get3A_270 = arith.index_cast %mul3A_269 : i32 to index
      %get3A_271 = tpu.vector_load %arg5[%get3A_270] {strides = array<i32>} : memref<8736xf32, #tpu.memory_space<vmem>>, vector<16xf32>,
      %gt3A_272 = arith.cmpf ogt, %get3A_271, %bitcast3A : vector<16xf32>
      %jit3A_273 = arith.constant 0.000000e+00 : f32
      %broadcast_in_dim3A_274 = vector.broadcast %jit3A_273 : f32 to vector<16xf32>
      %select_n3A_275 = arith.select %gt3A_272, %get3A_271, %broadcast_in_dim3A_274 : vector<16xi1>, vector<16xf32>
      %add3A_276 = arith.addf %add3A_261, %select_n3A_275 : vector<16xf32>
      %all_reduce_population_count3A_277 = tpu.all_reduce %gt3A_272 {dim = 0 : i64, kind = #tpu.reduction_kind<sum>} : vector<16xi1> -> vector<16xi32>
      %add3A_278 = arith.addi %add3A_263, %all_reduce_population_count3A_277 : vector<16xi32>
      %mul3A_279 = arith.constant 6 : i32
      %mul3A_280 = arith.muli %scan3A_234, %mul3A_279 : i32
      %add3A_281 = arith.constant 3 : i32
      %add3A_282 = arith.addi %mul3A_280, %add3A_281 : i32
      %mul3A_283 = arith.constant 16 : i32
      %mul3A_284 = arith.muli %add3A_282, %mul3A_283 : i32
      %get3A_285 = arith.index_cast %mul3A_284 : i32 to index
      %get3A_286 = tpu.vector_load %arg5[%get3A_285] {strides = array<i32>} : memref<8736xf32, #tpu.memory_space<vmem>>, vector<16xf32>,
      %gt3A_287 = arith.cmpf ogt, %get3A_286, %bitcast3A : vector<16xf32>
      %jit3A_288 = arith.constant 0.000000e+00 : f32
      %broadcast_in_dim3A_289 = vector.broadcast %jit3A_288 : f32 to vector<16xf32>
      %select_n3A_290 = arith.select %gt3A_287, %get3A_286, %broadcast_in_dim3A_289 : vector<16xi1>, vector<16xf32>
      %add3A_291 = arith.addf %add3A_276, %select_n3A_290 : vector<16xf32>
      %all_reduce_population_count3A_292 = tpu.all_reduce %gt3A_287 {dim = 0 : i64, kind = #tpu.reduction_kind<sum>} : vector<16xi1> -> vector<16xi32>
      %add3A_293 = arith.addi %add3A_278, %all_reduce_population_count3A_292 : vector<16xi32>
      %mul3A_294 = arith.constant 6 : i32
      %mul3A_295 = arith.muli %scan3A_234, %mul3A_294 : i32
      %add3A_296 = arith.constant 4 : i32
      %add3A_297 = arith.addi %mul3A_295, %add3A_296 : i32
      %mul3A_298 = arith.constant 16 : i32
      %mul3A_299 = arith.muli %add3A_297, %mul3A_298 : i32
      %get3A_300 = arith.index_cast %mul3A_299 : i32 to index
      %get3A_301 = tpu.vector_load %arg5[%get3A_300] {strides = array<i32>} : memref<8736xf32, #tpu.memory_space<vmem>>, vector<16xf32>,
      %gt3A_302 = arith.cmpf ogt, %get3A_301, %bitcast3A : vector<16xf32>
      %jit3A_303 = arith.constant 0.000000e+00 : f32
      %broadcast_in_dim3A_304 = vector.broadcast %jit3A_303 : f32 to vector<16xf32>
      %select_n3A_305 = arith.select %gt3A_302, %get3A_301, %broadcast_in_dim3A_304 : vector<16xi1>, vector<16xf32>
      %add3A_306 = arith.addf %add3A_291, %select_n3A_305 : vector<16xf32>
      %all_reduce_population_count3A_307 = tpu.all_reduce %gt3A_302 {dim = 0 : i64, kind = #tpu.reduction_kind<sum>} : vector<16xi1> -> vector<16xi32>
      %add3A_308 = arith.addi %add3A_293, %all_reduce_population_count3A_307 : vector<16xi32>
      %mul3A_309 = arith.constant 6 : i32
      %mul3A_310 = arith.muli %scan3A_234, %mul3A_309 : i32
      %add3A_311 = arith.constant 5 : i32
      %add3A_312 = arith.addi %mul3A_310, %add3A_311 : i32
      %mul3A_313 = arith.constant 16 : i32
      %mul3A_314 = arith.muli %add3A_312, %mul3A_313 : i32
      %get3A_315 = arith.index_cast %mul3A_314 : i32 to index
      %get3A_316 = tpu.vector_load %arg5[%get3A_315] {strides = array<i32>} : memref<8736xf32, #tpu.memory_space<vmem>>, vector<16xf32>,
      %gt3A_317 = arith.cmpf ogt, %get3A_316, %bitcast3A : vector<16xf32>
      %jit3A_318 = arith.constant 0.000000e+00 : f32
      %broadcast_in_dim3A_319 = vector.broadcast %jit3A_318 : f32 to vector<16xf32>
      %select_n3A_320 = arith.select %gt3A_317, %get3A_316, %broadcast_in_dim3A_319 : vector<16xi1>, vector<16xf32>
      %add3A_321 = arith.addf %add3A_306, %select_n3A_320 : vector<16xf32>
      %all_reduce_population_count3A_322 = tpu.all_reduce %gt3A_317 {dim = 0 : i64, kind = #tpu.reduction_kind<sum>} : vector<16xi1> -> vector<16xi32>
      %add3A_323 = arith.addi %add3A_308, %all_reduce_population_count3A_322 : vector<16xi32>
      scf.yield %add3A_321, %add3A_323 : vector<16xf32>, vector<16xi32>
    }
    %scan3A_215 = arith.constant 91 : i32
    %iota3A = tpu.iota {dimensions = array<i32: 0>} : vector<16xi32>
    %eq3A = arith.constant 0 : i32
    %eq3A_216 = vector.broadcast %eq3A : i32 to vector<16xi32>
    %eq3A_217 = arith.cmpi eq, %iota3A, %eq3A_216 : vector<16xi32>
    %eq3A_218 = arith.constant 1 : i32
    %eq3A_219 = vector.broadcast %eq3A_218 : i32 to vector<16xi32>
    %eq3A_220 = arith.cmpi eq, %iota3A, %eq3A_219 : vector<16xi32>
    %convert_element_type3A = arith.sitofp %scan3A_214#1 : vector<16xi32> to vector<16xf32>
    %eq3A_221 = arith.constant 2 : i32
    %eq3A_222 = vector.broadcast %eq3A_221 : i32 to vector<16xi32>
    %eq3A_223 = arith.cmpi eq, %iota3A, %eq3A_222 : vector<16xi32>
    %convert_element_type3A_224 = arith.sitofp %mul3A_11 : vector<16xi32> to vector<16xf32>
    %jit3A = arith.constant 0.000000e+00 : f32
    %broadcast_in_dim3A_225 = vector.broadcast %jit3A : f32 to vector<16xf32>
    %select_n3A_226 = arith.select %eq3A_223, %convert_element_type3A_224, %broadcast_in_dim3A_225 : vector<16xi1>, vector<16xf32>
    %select_n3A_227 = arith.select %eq3A_220, %convert_element_type3A, %select_n3A_226 : vector<16xi1>, vector<16xf32>
    %select_n3A_228 = arith.select %eq3A_217, %bitcast3A, %select_n3A_227 : vector<16xi1>, vector<16xf32>
    %swap3A = arith.constant 0 : index
    %swap3A_229 = tpu.vector_load %arg6[%swap3A] {strides = array<i32>} : memref<48xf32, #tpu.memory_space<vmem>>, vector<16xf32>,
    tpu.vector_store %arg6[%swap3A], %scan3A_7#0 {strides = array<i32>} : memref<48xf32, #tpu.memory_space<vmem>>, vector<16xf32>,
    %swap3A_230 = arith.constant 16 : index
    %swap3A_231 = tpu.vector_load %arg6[%swap3A_230] {strides = array<i32>} : memref<48xf32, #tpu.memory_space<vmem>>, vector<16xf32>,
    tpu.vector_store %arg6[%swap3A_230], %scan3A_214#0 {strides = array<i32>} : memref<48xf32, #tpu.memory_space<vmem>>, vector<16xf32>,
    %swap3A_232 = arith.constant 32 : index
    %swap3A_233 = tpu.vector_load %arg6[%swap3A_232] {strides = array<i32>} : memref<48xf32, #tpu.memory_space<vmem>>, vector<16xf32>,
    tpu.vector_store %arg6[%swap3A_232], %select_n3A_228 {strides = array<i32>} : memref<48xf32, #tpu.memory_space<vmem>>, vector<16xf32>,
    "tpu.region"() ({
      %run_scoped3A = tpu.sem_alloc : memref<!tpu.dma_semaphore, #tpu.memory_space<semaphore_mem>>
      %dma_start3A = arith.constant 0 : i32
      %dma_start3A_234 = tpu.memref_slice %arg3[%add3A, %dma_start3A] : memref<32x48xf32, #tpu.memory_space<hbm>> -> memref<1x48xf32, #tpu.memory_space<hbm>>
      %dma_start3A_235 = tpu.memref_squeeze %dma_start3A_234 : memref<1x48xf32, #tpu.memory_space<hbm>> -> memref<48xf32, #tpu.memory_space<hbm>>
      %dma_start3A_236 = arith.constant 0 : i32
      %dma_start3A_237 = tpu.memref_slice %arg3[%add3A, %dma_start3A_236] : memref<32x48xf32, #tpu.memory_space<hbm>> -> memref<1x48xf32, #tpu.memory_space<hbm>>
      %dma_start3A_238 = tpu.memref_squeeze %dma_start3A_237 : memref<1x48xf32, #tpu.memory_space<hbm>> -> memref<48xf32, #tpu.memory_space<hbm>>
      tpu.enqueue_dma source(%arg6 : memref<48xf32, #tpu.memory_space<vmem>>) target(%dma_start3A_238 : memref<48xf32, #tpu.memory_space<hbm>>) target_semaphore(%run_scoped3A : memref<!tpu.dma_semaphore, #tpu.memory_space<semaphore_mem>>)
      %dma_wait3A = arith.constant 0 : i32
      %dma_wait3A_239 = tpu.memref_slice %arg3[%add3A, %dma_wait3A] : memref<32x48xf32, #tpu.memory_space<hbm>> -> memref<1x48xf32, #tpu.memory_space<hbm>>
      %dma_wait3A_240 = tpu.memref_squeeze %dma_wait3A_239 : memref<1x48xf32, #tpu.memory_space<hbm>> -> memref<48xf32, #tpu.memory_space<hbm>>
      %dma_wait3A_241 = arith.constant 0 : i32
      %dma_wait3A_242 = tpu.memref_slice %arg3[%add3A, %dma_wait3A_241] : memref<32x48xf32, #tpu.memory_space<hbm>> -> memref<1x48xf32, #tpu.memory_space<hbm>>
      %dma_wait3A_243 = tpu.memref_squeeze %dma_wait3A_242 : memref<1x48xf32, #tpu.memory_space<hbm>> -> memref<48xf32, #tpu.memory_space<hbm>>
      tpu.wait_dma2 semaphore(%run_scoped3A : memref<!tpu.dma_semaphore, #tpu.memory_space<semaphore_mem>>) src(%arg6 : memref<48xf32, #tpu.memory_space<vmem>>) dst(%dma_wait3A_243 : memref<48xf32, #tpu.memory_space<hbm>>)
      tpu.yield
    }) : () -> ()
    return
  }
}

module attributes {stable_mosaic.version = 14 : i64} {
  func.func @_image_kernel(%arg0: i32, %arg1: memref<1x16x4xf32, #tpu.memory_space<vmem>>, %arg2: memref<1x4x16xf32, #tpu.memory_space<vmem>>, %arg3: memref<1x1x16xf32, #tpu.memory_space<vmem>>, %arg4: memref<16x8732xf32, #tpu.memory_space<vmem>>, %arg5: memref<1x4x8732xf32, #tpu.memory_space<vmem>>, %arg6: memref<1x8732x81xf32, #tpu.memory_space<vmem>>, %arg7: memref<1x1x8736xf32, #tpu.memory_space<vmem>>, %arg8: memref<1x1x1xf32, #tpu.memory_space<vmem>>, %arg9: memref<1x1x1xi32, #tpu.memory_space<vmem>>) attributes {dimension_semantics = [#tpu.dimension_semantics<arbitrary>], iteration_bounds = array<i64: 32>, scalar_prefetch = 0 : i64, scratch_operands = 0 : i64, tpu.core_type = #tpu.core_type<tc>, window_params = [{transform_indices = @transform_0, window_bounds = array<i64: 1, 16, 4>}, {transform_indices = @transform_1, window_bounds = array<i64: 1, 4, 16>}, {transform_indices = @transform_2, window_bounds = array<i64: 1, 1, 16>}, {pipeline_mode = #tpu.pipeline_mode<synchronous>, transform_indices = @transform_3, window_bounds = array<i64: 16, 8732>}, {transform_indices = @transform_4, window_bounds = array<i64: 1, 4, 8732>}, {transform_indices = @transform_5, window_bounds = array<i64: 1, 8732, 81>}, {transform_indices = @transform_6, window_bounds = array<i64: 1, 1, 8736>}, {transform_indices = @transform_7, window_bounds = array<i64: 1, 1, 1>}, {transform_indices = @transform_8, window_bounds = array<i64: 1, 1, 1>}]} {
    %get3A = arith.constant 0 : index
    %get3A_0 = arith.constant 0 : index
    %get3A_1 = arith.constant 0 : index
    %get3A_2 = vector.load %arg1[%get3A, %get3A_0, %get3A_1] : memref<1x16x4xf32, #tpu.memory_space<vmem>>, vector<1x16x4xf32>
    %get3A_3 = vector.shape_cast %get3A_2 : vector<1x16x4xf32> to vector<16x4xf32>
    %get3A_4 = arith.constant 0 : index
    %get3A_5 = arith.constant 0 : index
    %get3A_6 = arith.constant 0 : index
    %get3A_7 = vector.load %arg2[%get3A_4, %get3A_5, %get3A_6] : memref<1x4x16xf32, #tpu.memory_space<vmem>>, vector<1x4x16xf32>
    %get3A_8 = vector.shape_cast %get3A_7 : vector<1x4x16xf32> to vector<4x16xf32>
    %get3A_9 = arith.constant 0 : index
    %get3A_10 = arith.constant 0 : index
    %get3A_11 = arith.constant 0 : index
    %get3A_12 = vector.load %arg3[%get3A_9, %get3A_10, %get3A_11] : memref<1x1x16xf32, #tpu.memory_space<vmem>>, vector<1x1x16xf32>
    %get3A_13 = vector.shape_cast %get3A_12 : vector<1x1x16xf32> to vector<1x16xf32>
    %get3A_14 = arith.constant 0 : index
    %get3A_15 = arith.constant 0 : index
    %get3A_16 = vector.load %arg4[%get3A_14, %get3A_15] : memref<16x8732xf32, #tpu.memory_space<vmem>>, vector<16x8732xf32>
    %get3A_17 = arith.constant 0 : index
    %get3A_18 = arith.constant 0 : index
    %get3A_19 = arith.constant 0 : index
    %get3A_20 = vector.load %arg5[%get3A_17, %get3A_18, %get3A_19] : memref<1x4x8732xf32, #tpu.memory_space<vmem>>, vector<1x4x8732xf32>
    %get3A_21 = vector.shape_cast %get3A_20 : vector<1x4x8732xf32> to vector<4x8732xf32>
    %slice3A = vector.extract_strided_slice %get3A_16 {offsets = [0, 0], sizes = [1, 8732], strides = [1, 1]} : vector<16x8732xf32> to vector<1x8732xf32>
    %slice3A_22 = vector.extract_strided_slice %get3A_16 {offsets = [1, 0], sizes = [1, 8732], strides = [1, 1]} : vector<16x8732xf32> to vector<1x8732xf32>
    %slice3A_23 = vector.extract_strided_slice %get3A_16 {offsets = [2, 0], sizes = [1, 8732], strides = [1, 1]} : vector<16x8732xf32> to vector<1x8732xf32>
    %slice3A_24 = vector.extract_strided_slice %get3A_16 {offsets = [3, 0], sizes = [1, 8732], strides = [1, 1]} : vector<16x8732xf32> to vector<1x8732xf32>
    %slice3A_25 = vector.extract_strided_slice %get3A_16 {offsets = [4, 0], sizes = [1, 8732], strides = [1, 1]} : vector<16x8732xf32> to vector<1x8732xf32>
    %slice3A_26 = vector.extract_strided_slice %get3A_16 {offsets = [5, 0], sizes = [1, 8732], strides = [1, 1]} : vector<16x8732xf32> to vector<1x8732xf32>
    %slice3A_27 = vector.extract_strided_slice %get3A_16 {offsets = [6, 0], sizes = [1, 8732], strides = [1, 1]} : vector<16x8732xf32> to vector<1x8732xf32>
    %slice3A_28 = vector.extract_strided_slice %get3A_16 {offsets = [7, 0], sizes = [1, 8732], strides = [1, 1]} : vector<16x8732xf32> to vector<1x8732xf32>
    %slice3A_29 = vector.extract_strided_slice %get3A_16 {offsets = [8, 0], sizes = [1, 8732], strides = [1, 1]} : vector<16x8732xf32> to vector<1x8732xf32>
    %slice3A_30 = vector.extract_strided_slice %get3A_16 {offsets = [9, 0], sizes = [1, 8732], strides = [1, 1]} : vector<16x8732xf32> to vector<1x8732xf32>
    %slice3A_31 = vector.extract_strided_slice %get3A_16 {offsets = [10, 0], sizes = [1, 8732], strides = [1, 1]} : vector<16x8732xf32> to vector<1x8732xf32>
    %slice3A_32 = vector.extract_strided_slice %get3A_3 {offsets = [0, 0], sizes = [16, 1], strides = [1, 1]} : vector<16x4xf32> to vector<16x1xf32>
    %slice3A_33 = vector.extract_strided_slice %get3A_3 {offsets = [0, 1], sizes = [16, 1], strides = [1, 1]} : vector<16x4xf32> to vector<16x1xf32>
    %slice3A_34 = vector.extract_strided_slice %get3A_3 {offsets = [0, 2], sizes = [16, 1], strides = [1, 1]} : vector<16x4xf32> to vector<16x1xf32>
    %slice3A_35 = vector.extract_strided_slice %get3A_3 {offsets = [0, 3], sizes = [16, 1], strides = [1, 1]} : vector<16x4xf32> to vector<16x1xf32>
    %min3A = vector.broadcast %slice3A_34 : vector<16x1xf32> to vector<16x8732xf32>
    %min3A_36 = vector.broadcast %slice3A_25 : vector<1x8732xf32> to vector<16x8732xf32>
    %min3A_37 = arith.minimumf %min3A, %min3A_36 : vector<16x8732xf32>
    %max3A = vector.broadcast %slice3A_32 : vector<16x1xf32> to vector<16x8732xf32>
    %max3A_38 = vector.broadcast %slice3A_23 : vector<1x8732xf32> to vector<16x8732xf32>
    %max3A_39 = arith.maximumf %max3A, %max3A_38 : vector<16x8732xf32>
    %sub3A = arith.subf %min3A_37, %max3A_39 : vector<16x8732xf32>
    %max3A_40 = arith.constant 0.000000e+00 : f32
    %max3A_41 = vector.broadcast %max3A_40 : f32 to vector<16x8732xf32>
    %max3A_42 = arith.maximumf %sub3A, %max3A_41 : vector<16x8732xf32>
    %min3A_43 = vector.broadcast %slice3A_35 : vector<16x1xf32> to vector<16x8732xf32>
    %min3A_44 = vector.broadcast %slice3A_26 : vector<1x8732xf32> to vector<16x8732xf32>
    %min3A_45 = arith.minimumf %min3A_43, %min3A_44 : vector<16x8732xf32>
    %max3A_46 = vector.broadcast %slice3A_33 : vector<16x1xf32> to vector<16x8732xf32>
    %max3A_47 = vector.broadcast %slice3A_24 : vector<1x8732xf32> to vector<16x8732xf32>
    %max3A_48 = arith.maximumf %max3A_46, %max3A_47 : vector<16x8732xf32>
    %sub3A_49 = arith.subf %min3A_45, %max3A_48 : vector<16x8732xf32>
    %max3A_50 = arith.constant 0.000000e+00 : f32
    %max3A_51 = vector.broadcast %max3A_50 : f32 to vector<16x8732xf32>
    %max3A_52 = arith.maximumf %sub3A_49, %max3A_51 : vector<16x8732xf32>
    %mul3A = arith.mulf %max3A_42, %max3A_52 : vector<16x8732xf32>
    %sub3A_53 = arith.subf %slice3A_34, %slice3A_32 : vector<16x1xf32>
    %sub3A_54 = arith.subf %slice3A_35, %slice3A_33 : vector<16x1xf32>
    %mul3A_55 = arith.mulf %sub3A_53, %sub3A_54 : vector<16x1xf32>
    %add3A = vector.broadcast %mul3A_55 : vector<16x1xf32> to vector<16x8732xf32>
    %add3A_56 = vector.broadcast %slice3A_27 : vector<1x8732xf32> to vector<16x8732xf32>
    %add3A_57 = arith.addf %add3A, %add3A_56 : vector<16x8732xf32>
    %sub3A_58 = arith.subf %add3A_57, %mul3A : vector<16x8732xf32>
    %div3A = arith.divf %mul3A, %sub3A_58 : vector<16x8732xf32>
    %reduce_max3A = arith.constant dense<0xFF800000> : vector<8732xf32>
    %reduce_max3A_59 = vector.multi_reduction <maximumf>, %div3A, %reduce_max3A [0] : vector<16x8732xf32> to vector<8732xf32>
    %broadcast_in_dim3A = vector.shape_cast %reduce_max3A_59 : vector<8732xf32> to vector<1x8732xf32>
    %iota3A = tpu.iota {dimensions = array<i32: 0>} : vector<16x8732xi32>
    %eq3A = vector.broadcast %broadcast_in_dim3A : vector<1x8732xf32> to vector<16x8732xf32>
    %eq3A_60 = arith.cmpf oeq, %div3A, %eq3A : vector<16x8732xf32>
    %jit3A = arith.constant 16 : i32
    %broadcast_in_dim3A_61 = vector.broadcast %jit3A : i32 to vector<16x8732xi32>
    %select_n3A = arith.select %eq3A_60, %iota3A, %broadcast_in_dim3A_61 : vector<16x8732xi1>, vector<16x8732xi32>
    %reduce_min3A = arith.constant dense<2147483647> : vector<8732xi32>
    %reduce_min3A_62 = vector.multi_reduction <minsi>, %select_n3A, %reduce_min3A [0] : vector<16x8732xi32> to vector<8732xi32>
    %broadcast_in_dim3A_63 = vector.shape_cast %reduce_min3A_62 : vector<8732xi32> to vector<1x8732xi32>
    %reduce_max3A_64 = arith.constant dense<0xFF800000> : vector<16xf32>
    %reduce_max3A_65 = vector.multi_reduction <maximumf>, %div3A, %reduce_max3A_64 [1] : vector<16x8732xf32> to vector<16xf32>
    %broadcast_in_dim3A_66 = vector.shape_cast %reduce_max3A_65 : vector<16xf32> to vector<16x1xf32>
    %iota3A_67 = tpu.iota {dimensions = array<i32: 1>} : vector<16x8732xi32>
    %eq3A_68 = vector.broadcast %broadcast_in_dim3A_66 : vector<16x1xf32> to vector<16x8732xf32>
    %eq3A_69 = arith.cmpf oeq, %div3A, %eq3A_68 : vector<16x8732xf32>
    %jit3A_70 = arith.constant 8732 : i32
    %broadcast_in_dim3A_71 = vector.broadcast %jit3A_70 : i32 to vector<16x8732xi32>
    %select_n3A_72 = arith.select %eq3A_69, %iota3A_67, %broadcast_in_dim3A_71 : vector<16x8732xi1>, vector<16x8732xi32>
    %reduce_min3A_73 = arith.constant dense<2147483647> : vector<16xi32>
    %reduce_min3A_74 = vector.multi_reduction <minsi>, %select_n3A_72, %reduce_min3A_73 [1] : vector<16x8732xi32> to vector<16xi32>
    %broadcast_in_dim3A_75 = vector.shape_cast %reduce_min3A_74 : vector<16xi32> to vector<16x1xi32>
    %eq3A_76 = vector.broadcast %broadcast_in_dim3A_75 : vector<16x1xi32> to vector<16x8732xi32>
    %eq3A_77 = arith.cmpi eq, %iota3A_67, %eq3A_76 : vector<16x8732xi32>
    %jit3A_78 = arith.constant -1 : i32
    %broadcast_in_dim3A_79 = vector.broadcast %jit3A_78 : i32 to vector<16x8732xi32>
    %select_n3A_80 = arith.select %eq3A_77, %iota3A, %broadcast_in_dim3A_79 : vector<16x8732xi1>, vector<16x8732xi32>
    %reduce_max3A_81 = arith.constant dense<-2147483648> : vector<8732xi32>
    %reduce_max3A_82 = vector.multi_reduction <maxsi>, %select_n3A_80, %reduce_max3A_81 [0] : vector<16x8732xi32> to vector<8732xi32>
    %broadcast_in_dim3A_83 = vector.shape_cast %reduce_max3A_82 : vector<8732xi32> to vector<1x8732xi32>
    %ge3A = arith.constant 0 : i32
    %ge3A_84 = vector.broadcast %ge3A : i32 to vector<1x8732xi32>
    %ge3A_85 = arith.cmpi sge, %broadcast_in_dim3A_83, %ge3A_84 : vector<1x8732xi32>
    %select_n3A_86 = arith.select %ge3A_85, %broadcast_in_dim3A_83, %broadcast_in_dim3A_63 : vector<1x8732xi1>, vector<1x8732xi32>
    %jit3A_87 = arith.constant 1.000000e+00 : f32
    %broadcast_in_dim3A_88 = vector.broadcast %jit3A_87 : f32 to vector<1x8732xf32>
    %select_n3A_89 = arith.select %ge3A_85, %broadcast_in_dim3A_88, %broadcast_in_dim3A : vector<1x8732xi1>, vector<1x8732xf32>
    %eq3A_90 = vector.broadcast %select_n3A_86 : vector<1x8732xi32> to vector<16x8732xi32>
    %eq3A_91 = arith.cmpi eq, %iota3A, %eq3A_90 : vector<16x8732xi32>
    %convert_element_type3A = arith.extui %eq3A_91 : vector<16x8732xi1> to vector<16x8732xi32>
    %convert_element_type3A_92 = arith.sitofp %convert_element_type3A : vector<16x8732xi32> to vector<16x8732xf32>
    %slice3A_93 = vector.extract_strided_slice %get3A_8 {offsets = [2, 0], sizes = [1, 16], strides = [1, 1]} : vector<4x16xf32> to vector<1x16xf32>
    %slice3A_94 = vector.extract_strided_slice %get3A_8 {offsets = [0, 0], sizes = [1, 16], strides = [1, 1]} : vector<4x16xf32> to vector<1x16xf32>
    %sub3A_95 = arith.subf %slice3A_93, %slice3A_94 : vector<1x16xf32>
    %log3A = math.log %sub3A_95 : vector<1x16xf32>
    %mul3A_96 = arith.constant 5.000000e+00 : f32
    %mul3A_97 = vector.broadcast %mul3A_96 : f32 to vector<1x16xf32>
    %mul3A_98 = arith.mulf %log3A, %mul3A_97 : vector<1x16xf32>
    %slice3A_99 = vector.extract_strided_slice %get3A_8 {offsets = [3, 0], sizes = [1, 16], strides = [1, 1]} : vector<4x16xf32> to vector<1x16xf32>
    %slice3A_100 = vector.extract_strided_slice %get3A_8 {offsets = [1, 0], sizes = [1, 16], strides = [1, 1]} : vector<4x16xf32> to vector<1x16xf32>
    %sub3A_101 = arith.subf %slice3A_99, %slice3A_100 : vector<1x16xf32>
    %log3A_102 = math.log %sub3A_101 : vector<1x16xf32>
    %mul3A_103 = arith.constant 5.000000e+00 : f32
    %mul3A_104 = vector.broadcast %mul3A_103 : f32 to vector<1x16xf32>
    %mul3A_105 = arith.mulf %log3A_102, %mul3A_104 : vector<1x16xf32>
    %broadcast_in_dim3A_106 = arith.constant 0.000000e+00 : f32
    %broadcast_in_dim3A_107 = vector.broadcast %broadcast_in_dim3A_106 : f32 to vector<1x16xf32>
    %concatenate3A = tpu.concatenate %get3A_13, %get3A_8, %mul3A_98, %mul3A_105, %broadcast_in_dim3A_107 in 0 : vector<1x16xf32>, vector<4x16xf32>, vector<1x16xf32>, vector<1x16xf32>, vector<1x16xf32> -> vector<8x16xf32>
    %dot_general3A = arith.constant dense<0.000000e+00> : vector<8x8732xf32>
    %dot_general3A_108 = tpu.matmul %concatenate3A, %convert_element_type3A_92, %dot_general3A {dimension_numbers = #tpu.dot_dimension_numbers<[1], [0], [0], [1], [0, 0, 1, 1], [], []>, transpose_lhs_hint = false} : vector<8x16xf32>, vector<16x8732xf32>, vector<8x8732xf32> -> vector<8x8732xf32>
    %lt3A = arith.constant 5.000000e-01 : f32
    %lt3A_109 = vector.broadcast %lt3A : f32 to vector<1x8732xf32>
    %lt3A_110 = arith.cmpf olt, %select_n3A_89, %lt3A_109 : vector<1x8732xf32>
    %slice3A_111 = vector.extract_strided_slice %dot_general3A_108 {offsets = [0, 0], sizes = [1, 8732], strides = [1, 1]} : vector<8x8732xf32> to vector<1x8732xf32>
    %jit3A_112 = arith.constant 0.000000e+00 : f32
    %broadcast_in_dim3A_113 = vector.broadcast %jit3A_112 : f32 to vector<1x8732xf32>
    %select_n3A_114 = arith.select %lt3A_110, %broadcast_in_dim3A_113, %slice3A_111 : vector<1x8732xi1>, vector<1x8732xf32>
    %gt3A = arith.constant 0.000000e+00 : f32
    %gt3A_115 = vector.broadcast %gt3A : f32 to vector<1x8732xf32>
    %gt3A_116 = arith.cmpf ogt, %select_n3A_114, %gt3A_115 : vector<1x8732xf32>
    %convert_element_type3A_117 = arith.extui %gt3A_116 : vector<1x8732xi1> to vector<1x8732xi32>
    %convert_element_type3A_118 = arith.sitofp %convert_element_type3A_117 : vector<1x8732xi32> to vector<1x8732xf32>
    %convert_element_type3A_119 = arith.extui %gt3A_116 : vector<1x8732xi1> to vector<1x8732xi32>
    %reduce_sum3A = vector.shape_cast %convert_element_type3A_119 : vector<1x8732xi32> to vector<1x1x8732xi32>
    %reduce_sum3A_120 = arith.constant dense<0> : vector<1xi32>
    %reduce_sum3A_121 = vector.multi_reduction <add>, %reduce_sum3A, %reduce_sum3A_120 [1, 2] : vector<1x1x8732xi32> to vector<1xi32>
    %reduce_sum3A_122 = vector.shape_cast %reduce_sum3A_121 : vector<1xi32> to vector<1x1x1xi32>
    %reduce_sum3A_123 = vector.extract %reduce_sum3A_122[0, 0, 0] : i32 from vector<1x1x1xi32>
    %broadcast_in_dim3A_124 = vector.broadcast %reduce_sum3A_123 : i32 to vector<1x1xi32>
    %slice3A_125 = vector.extract_strided_slice %dot_general3A_108 {offsets = [1, 0], sizes = [1, 8732], strides = [1, 1]} : vector<8x8732xf32> to vector<1x8732xf32>
    %slice3A_126 = vector.extract_strided_slice %dot_general3A_108 {offsets = [2, 0], sizes = [1, 8732], strides = [1, 1]} : vector<8x8732xf32> to vector<1x8732xf32>
    %slice3A_127 = vector.extract_strided_slice %dot_general3A_108 {offsets = [3, 0], sizes = [1, 8732], strides = [1, 1]} : vector<8x8732xf32> to vector<1x8732xf32>
    %slice3A_128 = vector.extract_strided_slice %dot_general3A_108 {offsets = [4, 0], sizes = [1, 8732], strides = [1, 1]} : vector<8x8732xf32> to vector<1x8732xf32>
    %add3A_129 = arith.addf %slice3A_125, %slice3A_127 : vector<1x8732xf32>
    %mul3A_130 = arith.constant 5.000000e-01 : f32
    %mul3A_131 = vector.broadcast %mul3A_130 : f32 to vector<1x8732xf32>
    %mul3A_132 = arith.mulf %add3A_129, %mul3A_131 : vector<1x8732xf32>
    %add3A_133 = arith.addf %slice3A_126, %slice3A_128 : vector<1x8732xf32>
    %mul3A_134 = arith.constant 5.000000e-01 : f32
    %mul3A_135 = vector.broadcast %mul3A_134 : f32 to vector<1x8732xf32>
    %mul3A_136 = arith.mulf %add3A_133, %mul3A_135 : vector<1x8732xf32>
    %sub3A_137 = arith.subf %mul3A_132, %slice3A : vector<1x8732xf32>
    %mul3A_138 = arith.mulf %sub3A_137, %slice3A_28 : vector<1x8732xf32>
    %sub3A_139 = arith.subf %mul3A_136, %slice3A_22 : vector<1x8732xf32>
    %mul3A_140 = arith.mulf %sub3A_139, %slice3A_29 : vector<1x8732xf32>
    %slice3A_141 = vector.extract_strided_slice %dot_general3A_108 {offsets = [5, 0], sizes = [1, 8732], strides = [1, 1]} : vector<8x8732xf32> to vector<1x8732xf32>
    %sub3A_142 = arith.subf %slice3A_141, %slice3A_30 : vector<1x8732xf32>
    %slice3A_143 = vector.extract_strided_slice %dot_general3A_108 {offsets = [6, 0], sizes = [1, 8732], strides = [1, 1]} : vector<8x8732xf32> to vector<1x8732xf32>
    %sub3A_144 = arith.subf %slice3A_143, %slice3A_31 : vector<1x8732xf32>
    %slice3A_145 = vector.extract_strided_slice %get3A_21 {offsets = [0, 0], sizes = [1, 8732], strides = [1, 1]} : vector<4x8732xf32> to vector<1x8732xf32>
    %sub3A_146 = arith.subf %slice3A_145, %mul3A_138 : vector<1x8732xf32>
    %abs3A = math.absf %sub3A_146 : vector<1x8732xf32>
    %lt3A_147 = arith.constant 1.000000e+00 : f32
    %lt3A_148 = vector.broadcast %lt3A_147 : f32 to vector<1x8732xf32>
    %lt3A_149 = arith.cmpf olt, %abs3A, %lt3A_148 : vector<1x8732xf32>
    %mul3A_150 = arith.constant 5.000000e-01 : f32
    %mul3A_151 = vector.broadcast %mul3A_150 : f32 to vector<1x8732xf32>
    %mul3A_152 = arith.mulf %mul3A_151, %sub3A_146 : vector<1x8732xf32>
    %mul3A_153 = arith.mulf %mul3A_152, %sub3A_146 : vector<1x8732xf32>
    %sub3A_154 = arith.constant 5.000000e-01 : f32
    %sub3A_155 = vector.broadcast %sub3A_154 : f32 to vector<1x8732xf32>
    %sub3A_156 = arith.subf %abs3A, %sub3A_155 : vector<1x8732xf32>
    %select_n3A_157 = arith.select %lt3A_149, %mul3A_153, %sub3A_156 : vector<1x8732xi1>, vector<1x8732xf32>
    %slice3A_158 = vector.extract_strided_slice %get3A_21 {offsets = [1, 0], sizes = [1, 8732], strides = [1, 1]} : vector<4x8732xf32> to vector<1x8732xf32>
    %sub3A_159 = arith.subf %slice3A_158, %mul3A_140 : vector<1x8732xf32>
    %abs3A_160 = math.absf %sub3A_159 : vector<1x8732xf32>
    %lt3A_161 = arith.constant 1.000000e+00 : f32
    %lt3A_162 = vector.broadcast %lt3A_161 : f32 to vector<1x8732xf32>
    %lt3A_163 = arith.cmpf olt, %abs3A_160, %lt3A_162 : vector<1x8732xf32>
    %mul3A_164 = arith.constant 5.000000e-01 : f32
    %mul3A_165 = vector.broadcast %mul3A_164 : f32 to vector<1x8732xf32>
    %mul3A_166 = arith.mulf %mul3A_165, %sub3A_159 : vector<1x8732xf32>
    %mul3A_167 = arith.mulf %mul3A_166, %sub3A_159 : vector<1x8732xf32>
    %sub3A_168 = arith.constant 5.000000e-01 : f32
    %sub3A_169 = vector.broadcast %sub3A_168 : f32 to vector<1x8732xf32>
    %sub3A_170 = arith.subf %abs3A_160, %sub3A_169 : vector<1x8732xf32>
    %select_n3A_171 = arith.select %lt3A_163, %mul3A_167, %sub3A_170 : vector<1x8732xi1>, vector<1x8732xf32>
    %add3A_172 = arith.addf %select_n3A_157, %select_n3A_171 : vector<1x8732xf32>
    %slice3A_173 = vector.extract_strided_slice %get3A_21 {offsets = [2, 0], sizes = [1, 8732], strides = [1, 1]} : vector<4x8732xf32> to vector<1x8732xf32>
    %sub3A_174 = arith.subf %slice3A_173, %sub3A_142 : vector<1x8732xf32>
    %abs3A_175 = math.absf %sub3A_174 : vector<1x8732xf32>
    %lt3A_176 = arith.constant 1.000000e+00 : f32
    %lt3A_177 = vector.broadcast %lt3A_176 : f32 to vector<1x8732xf32>
    %lt3A_178 = arith.cmpf olt, %abs3A_175, %lt3A_177 : vector<1x8732xf32>
    %mul3A_179 = arith.constant 5.000000e-01 : f32
    %mul3A_180 = vector.broadcast %mul3A_179 : f32 to vector<1x8732xf32>
    %mul3A_181 = arith.mulf %mul3A_180, %sub3A_174 : vector<1x8732xf32>
    %mul3A_182 = arith.mulf %mul3A_181, %sub3A_174 : vector<1x8732xf32>
    %sub3A_183 = arith.constant 5.000000e-01 : f32
    %sub3A_184 = vector.broadcast %sub3A_183 : f32 to vector<1x8732xf32>
    %sub3A_185 = arith.subf %abs3A_175, %sub3A_184 : vector<1x8732xf32>
    %select_n3A_186 = arith.select %lt3A_178, %mul3A_182, %sub3A_185 : vector<1x8732xi1>, vector<1x8732xf32>
    %add3A_187 = arith.addf %add3A_172, %select_n3A_186 : vector<1x8732xf32>
    %slice3A_188 = vector.extract_strided_slice %get3A_21 {offsets = [3, 0], sizes = [1, 8732], strides = [1, 1]} : vector<4x8732xf32> to vector<1x8732xf32>
    %sub3A_189 = arith.subf %slice3A_188, %sub3A_144 : vector<1x8732xf32>
    %abs3A_190 = math.absf %sub3A_189 : vector<1x8732xf32>
    %lt3A_191 = arith.constant 1.000000e+00 : f32
    %lt3A_192 = vector.broadcast %lt3A_191 : f32 to vector<1x8732xf32>
    %lt3A_193 = arith.cmpf olt, %abs3A_190, %lt3A_192 : vector<1x8732xf32>
    %mul3A_194 = arith.constant 5.000000e-01 : f32
    %mul3A_195 = vector.broadcast %mul3A_194 : f32 to vector<1x8732xf32>
    %mul3A_196 = arith.mulf %mul3A_195, %sub3A_189 : vector<1x8732xf32>
    %mul3A_197 = arith.mulf %mul3A_196, %sub3A_189 : vector<1x8732xf32>
    %sub3A_198 = arith.constant 5.000000e-01 : f32
    %sub3A_199 = vector.broadcast %sub3A_198 : f32 to vector<1x8732xf32>
    %sub3A_200 = arith.subf %abs3A_190, %sub3A_199 : vector<1x8732xf32>
    %select_n3A_201 = arith.select %lt3A_193, %mul3A_197, %sub3A_200 : vector<1x8732xi1>, vector<1x8732xf32>
    %add3A_202 = arith.addf %add3A_187, %select_n3A_201 : vector<1x8732xf32>
    %mul3A_203 = arith.mulf %add3A_202, %convert_element_type3A_118 : vector<1x8732xf32>
    %reduce_sum3A_204 = vector.shape_cast %mul3A_203 : vector<1x8732xf32> to vector<1x1x8732xf32>
    %reduce_sum3A_205 = arith.constant dense<0.000000e+00> : vector<1xf32>
    %reduce_sum3A_206 = vector.multi_reduction <add>, %reduce_sum3A_204, %reduce_sum3A_205 [1, 2] : vector<1x1x8732xf32> to vector<1xf32>
    %reduce_sum3A_207 = vector.shape_cast %reduce_sum3A_206 : vector<1xf32> to vector<1x1x1xf32>
    %reduce_sum3A_208 = vector.extract %reduce_sum3A_207[0, 0, 0] : f32 from vector<1x1x1xf32>
    %broadcast_in_dim3A_209 = vector.broadcast %reduce_sum3A_208 : f32 to vector<1x1xf32>
    %swap3A = arith.constant 0 : index
    %swap3A_210 = arith.constant 0 : index
    %swap3A_211 = arith.constant 0 : index
    %swap3A_212 = vector.load %arg8[%swap3A, %swap3A_210, %swap3A_211] : memref<1x1x1xf32, #tpu.memory_space<vmem>>, vector<1x1x1xf32>
    %swap3A_213 = vector.shape_cast %swap3A_212 : vector<1x1x1xf32> to vector<1x1xf32>
    %swap3A_214 = vector.shape_cast %broadcast_in_dim3A_209 : vector<1x1xf32> to vector<1x1x1xf32>
    tpu.vector_store %arg8[%swap3A, %swap3A_210, %swap3A_211], %swap3A_214 {strides = array<i32>} : memref<1x1x1xf32, #tpu.memory_space<vmem>>, vector<1x1x1xf32>,
    %swap3A_215 = arith.constant 0 : index
    %swap3A_216 = arith.constant 0 : index
    %swap3A_217 = arith.constant 0 : index
    %swap3A_218 = vector.load %arg9[%swap3A_215, %swap3A_216, %swap3A_217] : memref<1x1x1xi32, #tpu.memory_space<vmem>>, vector<1x1x1xi32>
    %swap3A_219 = vector.shape_cast %swap3A_218 : vector<1x1x1xi32> to vector<1x1xi32>
    %swap3A_220 = vector.shape_cast %broadcast_in_dim3A_124 : vector<1x1xi32> to vector<1x1x1xi32>
    tpu.vector_store %arg9[%swap3A_215, %swap3A_216, %swap3A_217], %swap3A_220 {strides = array<i32>} : memref<1x1x1xi32, #tpu.memory_space<vmem>>, vector<1x1x1xi32>,
    %get3A_221 = arith.constant 0 : index
    %get3A_222 = arith.constant 0 : index
    %get3A_223 = arith.constant 0 : index
    %get3A_224 = vector.load %arg6[%get3A_221, %get3A_222, %get3A_223] : memref<1x8732x81xf32, #tpu.memory_space<vmem>>, vector<1x8732x81xf32>
    %get3A_225 = vector.shape_cast %get3A_224 : vector<1x8732x81xf32> to vector<8732x81xf32>
    %transpose3A = tpu.transpose %select_n3A_114, [1, 0] : vector<1x8732xf32> -> vector<8732x1xf32>
    %convert_element_type3A_226 = arith.fptosi %transpose3A : vector<8732x1xf32> to vector<8732x1xi32>
    %exp3A = math.exp %get3A_225 : vector<8732x81xf32>
    %broadcast_in_dim3A_227 = arith.constant 1.000000e+00 : f32
    %broadcast_in_dim3A_228 = vector.broadcast %broadcast_in_dim3A_227 : f32 to vector<81x1xf32>
    %dot_general3A_229 = arith.constant dense<0.000000e+00> : vector<8732x1xf32>
    %dot_general3A_230 = tpu.matmul %exp3A, %broadcast_in_dim3A_228, %dot_general3A_229 {dimension_numbers = #tpu.dot_dimension_numbers<[1], [0], [0], [1], [0, 0, 1, 1], [], []>, transpose_lhs_hint = false} : vector<8732x81xf32>, vector<81x1xf32>, vector<8732x1xf32> -> vector<8732x1xf32>
    %iota3A_231 = tpu.iota {dimensions = array<i32: 1>} : vector<8732x81xi32>
    %eq3A_232 = vector.broadcast %convert_element_type3A_226 : vector<8732x1xi32> to vector<8732x81xi32>
    %eq3A_233 = arith.cmpi eq, %iota3A_231, %eq3A_232 : vector<8732x81xi32>
    %jit3A_234 = arith.constant 0.000000e+00 : f32
    %broadcast_in_dim3A_235 = vector.broadcast %jit3A_234 : f32 to vector<8732x81xf32>
    %select_n3A_236 = arith.select %eq3A_233, %exp3A, %broadcast_in_dim3A_235 : vector<8732x81xi1>, vector<8732x81xf32>
    %dot_general3A_237 = arith.constant dense<0.000000e+00> : vector<8732x1xf32>
    %dot_general3A_238 = tpu.matmul %select_n3A_236, %broadcast_in_dim3A_228, %dot_general3A_237 {dimension_numbers = #tpu.dot_dimension_numbers<[1], [0], [0], [1], [0, 0, 1, 1], [], []>, transpose_lhs_hint = false} : vector<8732x81xf32>, vector<81x1xf32>, vector<8732x1xf32> -> vector<8732x1xf32>
    %div3A_239 = arith.divf %dot_general3A_230, %dot_general3A_238 : vector<8732x1xf32>
    %gt3A_240 = arith.constant 0 : i32
    %gt3A_241 = vector.broadcast %gt3A_240 : i32 to vector<8732x1xi32>
    %gt3A_242 = arith.cmpi sgt, %convert_element_type3A_226, %gt3A_241 : vector<8732x1xi32>
    %neg3A = arith.constant 0.000000e+00 : f32
    %neg3A_243 = vector.broadcast %neg3A : f32 to vector<8732x1xf32>
    %neg3A_244 = arith.subf %neg3A_243, %div3A_239 : vector<8732x1xf32>
    %select_n3A_245 = arith.select %gt3A_242, %neg3A_244, %div3A_239 : vector<8732x1xi1>, vector<8732x1xf32>
    %transpose3A_246 = tpu.transpose %select_n3A_245, [1, 0] : vector<8732x1xf32> -> vector<1x8732xf32>
    %broadcast_in_dim3A_247 = arith.constant 1.000000e+00 : f32
    %broadcast_in_dim3A_248 = vector.broadcast %broadcast_in_dim3A_247 : f32 to vector<1x4xf32>
    %concatenate3A_249 = tpu.concatenate %transpose3A_246, %broadcast_in_dim3A_248 in 1 : vector<1x8732xf32>, vector<1x4xf32> -> vector<1x8736xf32>
    %swap3A_250 = arith.constant 0 : index
    %swap3A_251 = arith.constant 0 : index
    %swap3A_252 = arith.constant 0 : index
    %swap3A_253 = vector.load %arg7[%swap3A_250, %swap3A_251, %swap3A_252] : memref<1x1x8736xf32, #tpu.memory_space<vmem>>, vector<1x1x8736xf32>
    %swap3A_254 = vector.shape_cast %swap3A_253 : vector<1x1x8736xf32> to vector<1x8736xf32>
    %swap3A_255 = vector.shape_cast %concatenate3A_249 : vector<1x8736xf32> to vector<1x1x8736xf32>
    tpu.vector_store %arg7[%swap3A_250, %swap3A_251, %swap3A_252], %swap3A_255 {strides = array<i32>} : memref<1x1x8736xf32, #tpu.memory_space<vmem>>, vector<1x1x8736xf32>,
    return
  }
  func.func @transform_0(%arg0: i32) -> (i32, i32, i32) {
    %c0_i32 = arith.constant 0 : i32
    %c0_i32_0 = arith.constant 0 : i32
    %c0_i32_1 = arith.constant 0 : i32
    return %arg0, %c0_i32, %c0_i32_0 : i32, i32, i32
  }
  func.func @transform_1(%arg0: i32) -> (i32, i32, i32) {
    %c0_i32 = arith.constant 0 : i32
    %c0_i32_0 = arith.constant 0 : i32
    %c0_i32_1 = arith.constant 0 : i32
    return %arg0, %c0_i32, %c0_i32_0 : i32, i32, i32
  }
  func.func @transform_2(%arg0: i32) -> (i32, i32, i32) {
    %c0_i32 = arith.constant 0 : i32
    %c0_i32_0 = arith.constant 0 : i32
    %c0_i32_1 = arith.constant 0 : i32
    return %arg0, %c0_i32, %c0_i32_0 : i32, i32, i32
  }
  func.func @transform_3(%arg0: i32) -> (i32, i32) {
    %c0_i32 = arith.constant 0 : i32
    %c0_i32_0 = arith.constant 0 : i32
    %c0_i32_1 = arith.constant 0 : i32
    return %c0_i32, %c0_i32_0 : i32, i32
  }
  func.func @transform_4(%arg0: i32) -> (i32, i32, i32) {
    %c0_i32 = arith.constant 0 : i32
    %c0_i32_0 = arith.constant 0 : i32
    %c0_i32_1 = arith.constant 0 : i32
    return %arg0, %c0_i32, %c0_i32_0 : i32, i32, i32
  }
  func.func @transform_5(%arg0: i32) -> (i32, i32, i32) {
    %c0_i32 = arith.constant 0 : i32
    %c0_i32_0 = arith.constant 0 : i32
    %c0_i32_1 = arith.constant 0 : i32
    return %arg0, %c0_i32, %c0_i32_0 : i32, i32, i32
  }
  func.func @transform_6(%arg0: i32) -> (i32, i32, i32) {
    %c0_i32 = arith.constant 0 : i32
    %c0_i32_0 = arith.constant 0 : i32
    %c0_i32_1 = arith.constant 0 : i32
    return %arg0, %c0_i32, %c0_i32_0 : i32, i32, i32
  }
  func.func @transform_7(%arg0: i32) -> (i32, i32, i32) {
    %c0_i32 = arith.constant 0 : i32
    %c0_i32_0 = arith.constant 0 : i32
    %c0_i32_1 = arith.constant 0 : i32
    return %arg0, %c0_i32, %c0_i32_0 : i32, i32, i32
  }
  func.func @transform_8(%arg0: i32) -> (i32, i32, i32) {
    %c0_i32 = arith.constant 0 : i32
    %c0_i32_0 = arith.constant 0 : i32
    %c0_i32_1 = arith.constant 0 : i32
    return %arg0, %c0_i32, %c0_i32_0 : i32, i32, i32
  }
}

module attributes {stable_mosaic.version = 14 : i64} {
  func.func @_combine_kernel(%arg0: memref<32x48xf32, #tpu.memory_space<vmem>>, %arg1: memref<32x1x1xi32, #tpu.memory_space<vmem>>, %arg2: memref<32x1x1xf32, #tpu.memory_space<vmem>>, %arg3: memref<1x1xf32, #tpu.memory_space<vmem>>, %arg4: memref<1x1xf32, #tpu.memory_space<vmem>>) attributes {dimension_semantics = [], scalar_prefetch = 0 : i64, scratch_operands = 0 : i64, tpu.core_type = #tpu.core_type<tc>} {
    %get3A = arith.constant 0 : index
    %get3A_0 = arith.constant 0 : index
    %get3A_1 = vector.load %arg0[%get3A, %get3A_0] : memref<32x48xf32, #tpu.memory_space<vmem>>, vector<32x48xf32>
    %slice3A = vector.extract_strided_slice %get3A_1 {offsets = [0, 0], sizes = [32, 16], strides = [1, 1]} : vector<32x48xf32> to vector<32x16xf32>
    %reduce_sum3A = vector.shape_cast %slice3A : vector<32x16xf32> to vector<1x32x16xf32>
    %reduce_sum3A_2 = arith.constant dense<0.000000e+00> : vector<1xf32>
    %reduce_sum3A_3 = vector.multi_reduction <add>, %reduce_sum3A, %reduce_sum3A_2 [1, 2] : vector<1x32x16xf32> to vector<1xf32>
    %reduce_sum3A_4 = vector.shape_cast %reduce_sum3A_3 : vector<1xf32> to vector<1x1x1xf32>
    %reduce_sum3A_5 = vector.extract %reduce_sum3A_4[0, 0, 0] : f32 from vector<1x1x1xf32>
    %broadcast_in_dim3A = vector.broadcast %reduce_sum3A_5 : f32 to vector<1x1xf32>
    %slice3A_6 = vector.extract_strided_slice %get3A_1 {offsets = [0, 16], sizes = [32, 16], strides = [1, 1]} : vector<32x48xf32> to vector<32x16xf32>
    %reduce_sum3A_7 = arith.constant dense<0.000000e+00> : vector<32xf32>
    %reduce_sum3A_8 = vector.multi_reduction <add>, %slice3A_6, %reduce_sum3A_7 [1] : vector<32x16xf32> to vector<32xf32>
    %broadcast_in_dim3A_9 = vector.shape_cast %reduce_sum3A_8 : vector<32xf32> to vector<32x1xf32>
    %slice3A_10 = vector.extract_strided_slice %get3A_1 {offsets = [0, 32], sizes = [32, 1], strides = [1, 1]} : vector<32x48xf32> to vector<32x1xf32>
    %slice3A_11 = vector.extract_strided_slice %get3A_1 {offsets = [0, 33], sizes = [32, 1], strides = [1, 1]} : vector<32x48xf32> to vector<32x1xf32>
    %slice3A_12 = vector.extract_strided_slice %get3A_1 {offsets = [0, 34], sizes = [32, 1], strides = [1, 1]} : vector<32x48xf32> to vector<32x1xf32>
    %sub3A = arith.subf %slice3A_12, %slice3A_11 : vector<32x1xf32>
    %mul3A = arith.mulf %sub3A, %slice3A_10 : vector<32x1xf32>
    %add3A = arith.addf %broadcast_in_dim3A_9, %mul3A : vector<32x1xf32>
    %reduce_sum3A_13 = vector.shape_cast %add3A : vector<32x1xf32> to vector<1x32x1xf32>
    %reduce_sum3A_14 = arith.constant dense<0.000000e+00> : vector<1xf32>
    %reduce_sum3A_15 = vector.multi_reduction <add>, %reduce_sum3A_13, %reduce_sum3A_14 [1, 2] : vector<1x32x1xf32> to vector<1xf32>
    %reduce_sum3A_16 = vector.shape_cast %reduce_sum3A_15 : vector<1xf32> to vector<1x1x1xf32>
    %reduce_sum3A_17 = vector.extract %reduce_sum3A_16[0, 0, 0] : f32 from vector<1x1x1xf32>
    %broadcast_in_dim3A_18 = vector.broadcast %reduce_sum3A_17 : f32 to vector<1x1xf32>
    %get3A_19 = arith.constant 0 : index
    %get3A_20 = arith.constant 0 : index
    %get3A_21 = arith.constant 0 : index
    %get3A_22 = vector.load %arg1[%get3A_19, %get3A_20, %get3A_21] : memref<32x1x1xi32, #tpu.memory_space<vmem>>, vector<32x1x1xi32>
    %reshape3A = vector.shape_cast %get3A_22 : vector<32x1x1xi32> to vector<32x1xi32>
    %reduce_sum3A_23 = vector.shape_cast %reshape3A : vector<32x1xi32> to vector<1x32x1xi32>
    %reduce_sum3A_24 = arith.constant dense<0> : vector<1xi32>
    %reduce_sum3A_25 = vector.multi_reduction <add>, %reduce_sum3A_23, %reduce_sum3A_24 [1, 2] : vector<1x32x1xi32> to vector<1xi32>
    %reduce_sum3A_26 = vector.shape_cast %reduce_sum3A_25 : vector<1xi32> to vector<1x1x1xi32>
    %reduce_sum3A_27 = vector.extract %reduce_sum3A_26[0, 0, 0] : i32 from vector<1x1x1xi32>
    %broadcast_in_dim3A_28 = vector.broadcast %reduce_sum3A_27 : i32 to vector<1x1xi32>
    %convert_element_type3A = arith.sitofp %broadcast_in_dim3A_28 : vector<1x1xi32> to vector<1x1xf32>
    %get3A_29 = arith.constant 0 : index
    %get3A_30 = arith.constant 0 : index
    %get3A_31 = arith.constant 0 : index
    %get3A_32 = vector.load %arg2[%get3A_29, %get3A_30, %get3A_31] : memref<32x1x1xf32, #tpu.memory_space<vmem>>, vector<32x1x1xf32>
    %reduce_sum3A_33 = vector.shape_cast %get3A_32 : vector<32x1x1xf32> to vector<1x32x1x1xf32>
    %reduce_sum3A_34 = arith.constant dense<0.000000e+00> : vector<1xf32>
    %reduce_sum3A_35 = vector.multi_reduction <add>, %reduce_sum3A_33, %reduce_sum3A_34 [1, 2, 3] : vector<1x32x1x1xf32> to vector<1xf32>
    %reduce_sum3A_36 = vector.shape_cast %reduce_sum3A_35 : vector<1xf32> to vector<1x1x1x1xf32>
    %reduce_sum3A_37 = vector.extract %reduce_sum3A_36[0, 0, 0, 0] : f32 from vector<1x1x1x1xf32>
    %broadcast_in_dim3A_38 = vector.broadcast %reduce_sum3A_37 : f32 to vector<1x1x1xf32>
    %reshape3A_39 = vector.shape_cast %broadcast_in_dim3A_38 : vector<1x1x1xf32> to vector<1x1xf32>
    %add3A_40 = arith.addf %broadcast_in_dim3A_18, %broadcast_in_dim3A : vector<1x1xf32>
    %div3A = arith.divf %add3A_40, %convert_element_type3A : vector<1x1xf32>
    %swap3A = arith.constant 0 : index
    %swap3A_41 = arith.constant 0 : index
    %swap3A_42 = vector.load %arg3[%swap3A, %swap3A_41] : memref<1x1xf32, #tpu.memory_space<vmem>>, vector<1x1xf32>
    tpu.vector_store %arg3[%swap3A, %swap3A_41], %div3A {strides = array<i32>} : memref<1x1xf32, #tpu.memory_space<vmem>>, vector<1x1xf32>,
    %mul3A_43 = arith.constant 4.000000e+00 : f32
    %mul3A_44 = vector.broadcast %mul3A_43 : f32 to vector<1x1xf32>
    %mul3A_45 = arith.mulf %mul3A_44, %convert_element_type3A : vector<1x1xf32>
    %div3A_46 = arith.divf %reshape3A_39, %mul3A_45 : vector<1x1xf32>
    %swap3A_47 = arith.constant 0 : index
    %swap3A_48 = arith.constant 0 : index
    %swap3A_49 = vector.load %arg4[%swap3A_47, %swap3A_48] : memref<1x1xf32, #tpu.memory_space<vmem>>, vector<1x1xf32>
    tpu.vector_store %arg4[%swap3A_47, %swap3A_48], %div3A_46 {strides = array<i32>} : memref<1x1xf32, #tpu.memory_space<vmem>>, vector<1x1xf32>,
    return
  }
}

</mosaic_0001>

<sc_bundles>
// kernel: kernel.5.cloned.1.call-start
scs
__scs_entry_jumppad:
0x0: {  	(pc) =	sbr.rel $0x88, $3  }
0x1: {  	(tag) =	ssettag $0x0;
	lr =	simm.s32 $0x1  }
0x2: {  	[smem:$0x3F9C] =	sst lr;
	_ =	strace $0xD0000000  }
0x3: {  	_ = 	snop  }
0x4: {  	_ = 	snop  }
0x5: {  	_ = 	snop  }
0x6: {  	_ = 	snop  }
0x7: {  	_ = 	snop  }
__scs_overlays_trampoline_lowered:
0x8: {  	[smem:$0x3FAB] =	sst s0  }
0x9: {  	[smem:$0x3FAC] =	sst s1  }
0xa: {  	[smem:$0x3FAD] =	sst s2  }
0xb: {  	[smem:$0x3FAE] =	sst s3  }
0xc: {  	[smem:$0x3FAF] =	sst s4  }
0xd: {  	[smem:$0x3FB0] =	sst s5  }
0xe: {  	[smem:$0x3FB1] =	sst s6  }
0xf: {  	[smem:$0x3FB2] =	sst s7  }
0x10: {  	[smem:$0x3FB3] =	sst s8  }
0x11: {  	[smem:$0x3FB4] =	sst s9;
	s0 =	simm.s32 @!p0 $0x0  }
0x12: {  	s1 =	sld [smem:$0x3F9A];
	s0 =	simm.s32 @p0 $0x1  }
0x13: {  	[smem:$0x3FB5] =	sst s0;
	s0 =	simm.s32 @!p1 $0x0  }
0x14: {  	s2 =	sld [smem:$0x3F99];
	s0 =	simm.s32 @p1 $0x1  }
0x15: {  	[smem:$0x3FB6] =	sst s0;
	s0 =	simm.s32 @!p2 $0x0  }
0x16: {  	s3 =	sld [smem:$0x3FDB];
	s0 =	simm.s32 @p2 $0x1  }
0x17: {  	s4 =	simm.s32 $0x1BF5;
	[smem:$0x3FB8] =	sst s0  }
0x18: {  	s0 =	sld [smem:$0x3F9B];
	_ =	swait.ge [sflag:s4], $0x0  }
0x19: {  	s7 =	sld [smem:$0x3F9C]  }
0x1a: {  	s8 =	sadd.s32 $0xFFFFE003, lr  }
0x1b: {  	s9 =	sadd.s32 $0xFFFFFEF7, lr;
	s5 =	simm.s32 $0xFFFFFFFF;
	p2 =	slt.u32 s8, $0xFFFFF086  }
0x1c: {  	p1 =	slt.u32 s9, $0xF7A;
	s5 =	simm.s32 @!p2 $0x0  }
0x1d: {  	s5 =	simm.s32 @p1 $0x1;
	p0 =	seq.s32 s7, s2  }
0x1e: {  	s7 =	smul.u32 @!p0 $0xF7A, s2;
	p2 =	seq.s32 @!p0 s5, $0x0  }
0x1f: {  	s9 =	smul.u32 $0xF7A, s1;
	s8 =	simm.s32 @!p0 $0x1BF5;
	p2 =	por !p2, p0  }
0x20: {  	[sflag:s8] =	ssyncset.s32 @!p0 $0xFFFFF086;
	s6 =	sadd.s32 @!p0 s3, s7;
	s7 =	simm.s32 @!p0 $0x108  }
0x21: {  	s3 =	sadd.s32 s3, s9;
	s6 =	sadd.s32 @!p0 $0x88, s6;
	s7 =	simm.s32 @p2 $0x1082  }
0x22: {  	[simem:s7], [sflag:s8] =	dma.local @!p0 [hbm:s6], $0xF7A  }
0x23: {  	s9 =	sor.u32 $0xD0000000, s2;
	s6 =	simm.s32 $0x108;
	_ =	swait.ge @!p0 [sflag:s8], $0x0  }
0x24: {  	s3 =	sadd.s32 $0x88, s3;
	s6 =	simm.s32 @!p1 $0x1082;
	[sflag:s4] =	ssyncset.s32 $0xFFFFF086  }
0x25: {  	[simem:s6], [sflag:s4] =	dma.local [hbm:s3], $0xF7A  }
0x26: {  	[smem:$0x3F9C] =	sst s1;
	(tag) =	ssettag s2;
	_ =	strace s9  }
0x27: {  	s1 =	sld [smem:$0x3FAC]  }
0x28: {  	s2 =	sld [smem:$0x3FAD]  }
0x29: {  	s4 =	sld [smem:$0x3FAF]  }
0x2a: {  	p0 =	seq.s32 s5, $0x0;
	s5 =	sld [smem:$0x3FB0]  }
0x2b: {  	s6 =	sld [smem:$0x3FB1]  }
0x2c: {  	s7 =	sld [smem:$0x3FB2]  }
0x2d: {  	s3 =	simm.s32 $0x108;
	s8 =	sld [smem:$0x3FB3]  }
0x2e: {  	s3 =	simm.s32 @!p0 $0x1082;
	s9 =	sld [smem:$0x3FB4]  }
0x2f: {  	lr =	sadd.s32 s0, s3;
	s0 =	sld [smem:$0x3FAB]  }
0x30: {  	s3 =	sld [smem:$0x3FAE]  }
0x31: {  	[smem:$0x3FB7] =	sst s10  }
0x32: {  	s10 =	sld [smem:$0x3FB5];
	_ =	sdelay $0x3  }
0x33: {  	p0 =	seq.s32 s10, $0x1;
	s10 =	sld [smem:$0x3FB7];
	_ =	sdelay $0x3  }
0x34: {  	[smem:$0x3FB7] =	sst s10  }
0x35: {  	s10 =	sld [smem:$0x3FB6];
	_ =	sdelay $0x3  }
0x36: {  	p1 =	seq.s32 s10, $0x1;
	s10 =	sld [smem:$0x3FB7];
	_ =	sdelay $0x3  }
0x37: {  	[smem:$0x3FB7] =	sst s10  }
0x38: {  	s10 =	sld [smem:$0x3FB8]  }
0x39: {  	_ = 	snop;
	(pc) =	sbr.ind lr, $3  }
0x3a: {  	_ = 	snop  }
0x3b: {  	_ = 	snop  }
0x3c: {  	p2 =	seq.s32 s10, $0x1;
	s10 =	sld [smem:$0x3FB7]  }
0x3d: {  	_ =	shalt  }
0x3e: {  	_ =	shalt  }
0x3f: {  	_ =	shalt  }
0x40: {  	_ =	shalt  }
0x41: {  	_ =	shalt  }
0x42: {  	_ =	shalt  }
0x43: {  	_ =	shalt  }
0x44: {  	_ =	shalt  }
0x45: {  	_ =	shalt  }
0x46: {  	_ =	shalt  }
0x47: {  	_ =	shalt  }
0x48: {  	_ =	shalt  }
0x49: {  	_ =	shalt  }
0x4a: {  	_ =	shalt  }
0x4b: {  	_ =	shalt  }
0x4c: {  	_ =	shalt  }
0x4d: {  	_ =	shalt  }
0x4e: {  	_ =	shalt  }
0x4f: {  	_ =	shalt  }
0x50: {  	_ =	shalt  }
0x51: {  	_ =	shalt  }
0x52: {  	_ =	shalt  }
0x53: {  	_ =	shalt  }
0x54: {  	_ =	shalt  }
0x55: {  	_ =	shalt  }
0x56: {  	_ =	shalt  }
0x57: {  	_ =	shalt  }
0x58: {  	_ =	shalt  }
0x59: {  	_ =	shalt  }
0x5a: {  	_ =	shalt  }
0x5b: {  	_ =	shalt  }
0x5c: {  	_ =	shalt  }
0x5d: {  	_ =	shalt  }
0x5e: {  	_ =	shalt  }
0x5f: {  	_ =	shalt  }
0x60: {  	_ =	shalt  }
0x61: {  	_ =	shalt  }
0x62: {  	_ =	shalt  }
0x63: {  	_ =	shalt  }
0x64: {  	_ =	shalt  }
0x65: {  	_ =	shalt  }
0x66: {  	_ =	shalt  }
0x67: {  	_ =	shalt  }
0x68: {  	_ =	shalt  }
0x69: {  	_ =	shalt  }
0x6a: {  	_ =	shalt  }
0x6b: {  	_ =	shalt  }
0x6c: {  	_ =	shalt  }
0x6d: {  	_ =	shalt  }
0x6e: {  	_ =	shalt  }
0x6f: {  	_ =	shalt  }
0x70: {  	_ =	shalt  }
0x71: {  	_ =	shalt  }
0x72: {  	_ =	shalt  }
0x73: {  	_ =	shalt  }
0x74: {  	_ =	shalt  }
0x75: {  	_ =	shalt  }
0x76: {  	_ =	shalt  }
0x77: {  	_ =	shalt  }
0x78: {  	_ =	shalt  }
0x79: {  	_ =	shalt  }
0x7a: {  	_ =	shalt  }
0x7b: {  	_ =	shalt  }
0x7c: {  	_ =	shalt  }
0x7d: {  	_ =	shalt  }
0x7e: {  	_ =	shalt  }
0x7f: {  	_ =	shalt  }
0x80: {  	_ =	shalt  }
0x81: {  	_ =	shalt  }
0x82: {  	_ =	shalt  }
0x83: {  	_ =	shalt  }
0x84: {  	_ =	shalt  }
0x85: {  	_ =	shalt  }
0x86: {  	_ =	shalt  }
0x87: {  	_ =	shalt  }
.Lfunc_end0:
.L_simem_size_0:
called_computation_lowered:
.L_overlay_start_0:
0x88: {  	s2 =	sld [smem:$0x3FD9]  }
0x89: {  	s3 =	sld [smem:$0x3FFE];
	_ =	sdelay $0x1  }
0x8a: {  	s1 =	srdreg.scid  }
0x8b: {  	s0 =	sand.u32 $0x1, s1  }
0x8c: {  	s16 =	sshll.u32 s0, $0xA;
	s2 =	sadd.s32 s3, s2  }
0x8d: {  	s2 =	sadd.s32 s2, s16  }
0x8e: {  	[smem:$0x3FC3] =	sst s2  }
0x8f: {  	_ = 	snop  }
0x90: {  	(tm) =	ssettm $0x1  }
0x91: {  	s17 =	sld [smem:$0x3FFB];
	_ =	sdelay $0x3  }
0x92: {  	_ =	strace s17  }
0x93: {  	s2 =	sld [smem:$0x3FFC];
	_ =	sdelay $0x3  }
0x94: {  	_ =	strace s2  }
0x95: {  	s2 =	sld [smem:$0x3FFD];
	_ =	sdelay $0x3  }
0x96: {  	_ =	strace s2  }
0x97: {  	_ =	strace $0x8FFFFFFF  }
0x98: {  	s18 =	sld [smem:$0x3FDB];
	_ =	sdelay $0x1  }
0x99: {  	s19 =	simm.s32 $_scs_section_size  }
0x9a: {  	s4 =	simm.s32 $_size__tile_overlayer_lowered;
	s5 =	simm.s32 $_tile_overlayer_lowered  }
0x9b: {  	s22 =	simm.s32 $0x1BFF;
	s21 =	sshll.u32 s5, $0x1;
	s2 =	sadd.s32 s19, s18  }
0x9c: {  	s6 =	simm.s32 $0x0;
	s20 =	sshll.u32 s4, $0x1;
	s4 =	sadd.s32 s21, s2  }
0x9d: {  	[timem:s6], [sflag:s22] =	dma.local [hbm:s4], s20  }
0x9e: {  	_ =	swait.ge [sflag:s22], s20  }
0x9f: {  	s3 =	ssub.s32 $0x0, s20;
	[sflag:s22] =	ssyncset.done $0x0  }
0xa0: {  	[sflag:s22] =	ssyncadd.s32 s3;
	_ =	sdelay $0x1  }
0xa1: {  	s23 =	simm.s32 $0x1B8B  }
0xa2: {  	_ =	swait.ge [sflag:s23], $0x1  }
0xa3: {  	[sflag:s23] =	ssyncset.done $0x0  }
0xa4: {  	s25 =	simm.s32 $0x1B8E;
	s24 =	sld [smem:$0x3FFE];
	[sflag:s23] =	ssyncadd.s32 $0xFFFFFFFF  }
0xa5: {  	s26 =	simm.s32 $execute0_lowered;
	[smem:$0x3FD2] =	sst s25  }
0xa6: {  	s4 =	sshll.u32 s26, $0x1;
	_ =	strace $0x80000046;
	[dreg:$0x1] =	wrdreg $0xFFFFFFFF  }
0xa7: {  	s28 =	simm.s32 $_size_execute0_lowered;
	s2 =	sadd.s32 s2, s4;
	[dreg:$0x0] =	wrdreg $0x0  }
0xa8: {  	s4 =	sshll.u32 s28, $0x1;
	[dreg:$0x2] =	wrdreg s2  }
0xa9: {  	[dreg:$0x3] =	wrdreg s4  }
0xaa: {  	[dreg:$0x4] =	wrdreg $0xC0  }
0xab: {  	_ =	task [dreg:s6], $0x5FFFF  }
0xac: {  	[dreg:$0x1] =	wrdreg $0xFFFFFFFF  }
0xad: {  	[dreg:$0x0] =	wrdreg $0x60  }
0xae: {  	[dreg:$0x2] =	wrdreg s24  }
0xaf: {  	[dreg:$0x3] =	wrdreg $0x9  }
0xb0: {  	_ =	task.clear_ibuf [dreg:s6], $0x4FFFF;
	_ =	strace $0x90000046  }
0xb1: {  	s29 =	simm.s32 $0x9;
	_ =	strace $0x80000048  }
0xb2: {  	_ =	swait.ge [sflag:s29], $0x1  }
0xb3: {  	[sflag:s29] =	ssyncadd.s32 $0xFFFFFFFF  }
0xb4: {  	_ =	strace $0x90000048  }
0xb5: {  	_ =	sfence  }
0xb6: {  	s30 =	sld [smem:$0x0];
	_ =	sdelay $0x2  }
0xb7: {  	s31 =	sshll.u32 s1, $0xD;
	s1 =	sshrl.u32 s1, $0x2  }
0xb8: {  	s3 =	sand.u32 $0x4000, s31;
	s1 =	sadd.s32 s1, s30  }
0xb9: {  	s0 =	sor.u32 s3, s0;
	s1 =	sshll.u32 s1, $0x11  }
0xba: {  	s0 =	sor.u32 s1, s0  }
0xbb: {  	s0 =	sadd.s32 $0x8F2B, s0  }
0xbc: {  	[sflag:s0] =	ssyncadd.remote.s32 $0x1  }
0xbd: {  	_ =	sfence.sel $0xFFFF  }
0xbe: {  	[dreg:$0x0] =	wrdreg $0xFFFFFFFF;
	(pc) =	sbr.abs _section_cstart, $3  }
0xbf: {  	[dreg:$0x1] =	wrdreg $0xFFFFFFFF  }
0xc0: {  	_ =	task.clear_ibuf [dreg:s6], $0x2FFFF;
	_ =	strace $0x9FFFFFFF  }
0xc1: {  	(tm) =	ssettm $0x7FFFFFFF  }
tec
execute0_lowered:
.L_overlay_start_1:
0x0: {  	(tag) =	ssettag $0x1  }
0x1: {  	s3 =	rddreg [dreg:$0x0]  }
0x2: {  	s0 =	rddreg [dreg:$0x1]  }
0x3: {  	s2 =	simm.s32 $0x0;
	s4 =	srdreg.scid;
	s1 =	stileid.u32  }
0x4: {  	s9 =	simm.s32 $0x4500;
	s10 =	simm.s32 $0x0;
	s4 =	sand.u32 $0x1, s4  }
0x5: {  	s5 =	sshrl.u32 s1, $0x2;
	s6 =	sshll.u32 s1, $0x8;
	[smem:$0x7FF] =	sst s2  }
0x6: {  	s7 =	sshll.u32 s4, $0x7;
	s6 =	sand.u32 $0x300, s6;
	s8 =	smul.u32 $0x11400, s5  }
0x7: {  	s5 =	sshll.u32 s5, $0xA;
	s4 =	ssub.s32 $0x2, s4;
	s6 =	sor.u32 s7, s6  }
0x8: {  	_ =	strace $0x80000047;
	s30 =	sshrl.u32 s4, $0x1;
	s7 =	sor.u32 s8, s6  }
0x9: {  	s5 =	sor.u32 s5, s6;
	s31 =	ssub.s32 s4, s30;
	s29 =	sshrl.u32 s7, $0x3  }
0xa: {  	s8 =	simm.s32 $0x1;
	s5 =	sshrl.u32 s5, $0x3;
	s6 =	sadd.s32 s29, s3  }
0xb: {  	s7 =	simm.s32 $0x400;
	s5 =	sadd.s32 s5, s3;
	s3 =	sadd.s32 $0x1400, s6  }
0xc: {  	v0 =	vimm.s32 $0x40000000;
	vm0 =	vcmask $0x3F0C;
	vm1 =	vcmask $0x3F08;
	s4 =	sadd.s32 $0x9E00, s5;
	s5 =	smax.u32 s31, $0x1;
	s6 =	simm.s32 $0x80  }
.LBB2_1:
0xd: {  	[tilespmem:s2], [sflag:$0x1] =	stream.strided.gather [hbm4b:s3+s6], $0x2280, s7, s6, $0x38;
	[tilespmem:$0x4580] =	vst v63  }
0xe: {  	_ =	swait.ge [sflag:s8], $0x2280  }
0xf: {  	[sflag:s8] =	ssyncset.done $0x0  }
0x10: {  	s11 =	simm.s32 $0x0;
	[sflag:s8] =	ssyncadd.s32 $0xFFFFDD80  }
0x11: {  	v1 =	vld [tilespmem:s11+$0x50]  }
0x12: {  	v4 =	vld [tilespmem:s11+$0x40]  }
0x13: {  	v6 =	vld [tilespmem:s11+$0x30]  }
0x14: {  	v7 =	vld [tilespmem:s11+$0x20]  }
0x15: {  	v9 =	vld [tilespmem:s11+$0x10]  }
0x16: {  	v5 =	vld [tilespmem:s11+$0x0];
	_ =	sdelay $0x2  }
0x17: {  	v3 =	vimm.f32 $0.0e+00;
	v2 =	vimm.s32 $0x0  }
0x18: {  	vm3 =	vlt.f32 v4, $0.0e+00;
	vm2 =	vlt.f32 v1, $0.0e+00;
	vm6 =	vlt.f32 v9, $0.0e+00  }
0x19: {  	vm5 =	vlt.f32 v7, $0.0e+00;
	vm4 =	vlt.f32 v6, $0.0e+00;
	vm7 =	vlt.f32 v5, $0.0e+00  }
0x1a: {  	v8 =	vand.u32 $0x7FFFFFFF, v4;
	v10 =	vand.u32 $0x7FFFFFFF, v1;
	v9 =	vand.u32 $0x7FFFFFFF, v9  }
0x1b: {  	s12 =	simm.s32 $0x180;
	v11 =	vand.u32 $0x7FFFFFFF, v7;
	v12 =	vand.u32 $0x7FFFFFFF, v6;
	v1 =	vimm.s32 $0x0  }
.LBB2_2:
0x1c: {  	p0 =	sne.s32 s12, $0x8700;
	v13 =	vand.u32 $0x7FFFFFFF, v5;
	v5 =	vmpcnt.ones.xlane vm4;
	v4 =	vmpcnt.ones.xlane vm2  }
0x1d: {  	v7 =	vmpcnt.ones.xlane vm6;
	v6 =	vmpcnt.ones.xlane vm5;
	v14 =	vshrl.u32 v10, $0x17  }
0x1e: {  	v15 =	vshrl.u32 v11, $0x17;
	v16 =	vshrl.u32 v12, $0x17;
	v17 =	vshrl.u32 v8, $0x17  }
0x1f: {  	v19 =	vshrl.u32 v9, $0x17;
	v10 =	vand.u32 $0x7FFFFF, v10;
	v18 =	vshrl.u32 v13, $0x17  }
0x20: {  	v11 =	vand.u32 $0x7FFFFF, v11;
	v12 =	vand.u32 $0x7FFFFF, v12;
	v8 =	vand.u32 $0x7FFFFF, v8  }
0x21: {  	v9 =	vand.u32 $0x7FFFFF, v9;
	v13 =	vand.u32 $0x7FFFFF, v13;
	v14 =	vadd.s32 $0xFFFFFF81, v14  }
0x22: {  	v15 =	vadd.s32 $0xFFFFFF81, v15;
	v16 =	vadd.s32 $0xFFFFFF81, v16;
	v17 =	vadd.s32 $0xFFFFFF81, v17  }
0x23: {  	v19 =	vadd.s32 $0xFFFFFF81, v19;
	v18 =	vadd.s32 $0xFFFFFF81, v18;
	v13 =	vor.u32 $0x3F800000, v13  }
0x24: {  	v20 =	vor.u32 $0x3F800000, v8;
	v10 =	vor.u32 $0x3F800000, v10;
	v13 =	vadd.f32 $-1.000000000e+00, v13  }
0x25: {  	v9 =	vor.u32 $0x3F800000, v9;
	v12 =	vor.u32 $0x3F800000, v12;
	v8 =	vcvt.s32.f32 v14  }
0x26: {  	v9 =	vadd.f32 $-1.000000000e+00, v9;
	v17 =	vcvt.s32.f32 v17;
	v14 =	vmul.f32 $2.606731840e-02, v13  }
0x27: {  	v11 =	vor.u32 $0x3F800000, v11;
	v15 =	vcvt.s32.f32 v15;
	v16 =	vcvt.s32.f32 v16  }
0x28: {  	v11 =	vadd.f32 $-1.000000000e+00, v11;
	v21 =	vmul.f32 $2.606731840e-02, v9;
	v14 =	vsub.f32 $1.219168750e-01, v14  }
0x29: {  	v19 =	vcvt.s32.f32 v19;
	v12 =	vadd.f32 $-1.000000000e+00, v12;
	v18 =	vcvt.s32.f32 v18  }
0x2a: {  	v22 =	vmul.f32 $2.606731840e-02, v11;
	v21 =	vsub.f32 $1.219168750e-01, v21;
	v14 =	vmul.f32 v14, v13  }
0x2b: {  	v20 =	vadd.f32 $-1.000000000e+00, v20;
	v10 =	vadd.f32 $-1.000000000e+00, v10;
	v23 =	vmul.f32 $2.606731840e-02, v12  }
0x2c: {  	v22 =	vsub.f32 $1.219168750e-01, v22;
	v21 =	vmul.f32 v21, v9;
	v14 =	vadd.f32 $-2.773678000e-01, v14  }
0x2d: {  	v24 =	vmul.f32 $2.606731840e-02, v20;
	v25 =	vmul.f32 $2.606731840e-02, v10;
	v23 =	vsub.f32 $1.219168750e-01, v23  }
0x2e: {  	v22 =	vmul.f32 v22, v11;
	v21 =	vadd.f32 $-2.773678000e-01, v21;
	v14 =	vmul.f32 v14, v13  }
0x2f: {  	v24 =	vsub.f32 $1.219168750e-01, v24;
	v25 =	vsub.f32 $1.219168750e-01, v25;
	v23 =	vmul.f32 v23, v12  }
0x30: {  	v22 =	vadd.f32 $-2.773678000e-01, v22;
	v21 =	vmul.f32 v21, v9;
	v14 =	vadd.f32 $4.568954110e-01, v14  }
0x31: {  	v24 =	vmul.f32 v24, v20;
	v25 =	vmul.f32 v25, v10;
	v23 =	vadd.f32 $-2.773678000e-01, v23  }
0x32: {  	v22 =	vmul.f32 v22, v11;
	v21 =	vadd.f32 $4.568954110e-01, v21;
	v14 =	vmul.f32 v14, v13  }
0x33: {  	v24 =	vadd.f32 $-2.773678000e-01, v24;
	v25 =	vadd.f32 $-2.773678000e-01, v25;
	v23 =	vmul.f32 v23, v12  }
0x34: {  	v22 =	vadd.f32 $4.568954110e-01, v22;
	v21 =	vmul.f32 v21, v9;
	v14 =	vadd.f32 $-7.178986070e-01, v14  }
0x35: {  	v24 =	vmul.f32 v24, v20;
	v25 =	vmul.f32 v25, v10;
	v23 =	vadd.f32 $4.568954110e-01, v23  }
0x36: {  	v22 =	vmul.f32 v22, v11;
	v21 =	vadd.f32 $-7.178986070e-01, v21;
	v14 =	vmul.f32 v14, v13  }
0x37: {  	v24 =	vadd.f32 $4.568954110e-01, v24;
	v25 =	vadd.f32 $4.568954110e-01, v25;
	v23 =	vmul.f32 v23, v12  }
0x38: {  	v22 =	vadd.f32 $-7.178986070e-01, v22;
	v21 =	vmul.f32 v21, v9;
	v14 =	vadd.f32 $1.442517040e+00, v14  }
0x39: {  	v24 =	vmul.f32 v24, v20;
	v25 =	vmul.f32 v25, v10;
	v23 =	vadd.f32 $-7.178986070e-01, v23  }
0x3a: {  	v13 =	vmul.f32 v14, v13;
	v14 =	vadd.f32 $1.442517040e+00, v21;
	v21 =	vmul.f32 v22, v11  }
0x3b: {  	v22 =	vmul.f32 v23, v12;
	v23 =	vadd.f32 $-7.178986070e-01, v24;
	v24 =	vadd.f32 $-7.178986070e-01, v25  }
0x3c: {  	v13 =	vadd.f32 v18, v13;
	v9 =	vmul.f32 v14, v9;
	v14 =	vadd.f32 $1.442517040e+00, v21  }
0x3d: {  	v18 =	vadd.f32 $1.442517040e+00, v22;
	v21 =	vmul.f32 v23, v20;
	v22 =	vmul.f32 v24, v10  }
0x3e: {  	v13 =	vmul.f32 $6.931471820e-01, v13;
	v9 =	vadd.f32 v19, v9;
	v11 =	vmul.f32 v14, v11  }
0x3f: {  	v12 =	vmul.f32 v18, v12;
	v14 =	vadd.f32 $1.442517040e+00, v21;
	v18 =	vadd.f32 $1.442517040e+00, v22  }
0x40: {  	v13 =	vmax.f32 v13, $0.0e+00;
	v9 =	vmul.f32 $6.931471820e-01, v9;
	v11 =	vadd.f32 v15, v11  }
0x41: {  	v12 =	vadd.f32 v16, v12;
	v14 =	vmul.f32 v14, v20;
	v15 =	vnsel vm7, $0x0, v13  }
0x42: {  	v3 =	vadd.f32 v15, v3;
	v9 =	vmax.f32 v9, $0.0e+00;
	v11 =	vmul.f32 $6.931471820e-01, v11  }
0x43: {  	v10 =	vmul.f32 v18, v10;
	v14 =	vadd.f32 v17, v14;
	v15 =	vnsel vm6, $0x0, v9  }
0x44: {  	v12 =	vmul.f32 $6.931471820e-01, v12;
	v3 =	vadd.f32 v15, v3;
	v11 =	vmax.f32 v11, $0.0e+00  }
0x45: {  	s13 =	sshra.s32 s12, $0x2;
	v8 =	vadd.f32 v8, v10;
	v15 =	vmpcnt.ones.xlane vm7;
	v16 =	vnsel vm5, $0x0, v11  }
0x46: {  	v12 =	vmax.f32 v12, $0.0e+00;
	v14 =	vmul.f32 $6.931471820e-01, v14;
	v3 =	vadd.f32 v16, v3;
	v10 =	vld [tilespmem:s13+$0x50]  }
0x47: {  	v8 =	vmul.f32 $6.931471820e-01, v8;
	v1 =	vadd.s32 v1, v15;
	v15 =	vnsel vm4, $0x0, v12;
	v16 =	vld [tilespmem:s13+$0x40]  }
0x48: {  	v1 =	vadd.s32 v7, v1;
	v7 =	vmax.f32 v14, $0.0e+00;
	v3 =	vadd.f32 v15, v3;
	v17 =	vld [tilespmem:s13+$0x30]  }
0x49: {  	v1 =	vadd.s32 v6, v1;
	v6 =	vnsel vm3, $0x0, v7;
	v15 =	vmpcnt.ones.xlane vm3;
	v14 =	vld [tilespmem:s13+$0x20]  }
0x4a: {  	v1 =	vadd.s32 v5, v1;
	v3 =	vadd.f32 v6, v3;
	v6 =	vmax.f32 v8, $0.0e+00;
	v18 =	vld [tilespmem:s13+$0x10]  }
0x4b: {  	v8 =	vsel vm7, $0x0, v13;
	v1 =	vadd.s32 v15, v1;
	v13 =	vnsel vm2, $0x0, v6;
	v5 =	vld [tilespmem:s13+$0x0]  }
0x4c: {  	v1 =	vadd.s32 v4, v1;
	v3 =	vadd.f32 v13, v3;
	[tilespmem:s11+$0x2280] =	vst v8;
	v8 =	vsel vm6, $0x0, v9  }
.Ltmp0:
0x4d: {  	v7 =	vsel vm3, $0x0, v7;
	v4 =	vsel vm5, $0x0, v11;
	[tilespmem:s11+$0x2290] =	vst v8;
	v8 =	vsel vm4, $0x0, v12;
	(pc) =	sbr.rel @p0 .LBB2_2-.Ltmp0, $4  }
0x4e: {  	vm3 =	vlt.f32 v16, $0.0e+00;
	[tilespmem:s11+$0x22A0] =	vst v4;
	v4 =	vsel vm2, $0x0, v6;
	vm2 =	vlt.f32 v10, $0.0e+00  }
0x4f: {  	vm4 =	vlt.f32 v17, $0.0e+00;
	vm5 =	vlt.f32 v14, $0.0e+00;
	vm6 =	vlt.f32 v18, $0.0e+00;
	[tilespmem:s11+$0x22B0] =	vst v8  }
0x50: {  	v10 =	vand.u32 $0x7FFFFFFF, v10;
	v8 =	vand.u32 $0x7FFFFFFF, v16;
	vm7 =	vlt.f32 v5, $0.0e+00;
	[tilespmem:s11+$0x22C0] =	vst v7  }
0x51: {  	s12 =	sadd.s32 $0x180, s12;
	v12 =	vand.u32 $0x7FFFFFFF, v17;
	v11 =	vand.u32 $0x7FFFFFFF, v14;
	v9 =	vand.u32 $0x7FFFFFFF, v18;
	[tilespmem:s11+$0x22D0] =	vst v4;
	s11 =	smov.u32 s13  }
0x52: {  	v4 =	vand.u32 $0x7FFFFFFF, v5;
	v5 =	vshrl.u32 v10, $0x17;
	v6 =	vshrl.u32 v11, $0x17  }
0x53: {  	v7 =	vshrl.u32 v12, $0x17;
	v13 =	vshrl.u32 v8, $0x17;
	v15 =	vshrl.u32 v9, $0x17  }
0x54: {  	v10 =	vand.u32 $0x7FFFFF, v10;
	v11 =	vand.u32 $0x7FFFFF, v11;
	v51 =	vand.u32 $0x7FFFFF, v12  }
0x55: {  	v8 =	vand.u32 $0x7FFFFF, v8;
	v9 =	vand.u32 $0x7FFFFF, v9;
	v14 =	vshrl.u32 v4, $0x17  }
0x56: {  	v4 =	vand.u32 $0x7FFFFF, v4;
	v5 =	vadd.s32 $0xFFFFFF81, v5;
	v6 =	vadd.s32 $0xFFFFFF81, v6  }
0x57: {  	v7 =	vadd.s32 $0xFFFFFF81, v7;
	v13 =	vadd.s32 $0xFFFFFF81, v13;
	v15 =	vadd.s32 $0xFFFFFF81, v15  }
0x58: {  	v8 =	vor.u32 $0x3F800000, v8;
	v10 =	vor.u32 $0x3F800000, v10;
	v9 =	vor.u32 $0x3F800000, v9  }
0x59: {  	v12 =	vor.u32 $0x3F800000, v51;
	v11 =	vor.u32 $0x3F800000, v11;
	v4 =	vor.u32 $0x3F800000, v4  }
0x5a: {  	v14 =	vadd.s32 $0xFFFFFF81, v14;
	v5 =	vcvt.s32.f32 v5;
	v9 =	vadd.f32 $-1.000000000e+00, v9  }
0x5b: {  	v13 =	vcvt.s32.f32 v13;
	v6 =	vcvt.s32.f32 v6;
	v12 =	vadd.f32 $-1.000000000e+00, v12  }
0x5c: {  	v7 =	vcvt.s32.f32 v7;
	v11 =	vadd.f32 $-1.000000000e+00, v11;
	v4 =	vadd.f32 $-1.000000000e+00, v4  }
0x5d: {  	v15 =	vcvt.s32.f32 v15;
	v8 =	vadd.f32 $-1.000000000e+00, v8;
	v19 =	vmul.f32 $2.606731840e-02, v12  }
0x5e: {  	v10 =	vadd.f32 $-1.000000000e+00, v10;
	v14 =	vcvt.s32.f32 v14;
	v16 =	vmul.f32 $2.606731840e-02, v4  }
0x5f: {  	v17 =	vmul.f32 $2.606731840e-02, v9;
	v18 =	vmul.f32 $2.606731840e-02, v11;
	v19 =	vsub.f32 $1.219168750e-01, v19  }
0x60: {  	v20 =	vmul.f32 $2.606731840e-02, v8;
	v21 =	vmul.f32 $2.606731840e-02, v10;
	v16 =	vsub.f32 $1.219168750e-01, v16  }
0x61: {  	v17 =	vsub.f32 $1.219168750e-01, v17;
	v18 =	vsub.f32 $1.219168750e-01, v18;
	v19 =	vmul.f32 v19, v12  }
0x62: {  	v20 =	vsub.f32 $1.219168750e-01, v20;
	v21 =	vsub.f32 $1.219168750e-01, v21;
	v16 =	vmul.f32 v16, v4  }
0x63: {  	v17 =	vmul.f32 v17, v9;
	v18 =	vmul.f32 v18, v11;
	v19 =	vadd.f32 $-2.773678000e-01, v19  }
0x64: {  	v20 =	vmul.f32 v20, v8;
	v21 =	vmul.f32 v21, v10;
	v16 =	vadd.f32 $-2.773678000e-01, v16  }
0x65: {  	v17 =	vadd.f32 $-2.773678000e-01, v17;
	v18 =	vadd.f32 $-2.773678000e-01, v18;
	v19 =	vmul.f32 v19, v12  }
0x66: {  	v20 =	vadd.f32 $-2.773678000e-01, v20;
	v21 =	vadd.f32 $-2.773678000e-01, v21;
	v16 =	vmul.f32 v16, v4  }
0x67: {  	v17 =	vmul.f32 v17, v9;
	v18 =	vmul.f32 v18, v11;
	v19 =	vadd.f32 $4.568954110e-01, v19  }
0x68: {  	v20 =	vmul.f32 v20, v8;
	v21 =	vmul.f32 v21, v10;
	v16 =	vadd.f32 $4.568954110e-01, v16  }
0x69: {  	v17 =	vadd.f32 $4.568954110e-01, v17;
	v18 =	vadd.f32 $4.568954110e-01, v18;
	v19 =	vmul.f32 v19, v12  }
0x6a: {  	v20 =	vadd.f32 $4.568954110e-01, v20;
	v21 =	vadd.f32 $4.568954110e-01, v21;
	v16 =	vmul.f32 v16, v4  }
0x6b: {  	v17 =	vmul.f32 v17, v9;
	v18 =	vmul.f32 v18, v11;
	v19 =	vadd.f32 $-7.178986070e-01, v19  }
0x6c: {  	v20 =	vmul.f32 v20, v8;
	v21 =	vmul.f32 v21, v10;
	v16 =	vadd.f32 $-7.178986070e-01, v16  }
0x6d: {  	v17 =	vadd.f32 $-7.178986070e-01, v17;
	v18 =	vadd.f32 $-7.178986070e-01, v18;
	v19 =	vmul.f32 v19, v12  }
0x6e: {  	v54 =	vadd.f32 $-7.178986070e-01, v20;
	v55 =	vadd.f32 $-7.178986070e-01, v21;
	v16 =	vmul.f32 v16, v4  }
0x6f: {  	v17 =	vmul.f32 v17, v9;
	v53 =	vmul.f32 v18, v11;
	v58 =	vadd.f32 $1.442517040e+00, v19  }
0x70: {  	v57 =	vmul.f32 v54, v8;
	v59 =	vmul.f32 v55, v10;
	v16 =	vadd.f32 $1.442517040e+00, v16  }
0x71: {  	v52 =	vadd.f32 $1.442517040e+00, v17;
	v56 =	vadd.f32 $1.442517040e+00, v53;
	v12 =	vmul.f32 v58, v12  }
0x72: {  	v60 =	vadd.f32 $1.442517040e+00, v57;
	v61 =	vadd.f32 $1.442517040e+00, v59;
	v4 =	vmul.f32 v16, v4  }
0x73: {  	v9 =	vmul.f32 v52, v9;
	v11 =	vmul.f32 v56, v11;
	v7 =	vadd.f32 v7, v12  }
0x74: {  	v8 =	vmul.f32 v60, v8;
	v10 =	vmul.f32 v61, v10;
	v4 =	vadd.f32 v14, v4  }
0x75: {  	v9 =	vadd.f32 v15, v9;
	v6 =	vadd.f32 v6, v11;
	v7 =	vmul.f32 $6.931471820e-01, v7  }
0x76: {  	v8 =	vadd.f32 v13, v8;
	v5 =	vadd.f32 v5, v10;
	v4 =	vmul.f32 $6.931471820e-01, v4  }
0x77: {  	v9 =	vmul.f32 $6.931471820e-01, v9;
	v6 =	vmul.f32 $6.931471820e-01, v6;
	v7 =	vmax.f32 v7, $0.0e+00  }
0x78: {  	v8 =	vmul.f32 $6.931471820e-01, v8;
	v4 =	vmax.f32 v4, $0.0e+00;
	v10 =	vsel vm4, $0x0, v7  }
0x79: {  	v9 =	vmax.f32 v9, $0.0e+00;
	v11 =	vnsel vm7, $0x0, v4;
	v4 =	vsel vm7, $0x0, v4;
	[tilespmem:s11+$0x22B0] =	vst v10  }
0x7a: {  	v5 =	vmul.f32 $6.931471820e-01, v5;
	v6 =	vmax.f32 v6, $0.0e+00;
	[tilespmem:s11+$0x2280] =	vst v4;
	v4 =	vsel vm6, $0x0, v9  }
0x7b: {  	v8 =	vmax.f32 v8, $0.0e+00;
	v3 =	vadd.f32 v11, v3;
	[tilespmem:s11+$0x2290] =	vst v4;
	v4 =	vsel vm5, $0x0, v6  }
0x7c: {  	v5 =	vmax.f32 v5, $0.0e+00;
	[tilespmem:s11+$0x22A0] =	vst v4;
	v4 =	vnsel vm6, $0x0, v9;
	v9 =	vsel vm3, $0x0, v8  }
0x7d: {  	v3 =	vadd.f32 v4, v3;
	v4 =	vsel vm2, $0x0, v5;
	[tilespmem:s11+$0x22C0] =	vst v9  }
0x7e: {  	s12 =	simm.s32 $0x0;
	v6 =	vnsel vm5, $0x0, v6;
	v9 =	vmpcnt.ones.xlane vm7;
	[tilespmem:s11+$0x22D0] =	vst v4  }
0x7f: {  	v4 =	vmpcnt.ones.xlane vm6;
	v3 =	vadd.f32 v6, v3;
	v6 =	vld [tilespmem:s12+$0x2280]  }
0x80: {  	v7 =	vnsel vm4, $0x0, v7;
	v10 =	vmpcnt.ones.xlane vm5;
	v1 =	vadd.s32 v1, v9;
	v9 =	vld [tilespmem:s12+$0x2290]  }
0x81: {  	v11 =	vmpcnt.ones.xlane vm4;
	v62 =	vld [tilespmem:s12+$0x22A0];
	v1 =	vadd.s32 v4, v1;
	v3 =	vadd.f32 v7, v3  }
0x82: {  	v4 =	vnsel vm3, $0x0, v8;
	v8 =	vld [tilespmem:s12+$0x22B0];
	v1 =	vadd.s32 v10, v1;
	v7 =	vmpcnt.ones.xlane vm3  }
0x83: {  	v10 =	vmpcnt.ones.xlane vm2;
	v1 =	vadd.s32 v11, v1;
	v11 =	vld [tilespmem:s12+$0x22C0];
	v3 =	vadd.f32 v4, v3  }
0x84: {  	s11 =	simm.s32 $0x60;
	v63 =	vld [tilespmem:s12+$0x22D0];
	v4 =	vadd.s32 v7, v1;
	v1 =	vnsel vm2, $0x0, v5;
	vm2 =	vgt.s32 v6, $0x3FFFFFFF  }
0x85: {  	v7 =	vld [tilespmem:s11+$0x2280];
	v1 =	vadd.f32 v1, v3;
	v6 =	vmpcnt.ones.xlane vm2;
	vm2 =	vgt.s32 v9, $0x3FFFFFFF  }
0x86: {  	v3 =	vadd.s32 v10, v4;
	v4 =	vld [tilespmem:s11+$0x2290];
	v9 =	vmpcnt.ones.xlane vm2;
	vm2 =	vgt.s32 v62, $0x3FFFFFFF  }
0x87: {  	v5 =	vld [tilespmem:s11+$0x22A0];
	v6 =	vadd.s32 v2, v6;
	v10 =	vmpcnt.ones.xlane vm2;
	vm2 =	vgt.s32 v8, $0x3FFFFFFF  }
0x88: {  	v2 =	vld [tilespmem:s11+$0x22B0];
	v9 =	vadd.s32 v9, v6;
	v8 =	vmpcnt.ones.xlane vm2;
	vm2 =	vgt.s32 v11, $0x3FFFFFFF  }
0x89: {  	s12 =	simm.s32 $0x300;
	v6 =	vld [tilespmem:s11+$0x22C0];
	v10 =	vadd.s32 v10, v9;
	v9 =	vmpcnt.ones.xlane vm2;
	vm2 =	vgt.s32 v63, $0x3FFFFFFF  }
.LBB2_4:
0x8a: {  	p0 =	sne.s32 s12, $0x8700;
	vm3 =	vgt.s32 v7, $0x3FFFFFFF;
	v11 =	vld [tilespmem:s11+$0x22D0];
	s11 =	sshra.s32 s12, $0x2;
	s12 =	sadd.s32 $0x180, s12;
	v8 =	vadd.s32 v8, v10;
	v10 =	vmpcnt.ones.xlane vm2  }
.Ltmp1:
0x8b: {  	v7 =	vld [tilespmem:s11+$0x2280];
	v12 =	vmpcnt.ones.xlane vm3;
	vm2 =	vgt.s32 v4, $0x3FFFFFFF;
	v8 =	vadd.s32 v9, v8;
	(pc) =	sbr.rel @p0 .LBB2_4-.Ltmp1, $4  }
0x8c: {  	v4 =	vld [tilespmem:s11+$0x2290];
	v9 =	vmpcnt.ones.xlane vm2;
	vm2 =	vgt.s32 v5, $0x3FFFFFFF;
	v8 =	vadd.s32 v10, v8  }
0x8d: {  	v5 =	vld [tilespmem:s11+$0x22A0];
	v8 =	vadd.s32 v8, v12;
	v10 =	vmpcnt.ones.xlane vm2;
	vm2 =	vgt.s32 v2, $0x3FFFFFFF  }
0x8e: {  	v2 =	vld [tilespmem:s11+$0x22B0];
	v9 =	vadd.s32 v9, v8;
	v8 =	vmpcnt.ones.xlane vm2;
	vm2 =	vgt.s32 v6, $0x3FFFFFFF  }
0x8f: {  	v6 =	vld [tilespmem:s11+$0x22C0];
	v10 =	vadd.s32 v10, v9;
	v9 =	vmpcnt.ones.xlane vm2;
	vm2 =	vgt.s32 v11, $0x3FFFFFFF  }
0x90: {  	vm3 =	vgt.s32 v7, $0x3FFFFFFF;
	v7 =	vld [tilespmem:s11+$0x22D0];
	v8 =	vadd.s32 v8, v10;
	v10 =	vmpcnt.ones.xlane vm2  }
0x91: {  	v11 =	vmpcnt.ones.xlane vm3;
	vm2 =	vgt.s32 v4, $0x3FFFFFFF;
	v4 =	vadd.s32 v9, v8  }
0x92: {  	v8 =	vmpcnt.ones.xlane vm2;
	vm2 =	vgt.s32 v5, $0x3FFFFFFF;
	v4 =	vadd.s32 v10, v4  }
0x93: {  	v4 =	vadd.s32 v4, v11;
	v5 =	vmpcnt.ones.xlane vm2;
	vm2 =	vgt.s32 v2, $0x3FFFFFFF  }
0x94: {  	v2 =	vadd.s32 v8, v4;
	v4 =	vmpcnt.ones.xlane vm2;
	vm2 =	vgt.s32 v6, $0x3FFFFFFF  }
0x95: {  	v2 =	vadd.s32 v5, v2;
	v5 =	vmpcnt.ones.xlane vm2;
	vm2 =	vgt.s32 v7, $0x3FFFFFFF  }
0x96: {  	s12 =	simm.s32 $0x0;
	v2 =	vadd.s32 v4, v2;
	v4 =	vmpcnt.ones.xlane vm2  }
0x97: {  	v6 =	vld [tilespmem:s12+$0x2280];
	v5 =	vadd.s32 v5, v2;
	v2 =	vmul.u32 $0x3, v3  }
0x98: {  	v3 =	vadd.s32 v4, v5;
	v5 =	vld [tilespmem:s12+$0x2290]  }
0x99: {  	v7 =	vld [tilespmem:s12+$0x22A0];
	vm2 =	vlt.s32 v3, v2  }
0x9a: {  	v8 =	vld [tilespmem:s12+$0x22B0];
	v3 =	vsel vm2, $0x0, v0  }
0x9b: {  	v11 =	vld [tilespmem:s12+$0x22C0];
	v4 =	vor.u32 $0x20000000, v3  }
0x9c: {  	s11 =	simm.s32 $0x60;
	v13 =	vld [tilespmem:s12+$0x22D0];
	vm2 =	vge.s32 v6, v4  }
0x9d: {  	v9 =	vld [tilespmem:s11+$0x2280];
	v10 =	vmpcnt.ones.xlane vm2;
	vm2 =	vge.s32 v5, v4  }
0x9e: {  	v6 =	vld [tilespmem:s11+$0x2290];
	v5 =	vimm.s32 $0x0;
	v12 =	vmpcnt.ones.xlane vm2;
	vm2 =	vge.s32 v7, v4  }
0x9f: {  	v7 =	vld [tilespmem:s11+$0x22A0];
	v10 =	vadd.s32 v5, v10;
	v14 =	vmpcnt.ones.xlane vm2;
	vm2 =	vge.s32 v8, v4  }
0xa0: {  	v5 =	vld [tilespmem:s11+$0x22B0];
	v12 =	vadd.s32 v12, v10;
	v10 =	vmpcnt.ones.xlane vm2;
	vm2 =	vge.s32 v11, v4  }
0xa1: {  	s12 =	simm.s32 $0x300;
	v8 =	vld [tilespmem:s11+$0x22C0];
	v12 =	vadd.s32 v14, v12;
	v11 =	vmpcnt.ones.xlane vm2;
	vm2 =	vge.s32 v13, v4  }
.LBB2_6:
0xa2: {  	p0 =	sne.s32 s12, $0x8700;
	vm3 =	vge.s32 v9, v4;
	v13 =	vld [tilespmem:s11+$0x22D0];
	s11 =	sshra.s32 s12, $0x2;
	s12 =	sadd.s32 $0x180, s12;
	v10 =	vadd.s32 v10, v12;
	v12 =	vmpcnt.ones.xlane vm2  }
.Ltmp2:
0xa3: {  	v9 =	vld [tilespmem:s11+$0x2280];
	v14 =	vmpcnt.ones.xlane vm3;
	vm2 =	vge.s32 v6, v4;
	v10 =	vadd.s32 v11, v10;
	(pc) =	sbr.rel @p0 .LBB2_6-.Ltmp2, $4  }
0xa4: {  	v6 =	vld [tilespmem:s11+$0x2290];
	v11 =	vmpcnt.ones.xlane vm2;
	vm2 =	vge.s32 v7, v4;
	v10 =	vadd.s32 v12, v10  }
0xa5: {  	v7 =	vld [tilespmem:s11+$0x22A0];
	v10 =	vadd.s32 v10, v14;
	v12 =	vmpcnt.ones.xlane vm2;
	vm2 =	vge.s32 v5, v4  }
0xa6: {  	v5 =	vld [tilespmem:s11+$0x22B0];
	v11 =	vadd.s32 v11, v10;
	v10 =	vmpcnt.ones.xlane vm2;
	vm2 =	vge.s32 v8, v4  }
0xa7: {  	v8 =	vld [tilespmem:s11+$0x22C0];
	v12 =	vadd.s32 v12, v11;
	v11 =	vmpcnt.ones.xlane vm2;
	vm2 =	vge.s32 v13, v4  }
0xa8: {  	vm3 =	vge.s32 v9, v4;
	v9 =	vld [tilespmem:s11+$0x22D0];
	v10 =	vadd.s32 v10, v12;
	v12 =	vmpcnt.ones.xlane vm2  }
0xa9: {  	v13 =	vmpcnt.ones.xlane vm3;
	vm2 =	vge.s32 v6, v4;
	v6 =	vadd.s32 v11, v10  }
0xaa: {  	v10 =	vmpcnt.ones.xlane vm2;
	vm2 =	vge.s32 v7, v4;
	v6 =	vadd.s32 v12, v6  }
0xab: {  	v6 =	vadd.s32 v6, v13;
	v7 =	vmpcnt.ones.xlane vm2;
	vm2 =	vge.s32 v5, v4  }
0xac: {  	v5 =	vadd.s32 v10, v6;
	v6 =	vmpcnt.ones.xlane vm2;
	vm2 =	vge.s32 v8, v4  }
0xad: {  	v5 =	vadd.s32 v7, v5;
	v7 =	vmpcnt.ones.xlane vm2;
	vm2 =	vge.s32 v9, v4  }
0xae: {  	s12 =	simm.s32 $0x0;
	v5 =	vadd.s32 v6, v5;
	v6 =	vmpcnt.ones.xlane vm2  }
0xaf: {  	v5 =	vadd.s32 v7, v5;
	v7 =	vld [tilespmem:s12+$0x2280]  }
0xb0: {  	v5 =	vadd.s32 v6, v5;
	v6 =	vld [tilespmem:s12+$0x2290]  }
0xb1: {  	vm2 =	vlt.s32 v5, v2;
	v5 =	vld [tilespmem:s12+$0x22A0]  }
0xb2: {  	v8 =	vld [tilespmem:s12+$0x22B0];
	v3 =	vsel vm2, v3, v4  }
0xb3: {  	v11 =	vld [tilespmem:s12+$0x22C0];
	v4 =	vor.u32 $0x10000000, v3  }
0xb4: {  	s11 =	simm.s32 $0x60;
	v13 =	vld [tilespmem:s12+$0x22D0];
	vm2 =	vge.s32 v7, v4  }
0xb5: {  	v9 =	vld [tilespmem:s11+$0x2280];
	v10 =	vmpcnt.ones.xlane vm2;
	vm2 =	vge.s32 v6, v4  }
0xb6: {  	v12 =	vimm.s32 $0x0;
	v6 =	vld [tilespmem:s11+$0x2290];
	v14 =	vmpcnt.ones.xlane vm2;
	vm2 =	vge.s32 v5, v4  }
0xb7: {  	v7 =	vld [tilespmem:s11+$0x22A0];
	v10 =	vadd.s32 v12, v10;
	v12 =	vmpcnt.ones.xlane vm2;
	vm2 =	vge.s32 v8, v4  }
0xb8: {  	v5 =	vld [tilespmem:s11+$0x22B0];
	v14 =	vadd.s32 v14, v10;
	v10 =	vmpcnt.ones.xlane vm2;
	vm2 =	vge.s32 v11, v4  }
0xb9: {  	s12 =	simm.s32 $0x300;
	v8 =	vld [tilespmem:s11+$0x22C0];
	v12 =	vadd.s32 v12, v14;
	v11 =	vmpcnt.ones.xlane vm2;
	vm2 =	vge.s32 v13, v4  }
.LBB2_8:
0xba: {  	p0 =	sne.s32 s12, $0x8700;
	vm3 =	vge.s32 v9, v4;
	v13 =	vld [tilespmem:s11+$0x22D0];
	s11 =	sshra.s32 s12, $0x2;
	s12 =	sadd.s32 $0x180, s12;
	v10 =	vadd.s32 v10, v12;
	v12 =	vmpcnt.ones.xlane vm2  }
.Ltmp3:
0xbb: {  	v9 =	vld [tilespmem:s11+$0x2280];
	v14 =	vmpcnt.ones.xlane vm3;
	vm2 =	vge.s32 v6, v4;
	v10 =	vadd.s32 v11, v10;
	(pc) =	sbr.rel @p0 .LBB2_8-.Ltmp3, $4  }
0xbc: {  	v6 =	vld [tilespmem:s11+$0x2290];
	v11 =	vmpcnt.ones.xlane vm2;
	vm2 =	vge.s32 v7, v4;
	v10 =	vadd.s32 v12, v10  }
0xbd: {  	v7 =	vld [tilespmem:s11+$0x22A0];
	v10 =	vadd.s32 v10, v14;
	v12 =	vmpcnt.ones.xlane vm2;
	vm2 =	vge.s32 v5, v4  }
0xbe: {  	v5 =	vld [tilespmem:s11+$0x22B0];
	v11 =	vadd.s32 v11, v10;
	v10 =	vmpcnt.ones.xlane vm2;
	vm2 =	vge.s32 v8, v4  }
0xbf: {  	v8 =	vld [tilespmem:s11+$0x22C0];
	v12 =	vadd.s32 v12, v11;
	v11 =	vmpcnt.ones.xlane vm2;
	vm2 =	vge.s32 v13, v4  }
0xc0: {  	vm3 =	vge.s32 v9, v4;
	v9 =	vld [tilespmem:s11+$0x22D0];
	v10 =	vadd.s32 v10, v12;
	v12 =	vmpcnt.ones.xlane vm2  }
0xc1: {  	v13 =	vmpcnt.ones.xlane vm3;
	vm2 =	vge.s32 v6, v4;
	v6 =	vadd.s32 v11, v10  }
0xc2: {  	v10 =	vmpcnt.ones.xlane vm2;
	vm2 =	vge.s32 v7, v4;
	v6 =	vadd.s32 v12, v6  }
0xc3: {  	v6 =	vadd.s32 v6, v13;
	v7 =	vmpcnt.ones.xlane vm2;
	vm2 =	vge.s32 v5, v4  }
0xc4: {  	v5 =	vadd.s32 v10, v6;
	v6 =	vmpcnt.ones.xlane vm2;
	vm2 =	vge.s32 v8, v4  }
0xc5: {  	v5 =	vadd.s32 v7, v5;
	v7 =	vmpcnt.ones.xlane vm2;
	vm2 =	vge.s32 v9, v4  }
0xc6: {  	s12 =	simm.s32 $0x0;
	v5 =	vadd.s32 v6, v5;
	v6 =	vmpcnt.ones.xlane vm2  }
0xc7: {  	v5 =	vadd.s32 v7, v5;
	v7 =	vld [tilespmem:s12+$0x2280]  }
0xc8: {  	v5 =	vadd.s32 v6, v5;
	v6 =	vld [tilespmem:s12+$0x2290]  }
0xc9: {  	vm2 =	vlt.s32 v5, v2;
	v5 =	vld [tilespmem:s12+$0x22A0]  }
0xca: {  	v8 =	vld [tilespmem:s12+$0x22B0];
	v3 =	vsel vm2, v3, v4  }
0xcb: {  	v11 =	vld [tilespmem:s12+$0x22C0];
	v4 =	vor.u32 $0x8000000, v3  }
0xcc: {  	s11 =	simm.s32 $0x60;
	v13 =	vld [tilespmem:s12+$0x22D0];
	vm2 =	vge.s32 v7, v4  }
0xcd: {  	v9 =	vld [tilespmem:s11+$0x2280];
	v10 =	vmpcnt.ones.xlane vm2;
	vm2 =	vge.s32 v6, v4  }
0xce: {  	v12 =	vimm.s32 $0x0;
	v6 =	vld [tilespmem:s11+$0x2290];
	v14 =	vmpcnt.ones.xlane vm2;
	vm2 =	vge.s32 v5, v4  }
0xcf: {  	v7 =	vld [tilespmem:s11+$0x22A0];
	v10 =	vadd.s32 v12, v10;
	v12 =	vmpcnt.ones.xlane vm2;
	vm2 =	vge.s32 v8, v4  }
0xd0: {  	v5 =	vld [tilespmem:s11+$0x22B0];
	v14 =	vadd.s32 v14, v10;
	v10 =	vmpcnt.ones.xlane vm2;
	vm2 =	vge.s32 v11, v4  }
0xd1: {  	s12 =	simm.s32 $0x300;
	v8 =	vld [tilespmem:s11+$0x22C0];
	v12 =	vadd.s32 v12, v14;
	v11 =	vmpcnt.ones.xlane vm2;
	vm2 =	vge.s32 v13, v4  }
.LBB2_10:
0xd2: {  	p0 =	sne.s32 s12, $0x8700;
	vm3 =	vge.s32 v9, v4;
	v13 =	vld [tilespmem:s11+$0x22D0];
	s11 =	sshra.s32 s12, $0x2;
	s12 =	sadd.s32 $0x180, s12;
	v10 =	vadd.s32 v10, v12;
	v12 =	vmpcnt.ones.xlane vm2  }
.Ltmp4:
0xd3: {  	v9 =	vld [tilespmem:s11+$0x2280];
	v14 =	vmpcnt.ones.xlane vm3;
	vm2 =	vge.s32 v6, v4;
	v10 =	vadd.s32 v11, v10;
	(pc) =	sbr.rel @p0 .LBB2_10-.Ltmp4, $4  }
0xd4: {  	v6 =	vld [tilespmem:s11+$0x2290];
	v11 =	vmpcnt.ones.xlane vm2;
	vm2 =	vge.s32 v7, v4;
	v10 =	vadd.s32 v12, v10  }
0xd5: {  	v7 =	vld [tilespmem:s11+$0x22A0];
	v10 =	vadd.s32 v10, v14;
	v12 =	vmpcnt.ones.xlane vm2;
	vm2 =	vge.s32 v5, v4  }
0xd6: {  	v5 =	vld [tilespmem:s11+$0x22B0];
	v11 =	vadd.s32 v11, v10;
	v10 =	vmpcnt.ones.xlane vm2;
	vm2 =	vge.s32 v8, v4  }
0xd7: {  	v8 =	vld [tilespmem:s11+$0x22C0];
	v12 =	vadd.s32 v12, v11;
	v11 =	vmpcnt.ones.xlane vm2;
	vm2 =	vge.s32 v13, v4  }
0xd8: {  	vm3 =	vge.s32 v9, v4;
	v9 =	vld [tilespmem:s11+$0x22D0];
	v10 =	vadd.s32 v10, v12;
	v12 =	vmpcnt.ones.xlane vm2  }
0xd9: {  	v13 =	vmpcnt.ones.xlane vm3;
	vm2 =	vge.s32 v6, v4;
	v6 =	vadd.s32 v11, v10  }
0xda: {  	v10 =	vmpcnt.ones.xlane vm2;
	vm2 =	vge.s32 v7, v4;
	v6 =	vadd.s32 v12, v6  }
0xdb: {  	v6 =	vadd.s32 v6, v13;
	v7 =	vmpcnt.ones.xlane vm2;
	vm2 =	vge.s32 v5, v4  }
0xdc: {  	v5 =	vadd.s32 v10, v6;
	v6 =	vmpcnt.ones.xlane vm2;
	vm2 =	vge.s32 v8, v4  }
0xdd: {  	v5 =	vadd.s32 v7, v5;
	v7 =	vmpcnt.ones.xlane vm2;
	vm2 =	vge.s32 v9, v4  }
0xde: {  	s12 =	simm.s32 $0x0;
	v5 =	vadd.s32 v6, v5;
	v6 =	vmpcnt.ones.xlane vm2  }
0xdf: {  	v5 =	vadd.s32 v7, v5;
	v7 =	vld [tilespmem:s12+$0x2280]  }
0xe0: {  	v5 =	vadd.s32 v6, v5;
	v6 =	vld [tilespmem:s12+$0x2290]  }
0xe1: {  	vm2 =	vlt.s32 v5, v2;
	v5 =	vld [tilespmem:s12+$0x22A0]  }
0xe2: {  	v8 =	vld [tilespmem:s12+$0x22B0];
	v3 =	vsel vm2, v3, v4  }
0xe3: {  	v11 =	vld [tilespmem:s12+$0x22C0];
	v4 =	vor.u32 $0x4000000, v3  }
0xe4: {  	s11 =	simm.s32 $0x60;
	v13 =	vld [tilespmem:s12+$0x22D0];
	vm2 =	vge.s32 v7, v4  }
0xe5: {  	v9 =	vld [tilespmem:s11+$0x2280];
	v10 =	vmpcnt.ones.xlane vm2;
	vm2 =	vge.s32 v6, v4  }
0xe6: {  	v12 =	vimm.s32 $0x0;
	v6 =	vld [tilespmem:s11+$0x2290];
	v14 =	vmpcnt.ones.xlane vm2;
	vm2 =	vge.s32 v5, v4  }
0xe7: {  	v7 =	vld [tilespmem:s11+$0x22A0];
	v10 =	vadd.s32 v12, v10;
	v12 =	vmpcnt.ones.xlane vm2;
	vm2 =	vge.s32 v8, v4  }
0xe8: {  	v5 =	vld [tilespmem:s11+$0x22B0];
	v14 =	vadd.s32 v14, v10;
	v10 =	vmpcnt.ones.xlane vm2;
	vm2 =	vge.s32 v11, v4  }
0xe9: {  	s12 =	simm.s32 $0x300;
	v8 =	vld [tilespmem:s11+$0x22C0];
	v12 =	vadd.s32 v12, v14;
	v11 =	vmpcnt.ones.xlane vm2;
	vm2 =	vge.s32 v13, v4  }
.LBB2_12:
0xea: {  	p0 =	sne.s32 s12, $0x8700;
	vm3 =	vge.s32 v9, v4;
	v13 =	vld [tilespmem:s11+$0x22D0];
	s11 =	sshra.s32 s12, $0x2;
	s12 =	sadd.s32 $0x180, s12;
	v10 =	vadd.s32 v10, v12;
	v12 =	vmpcnt.ones.xlane vm2  }
.Ltmp5:
0xeb: {  	v9 =	vld [tilespmem:s11+$0x2280];
	v14 =	vmpcnt.ones.xlane vm3;
	vm2 =	vge.s32 v6, v4;
	v10 =	vadd.s32 v11, v10;
	(pc) =	sbr.rel @p0 .LBB2_12-.Ltmp5, $4  }
0xec: {  	v6 =	vld [tilespmem:s11+$0x2290];
	v11 =	vmpcnt.ones.xlane vm2;
	vm2 =	vge.s32 v7, v4;
	v10 =	vadd.s32 v12, v10  }
0xed: {  	v7 =	vld [tilespmem:s11+$0x22A0];
	v10 =	vadd.s32 v10, v14;
	v12 =	vmpcnt.ones.xlane vm2;
	vm2 =	vge.s32 v5, v4  }
0xee: {  	v5 =	vld [tilespmem:s11+$0x22B0];
	v11 =	vadd.s32 v11, v10;
	v10 =	vmpcnt.ones.xlane vm2;
	vm2 =	vge.s32 v8, v4  }
0xef: {  	v8 =	vld [tilespmem:s11+$0x22C0];
	v12 =	vadd.s32 v12, v11;
	v11 =	vmpcnt.ones.xlane vm2;
	vm2 =	vge.s32 v13, v4  }
0xf0: {  	vm3 =	vge.s32 v9, v4;
	v9 =	vld [tilespmem:s11+$0x22D0];
	v10 =	vadd.s32 v10, v12;
	v12 =	vmpcnt.ones.xlane vm2  }
0xf1: {  	v13 =	vmpcnt.ones.xlane vm3;
	vm2 =	vge.s32 v6, v4;
	v6 =	vadd.s32 v11, v10  }
0xf2: {  	v10 =	vmpcnt.ones.xlane vm2;
	vm2 =	vge.s32 v7, v4;
	v6 =	vadd.s32 v12, v6  }
0xf3: {  	v6 =	vadd.s32 v6, v13;
	v7 =	vmpcnt.ones.xlane vm2;
	vm2 =	vge.s32 v5, v4  }
0xf4: {  	v5 =	vadd.s32 v10, v6;
	v6 =	vmpcnt.ones.xlane vm2;
	vm2 =	vge.s32 v8, v4  }
0xf5: {  	v5 =	vadd.s32 v7, v5;
	v7 =	vmpcnt.ones.xlane vm2;
	vm2 =	vge.s32 v9, v4  }
0xf6: {  	s12 =	simm.s32 $0x0;
	v5 =	vadd.s32 v6, v5;
	v6 =	vmpcnt.ones.xlane vm2  }
0xf7: {  	v5 =	vadd.s32 v7, v5;
	v7 =	vld [tilespmem:s12+$0x2280]  }
0xf8: {  	v5 =	vadd.s32 v6, v5;
	v6 =	vld [tilespmem:s12+$0x2290]  }
0xf9: {  	vm2 =	vlt.s32 v5, v2;
	v5 =	vld [tilespmem:s12+$0x22A0]  }
0xfa: {  	v8 =	vld [tilespmem:s12+$0x22B0];
	v3 =	vsel vm2, v3, v4  }
0xfb: {  	v11 =	vld [tilespmem:s12+$0x22C0];
	v4 =	vor.u32 $0x2000000, v3  }
0xfc: {  	s11 =	simm.s32 $0x60;
	v13 =	vld [tilespmem:s12+$0x22D0];
	vm2 =	vge.s32 v7, v4  }
0xfd: {  	v9 =	vld [tilespmem:s11+$0x2280];
	v10 =	vmpcnt.ones.xlane vm2;
	vm2 =	vge.s32 v6, v4  }
0xfe: {  	v12 =	vimm.s32 $0x0;
	v6 =	vld [tilespmem:s11+$0x2290];
	v14 =	vmpcnt.ones.xlane vm2;
	vm2 =	vge.s32 v5, v4  }
0xff: {  	v7 =	vld [tilespmem:s11+$0x22A0];
	v10 =	vadd.s32 v12, v10;
	v12 =	vmpcnt.ones.xlane vm2;
	vm2 =	vge.s32 v8, v4  }
0x100: {  	v5 =	vld [tilespmem:s11+$0x22B0];
	v14 =	vadd.s32 v14, v10;
	v10 =	vmpcnt.ones.xlane vm2;
	vm2 =	vge.s32 v11, v4  }
0x101: {  	s12 =	simm.s32 $0x300;
	v8 =	vld [tilespmem:s11+$0x22C0];
	v12 =	vadd.s32 v12, v14;
	v11 =	vmpcnt.ones.xlane vm2;
	vm2 =	vge.s32 v13, v4  }
.LBB2_14:
0x102: {  	p0 =	sne.s32 s12, $0x8700;
	vm3 =	vge.s32 v9, v4;
	v13 =	vld [tilespmem:s11+$0x22D0];
	s11 =	sshra.s32 s12, $0x2;
	s12 =	sadd.s32 $0x180, s12;
	v10 =	vadd.s32 v10, v12;
	v12 =	vmpcnt.ones.xlane vm2  }
.Ltmp6:
0x103: {  	v9 =	vld [tilespmem:s11+$0x2280];
	v14 =	vmpcnt.ones.xlane vm3;
	vm2 =	vge.s32 v6, v4;
	v10 =	vadd.s32 v11, v10;
	(pc) =	sbr.rel @p0 .LBB2_14-.Ltmp6, $4  }
0x104: {  	v6 =	vld [tilespmem:s11+$0x2290];
	v11 =	vmpcnt.ones.xlane vm2;
	vm2 =	vge.s32 v7, v4;
	v10 =	vadd.s32 v12, v10  }
0x105: {  	v7 =	vld [tilespmem:s11+$0x22A0];
	v10 =	vadd.s32 v10, v14;
	v12 =	vmpcnt.ones.xlane vm2;
	vm2 =	vge.s32 v5, v4  }
0x106: {  	v5 =	vld [tilespmem:s11+$0x22B0];
	v11 =	vadd.s32 v11, v10;
	v10 =	vmpcnt.ones.xlane vm2;
	vm2 =	vge.s32 v8, v4  }
0x107: {  	v8 =	vld [tilespmem:s11+$0x22C0];
	v12 =	vadd.s32 v12, v11;
	v11 =	vmpcnt.ones.xlane vm2;
	vm2 =	vge.s32 v13, v4  }
0x108: {  	vm3 =	vge.s32 v9, v4;
	v9 =	vld [tilespmem:s11+$0x22D0];
	v10 =	vadd.s32 v10, v12;
	v12 =	vmpcnt.ones.xlane vm2  }
0x109: {  	v13 =	vmpcnt.ones.xlane vm3;
	vm2 =	vge.s32 v6, v4;
	v6 =	vadd.s32 v11, v10  }
0x10a: {  	v10 =	vmpcnt.ones.xlane vm2;
	vm2 =	vge.s32 v7, v4;
	v6 =	vadd.s32 v12, v6  }
0x10b: {  	v6 =	vadd.s32 v6, v13;
	v7 =	vmpcnt.ones.xlane vm2;
	vm2 =	vge.s32 v5, v4  }
0x10c: {  	v5 =	vadd.s32 v10, v6;
	v6 =	vmpcnt.ones.xlane vm2;
	vm2 =	vge.s32 v8, v4  }
0x10d: {  	v5 =	vadd.s32 v7, v5;
	v7 =	vmpcnt.ones.xlane vm2;
	vm2 =	vge.s32 v9, v4  }
0x10e: {  	s12 =	simm.s32 $0x0;
	v5 =	vadd.s32 v6, v5;
	v6 =	vmpcnt.ones.xlane vm2  }
0x10f: {  	v5 =	vadd.s32 v7, v5;
	v7 =	vld [tilespmem:s12+$0x2280]  }
0x110: {  	v5 =	vadd.s32 v6, v5;
	v6 =	vld [tilespmem:s12+$0x2290]  }
0x111: {  	vm2 =	vlt.s32 v5, v2;
	v5 =	vld [tilespmem:s12+$0x22A0]  }
0x112: {  	v8 =	vld [tilespmem:s12+$0x22B0];
	v3 =	vsel vm2, v3, v4  }
0x113: {  	v11 =	vld [tilespmem:s12+$0x22C0];
	v4 =	vor.u32 $0x1000000, v3  }
0x114: {  	s11 =	simm.s32 $0x60;
	v13 =	vld [tilespmem:s12+$0x22D0];
	vm2 =	vge.s32 v7, v4  }
0x115: {  	v9 =	vld [tilespmem:s11+$0x2280];
	v10 =	vmpcnt.ones.xlane vm2;
	vm2 =	vge.s32 v6, v4  }
0x116: {  	v12 =	vimm.s32 $0x0;
	v6 =	vld [tilespmem:s11+$0x2290];
	v14 =	vmpcnt.ones.xlane vm2;
	vm2 =	vge.s32 v5, v4  }
0x117: {  	v7 =	vld [tilespmem:s11+$0x22A0];
	v10 =	vadd.s32 v12, v10;
	v12 =	vmpcnt.ones.xlane vm2;
	vm2 =	vge.s32 v8, v4  }
0x118: {  	v5 =	vld [tilespmem:s11+$0x22B0];
	v14 =	vadd.s32 v14, v10;
	v10 =	vmpcnt.ones.xlane vm2;
	vm2 =	vge.s32 v11, v4  }
0x119: {  	s12 =	simm.s32 $0x300;
	v8 =	vld [tilespmem:s11+$0x22C0];
	v12 =	vadd.s32 v12, v14;
	v11 =	vmpcnt.ones.xlane vm2;
	vm2 =	vge.s32 v13, v4  }
.LBB2_16:
0x11a: {  	p0 =	sne.s32 s12, $0x8700;
	vm3 =	vge.s32 v9, v4;
	v13 =	vld [tilespmem:s11+$0x22D0];
	s11 =	sshra.s32 s12, $0x2;
	s12 =	sadd.s32 $0x180, s12;
	v10 =	vadd.s32 v10, v12;
	v12 =	vmpcnt.ones.xlane vm2  }
.Ltmp7:
0x11b: {  	v9 =	vld [tilespmem:s11+$0x2280];
	v14 =	vmpcnt.ones.xlane vm3;
	vm2 =	vge.s32 v6, v4;
	v10 =	vadd.s32 v11, v10;
	(pc) =	sbr.rel @p0 .LBB2_16-.Ltmp7, $4  }
0x11c: {  	v6 =	vld [tilespmem:s11+$0x2290];
	v11 =	vmpcnt.ones.xlane vm2;
	vm2 =	vge.s32 v7, v4;
	v10 =	vadd.s32 v12, v10  }
0x11d: {  	v7 =	vld [tilespmem:s11+$0x22A0];
	v10 =	vadd.s32 v10, v14;
	v12 =	vmpcnt.ones.xlane vm2;
	vm2 =	vge.s32 v5, v4  }
0x11e: {  	v5 =	vld [tilespmem:s11+$0x22B0];
	v11 =	vadd.s32 v11, v10;
	v10 =	vmpcnt.ones.xlane vm2;
	vm2 =	vge.s32 v8, v4  }
0x11f: {  	v8 =	vld [tilespmem:s11+$0x22C0];
	v12 =	vadd.s32 v12, v11;
	v11 =	vmpcnt.ones.xlane vm2;
	vm2 =	vge.s32 v13, v4  }
0x120: {  	vm3 =	vge.s32 v9, v4;
	v9 =	vld [tilespmem:s11+$0x22D0];
	v10 =	vadd.s32 v10, v12;
	v12 =	vmpcnt.ones.xlane vm2  }
0x121: {  	v13 =	vmpcnt.ones.xlane vm3;
	vm2 =	vge.s32 v6, v4;
	v6 =	vadd.s32 v11, v10  }
0x122: {  	v10 =	vmpcnt.ones.xlane vm2;
	vm2 =	vge.s32 v7, v4;
	v6 =	vadd.s32 v12, v6  }
0x123: {  	v6 =	vadd.s32 v6, v13;
	v7 =	vmpcnt.ones.xlane vm2;
	vm2 =	vge.s32 v5, v4  }
0x124: {  	v5 =	vadd.s32 v10, v6;
	v6 =	vmpcnt.ones.xlane vm2;
	vm2 =	vge.s32 v8, v4  }
0x125: {  	v5 =	vadd.s32 v7, v5;
	v7 =	vmpcnt.ones.xlane vm2;
	vm2 =	vge.s32 v9, v4  }
0x126: {  	s12 =	simm.s32 $0x0;
	v5 =	vadd.s32 v6, v5;
	v6 =	vmpcnt.ones.xlane vm2  }
0x127: {  	v5 =	vadd.s32 v7, v5;
	v7 =	vld [tilespmem:s12+$0x2280]  }
0x128: {  	v5 =	vadd.s32 v6, v5;
	v6 =	vld [tilespmem:s12+$0x2290]  }
0x129: {  	vm2 =	vlt.s32 v5, v2;
	v5 =	vld [tilespmem:s12+$0x22A0]  }
0x12a: {  	v8 =	vld [tilespmem:s12+$0x22B0];
	v3 =	vsel vm2, v3, v4  }
0x12b: {  	v11 =	vld [tilespmem:s12+$0x22C0];
	v4 =	vor.u32 $0x800000, v3  }
0x12c: {  	s11 =	simm.s32 $0x60;
	v13 =	vld [tilespmem:s12+$0x22D0];
	vm2 =	vge.s32 v7, v4  }
0x12d: {  	v9 =	vld [tilespmem:s11+$0x2280];
	v10 =	vmpcnt.ones.xlane vm2;
	vm2 =	vge.s32 v6, v4  }
0x12e: {  	v12 =	vimm.s32 $0x0;
	v6 =	vld [tilespmem:s11+$0x2290];
	v14 =	vmpcnt.ones.xlane vm2;
	vm2 =	vge.s32 v5, v4  }
0x12f: {  	v7 =	vld [tilespmem:s11+$0x22A0];
	v10 =	vadd.s32 v12, v10;
	v12 =	vmpcnt.ones.xlane vm2;
	vm2 =	vge.s32 v8, v4  }
0x130: {  	v5 =	vld [tilespmem:s11+$0x22B0];
	v14 =	vadd.s32 v14, v10;
	v10 =	vmpcnt.ones.xlane vm2;
	vm2 =	vge.s32 v11, v4  }
0x131: {  	s12 =	simm.s32 $0x300;
	v8 =	vld [tilespmem:s11+$0x22C0];
	v12 =	vadd.s32 v12, v14;
	v11 =	vmpcnt.ones.xlane vm2;
	vm2 =	vge.s32 v13, v4  }
.LBB2_18:
0x132: {  	p0 =	sne.s32 s12, $0x8700;
	vm3 =	vge.s32 v9, v4;
	v13 =	vld [tilespmem:s11+$0x22D0];
	s11 =	sshra.s32 s12, $0x2;
	s12 =	sadd.s32 $0x180, s12;
	v10 =	vadd.s32 v10, v12;
	v12 =	vmpcnt.ones.xlane vm2  }
.Ltmp8:
0x133: {  	v9 =	vld [tilespmem:s11+$0x2280];
	v14 =	vmpcnt.ones.xlane vm3;
	vm2 =	vge.s32 v6, v4;
	v10 =	vadd.s32 v11, v10;
	(pc) =	sbr.rel @p0 .LBB2_18-.Ltmp8, $4  }
0x134: {  	v6 =	vld [tilespmem:s11+$0x2290];
	v11 =	vmpcnt.ones.xlane vm2;
	vm2 =	vge.s32 v7, v4;
	v10 =	vadd.s32 v12, v10  }
0x135: {  	v7 =	vld [tilespmem:s11+$0x22A0];
	v10 =	vadd.s32 v10, v14;
	v12 =	vmpcnt.ones.xlane vm2;
	vm2 =	vge.s32 v5, v4  }
0x136: {  	v5 =	vld [tilespmem:s11+$0x22B0];
	v11 =	vadd.s32 v11, v10;
	v10 =	vmpcnt.ones.xlane vm2;
	vm2 =	vge.s32 v8, v4  }
0x137: {  	v8 =	vld [tilespmem:s11+$0x22C0];
	v12 =	vadd.s32 v12, v11;
	v11 =	vmpcnt.ones.xlane vm2;
	vm2 =	vge.s32 v13, v4  }
0x138: {  	vm3 =	vge.s32 v9, v4;
	v9 =	vld [tilespmem:s11+$0x22D0];
	v10 =	vadd.s32 v10, v12;
	v12 =	vmpcnt.ones.xlane vm2  }
0x139: {  	v13 =	vmpcnt.ones.xlane vm3;
	vm2 =	vge.s32 v6, v4;
	v6 =	vadd.s32 v11, v10  }
0x13a: {  	v10 =	vmpcnt.ones.xlane vm2;
	vm2 =	vge.s32 v7, v4;
	v6 =	vadd.s32 v12, v6  }
0x13b: {  	v6 =	vadd.s32 v6, v13;
	v7 =	vmpcnt.ones.xlane vm2;
	vm2 =	vge.s32 v5, v4  }
0x13c: {  	v5 =	vadd.s32 v10, v6;
	v6 =	vmpcnt.ones.xlane vm2;
	vm2 =	vge.s32 v8, v4  }
0x13d: {  	v5 =	vadd.s32 v7, v5;
	v7 =	vmpcnt.ones.xlane vm2;
	vm2 =	vge.s32 v9, v4  }
0x13e: {  	s12 =	simm.s32 $0x0;
	v5 =	vadd.s32 v6, v5;
	v6 =	vmpcnt.ones.xlane vm2  }
0x13f: {  	v5 =	vadd.s32 v7, v5;
	v7 =	vld [tilespmem:s12+$0x2280]  }
0x140: {  	v5 =	vadd.s32 v6, v5;
	v6 =	vld [tilespmem:s12+$0x2290]  }
0x141: {  	vm2 =	vlt.s32 v5, v2;
	v5 =	vld [tilespmem:s12+$0x22A0]  }
0x142: {  	v8 =	vld [tilespmem:s12+$0x22B0];
	v3 =	vsel vm2, v3, v4  }
0x143: {  	v11 =	vld [tilespmem:s12+$0x22C0];
	v4 =	vor.u32 $0x400000, v3  }
0x144: {  	s11 =	simm.s32 $0x60;
	v13 =	vld [tilespmem:s12+$0x22D0];
	vm2 =	vge.s32 v7, v4  }
0x145: {  	v9 =	vld [tilespmem:s11+$0x2280];
	v10 =	vmpcnt.ones.xlane vm2;
	vm2 =	vge.s32 v6, v4  }
0x146: {  	v12 =	vimm.s32 $0x0;
	v6 =	vld [tilespmem:s11+$0x2290];
	v14 =	vmpcnt.ones.xlane vm2;
	vm2 =	vge.s32 v5, v4  }
0x147: {  	v7 =	vld [tilespmem:s11+$0x22A0];
	v10 =	vadd.s32 v12, v10;
	v12 =	vmpcnt.ones.xlane vm2;
	vm2 =	vge.s32 v8, v4  }
0x148: {  	v5 =	vld [tilespmem:s11+$0x22B0];
	v14 =	vadd.s32 v14, v10;
	v10 =	vmpcnt.ones.xlane vm2;
	vm2 =	vge.s32 v11, v4  }
0x149: {  	s12 =	simm.s32 $0x300;
	v8 =	vld [tilespmem:s11+$0x22C0];
	v12 =	vadd.s32 v12, v14;
	v11 =	vmpcnt.ones.xlane vm2;
	vm2 =	vge.s32 v13, v4  }
.LBB2_20:
0x14a: {  	p0 =	sne.s32 s12, $0x8700;
	vm3 =	vge.s32 v9, v4;
	v13 =	vld [tilespmem:s11+$0x22D0];
	s11 =	sshra.s32 s12, $0x2;
	s12 =	sadd.s32 $0x180, s12;
	v10 =	vadd.s32 v10, v12;
	v12 =	vmpcnt.ones.xlane vm2  }
.Ltmp9:
0x14b: {  	v9 =	vld [tilespmem:s11+$0x2280];
	v14 =	vmpcnt.ones.xlane vm3;
	vm2 =	vge.s32 v6, v4;
	v10 =	vadd.s32 v11, v10;
	(pc) =	sbr.rel @p0 .LBB2_20-.Ltmp9, $4  }
0x14c: {  	v6 =	vld [tilespmem:s11+$0x2290];
	v11 =	vmpcnt.ones.xlane vm2;
	vm2 =	vge.s32 v7, v4;
	v10 =	vadd.s32 v12, v10  }
0x14d: {  	v7 =	vld [tilespmem:s11+$0x22A0];
	v10 =	vadd.s32 v10, v14;
	v12 =	vmpcnt.ones.xlane vm2;
	vm2 =	vge.s32 v5, v4  }
0x14e: {  	v5 =	vld [tilespmem:s11+$0x22B0];
	v11 =	vadd.s32 v11, v10;
	v10 =	vmpcnt.ones.xlane vm2;
	vm2 =	vge.s32 v8, v4  }
0x14f: {  	v8 =	vld [tilespmem:s11+$0x22C0];
	v12 =	vadd.s32 v12, v11;
	v11 =	vmpcnt.ones.xlane vm2;
	vm2 =	vge.s32 v13, v4  }
0x150: {  	vm3 =	vge.s32 v9, v4;
	v9 =	vld [tilespmem:s11+$0x22D0];
	v10 =	vadd.s32 v10, v12;
	v12 =	vmpcnt.ones.xlane vm2  }
0x151: {  	v13 =	vmpcnt.ones.xlane vm3;
	vm2 =	vge.s32 v6, v4;
	v6 =	vadd.s32 v11, v10  }
0x152: {  	v10 =	vmpcnt.ones.xlane vm2;
	vm2 =	vge.s32 v7, v4;
	v6 =	vadd.s32 v12, v6  }
0x153: {  	v6 =	vadd.s32 v6, v13;
	v7 =	vmpcnt.ones.xlane vm2;
	vm2 =	vge.s32 v5, v4  }
0x154: {  	v5 =	vadd.s32 v10, v6;
	v6 =	vmpcnt.ones.xlane vm2;
	vm2 =	vge.s32 v8, v4  }
0x155: {  	v5 =	vadd.s32 v7, v5;
	v7 =	vmpcnt.ones.xlane vm2;
	vm2 =	vge.s32 v9, v4  }
0x156: {  	s12 =	simm.s32 $0x0;
	v5 =	vadd.s32 v6, v5;
	v6 =	vmpcnt.ones.xlane vm2  }
0x157: {  	v5 =	vadd.s32 v7, v5;
	v7 =	vld [tilespmem:s12+$0x2280]  }
0x158: {  	v5 =	vadd.s32 v6, v5;
	v6 =	vld [tilespmem:s12+$0x2290]  }
0x159: {  	vm2 =	vlt.s32 v5, v2;
	v5 =	vld [tilespmem:s12+$0x22A0]  }
0x15a: {  	v8 =	vld [tilespmem:s12+$0x22B0];
	v3 =	vsel vm2, v3, v4  }
0x15b: {  	v11 =	vld [tilespmem:s12+$0x22C0];
	v4 =	vor.u32 $0x200000, v3  }
0x15c: {  	s11 =	simm.s32 $0x60;
	v13 =	vld [tilespmem:s12+$0x22D0];
	vm2 =	vge.s32 v7, v4  }
0x15d: {  	v9 =	vld [tilespmem:s11+$0x2280];
	v10 =	vmpcnt.ones.xlane vm2;
	vm2 =	vge.s32 v6, v4  }
0x15e: {  	v12 =	vimm.s32 $0x0;
	v6 =	vld [tilespmem:s11+$0x2290];
	v14 =	vmpcnt.ones.xlane vm2;
	vm2 =	vge.s32 v5, v4  }
0x15f: {  	v7 =	vld [tilespmem:s11+$0x22A0];
	v10 =	vadd.s32 v12, v10;
	v12 =	vmpcnt.ones.xlane vm2;
	vm2 =	vge.s32 v8, v4  }
0x160: {  	v5 =	vld [tilespmem:s11+$0x22B0];
	v14 =	vadd.s32 v14, v10;
	v10 =	vmpcnt.ones.xlane vm2;
	vm2 =	vge.s32 v11, v4  }
0x161: {  	s12 =	simm.s32 $0x300;
	v8 =	vld [tilespmem:s11+$0x22C0];
	v12 =	vadd.s32 v12, v14;
	v11 =	vmpcnt.ones.xlane vm2;
	vm2 =	vge.s32 v13, v4  }
.LBB2_22:
0x162: {  	p0 =	sne.s32 s12, $0x8700;
	vm3 =	vge.s32 v9, v4;
	v13 =	vld [tilespmem:s11+$0x22D0];
	s11 =	sshra.s32 s12, $0x2;
	s12 =	sadd.s32 $0x180, s12;
	v10 =	vadd.s32 v10, v12;
	v12 =	vmpcnt.ones.xlane vm2  }
.Ltmp10:
0x163: {  	v9 =	vld [tilespmem:s11+$0x2280];
	v14 =	vmpcnt.ones.xlane vm3;
	vm2 =	vge.s32 v6, v4;
	v10 =	vadd.s32 v11, v10;
	(pc) =	sbr.rel @p0 .LBB2_22-.Ltmp10, $4  }
0x164: {  	v6 =	vld [tilespmem:s11+$0x2290];
	v11 =	vmpcnt.ones.xlane vm2;
	vm2 =	vge.s32 v7, v4;
	v10 =	vadd.s32 v12, v10  }
0x165: {  	v7 =	vld [tilespmem:s11+$0x22A0];
	v10 =	vadd.s32 v10, v14;
	v12 =	vmpcnt.ones.xlane vm2;
	vm2 =	vge.s32 v5, v4  }
0x166: {  	v5 =	vld [tilespmem:s11+$0x22B0];
	v11 =	vadd.s32 v11, v10;
	v10 =	vmpcnt.ones.xlane vm2;
	vm2 =	vge.s32 v8, v4  }
0x167: {  	v8 =	vld [tilespmem:s11+$0x22C0];
	v12 =	vadd.s32 v12, v11;
	v11 =	vmpcnt.ones.xlane vm2;
	vm2 =	vge.s32 v13, v4  }
0x168: {  	vm3 =	vge.s32 v9, v4;
	v9 =	vld [tilespmem:s11+$0x22D0];
	v10 =	vadd.s32 v10, v12;
	v12 =	vmpcnt.ones.xlane vm2  }
0x169: {  	v13 =	vmpcnt.ones.xlane vm3;
	vm2 =	vge.s32 v6, v4;
	v6 =	vadd.s32 v11, v10  }
0x16a: {  	v10 =	vmpcnt.ones.xlane vm2;
	vm2 =	vge.s32 v7, v4;
	v6 =	vadd.s32 v12, v6  }
0x16b: {  	v6 =	vadd.s32 v6, v13;
	v7 =	vmpcnt.ones.xlane vm2;
	vm2 =	vge.s32 v5, v4  }
0x16c: {  	v5 =	vadd.s32 v10, v6;
	v6 =	vmpcnt.ones.xlane vm2;
	vm2 =	vge.s32 v8, v4  }
0x16d: {  	v5 =	vadd.s32 v7, v5;
	v7 =	vmpcnt.ones.xlane vm2;
	vm2 =	vge.s32 v9, v4  }
0x16e: {  	s12 =	simm.s32 $0x0;
	v5 =	vadd.s32 v6, v5;
	v6 =	vmpcnt.ones.xlane vm2  }
0x16f: {  	v5 =	vadd.s32 v7, v5;
	v7 =	vld [tilespmem:s12+$0x2280]  }
0x170: {  	v5 =	vadd.s32 v6, v5;
	v6 =	vld [tilespmem:s12+$0x2290]  }
0x171: {  	vm2 =	vlt.s32 v5, v2;
	v5 =	vld [tilespmem:s12+$0x22A0]  }
0x172: {  	v8 =	vld [tilespmem:s12+$0x22B0];
	v3 =	vsel vm2, v3, v4  }
0x173: {  	v11 =	vld [tilespmem:s12+$0x22C0];
	v4 =	vor.u32 $0x100000, v3  }
0x174: {  	s11 =	simm.s32 $0x60;
	v13 =	vld [tilespmem:s12+$0x22D0];
	vm2 =	vge.s32 v7, v4  }
0x175: {  	v9 =	vld [tilespmem:s11+$0x2280];
	v10 =	vmpcnt.ones.xlane vm2;
	vm2 =	vge.s32 v6, v4  }
0x176: {  	v12 =	vimm.s32 $0x0;
	v6 =	vld [tilespmem:s11+$0x2290];
	v14 =	vmpcnt.ones.xlane vm2;
	vm2 =	vge.s32 v5, v4  }
0x177: {  	v7 =	vld [tilespmem:s11+$0x22A0];
	v10 =	vadd.s32 v12, v10;
	v12 =	vmpcnt.ones.xlane vm2;
	vm2 =	vge.s32 v8, v4  }
0x178: {  	v5 =	vld [tilespmem:s11+$0x22B0];
	v14 =	vadd.s32 v14, v10;
	v10 =	vmpcnt.ones.xlane vm2;
	vm2 =	vge.s32 v11, v4  }
0x179: {  	s12 =	simm.s32 $0x300;
	v8 =	vld [tilespmem:s11+$0x22C0];
	v12 =	vadd.s32 v12, v14;
	v11 =	vmpcnt.ones.xlane vm2;
	vm2 =	vge.s32 v13, v4  }
.LBB2_24:
0x17a: {  	p0 =	sne.s32 s12, $0x8700;
	vm3 =	vge.s32 v9, v4;
	v13 =	vld [tilespmem:s11+$0x22D0];
	s11 =	sshra.s32 s12, $0x2;
	s12 =	sadd.s32 $0x180, s12;
	v10 =	vadd.s32 v10, v12;
	v12 =	vmpcnt.ones.xlane vm2  }
.Ltmp11:
0x17b: {  	v9 =	vld [tilespmem:s11+$0x2280];
	v14 =	vmpcnt.ones.xlane vm3;
	vm2 =	vge.s32 v6, v4;
	v10 =	vadd.s32 v11, v10;
	(pc) =	sbr.rel @p0 .LBB2_24-.Ltmp11, $4  }
0x17c: {  	v6 =	vld [tilespmem:s11+$0x2290];
	v11 =	vmpcnt.ones.xlane vm2;
	vm2 =	vge.s32 v7, v4;
	v10 =	vadd.s32 v12, v10  }
0x17d: {  	v7 =	vld [tilespmem:s11+$0x22A0];
	v10 =	vadd.s32 v10, v14;
	v12 =	vmpcnt.ones.xlane vm2;
	vm2 =	vge.s32 v5, v4  }
0x17e: {  	v5 =	vld [tilespmem:s11+$0x22B0];
	v11 =	vadd.s32 v11, v10;
	v10 =	vmpcnt.ones.xlane vm2;
	vm2 =	vge.s32 v8, v4  }
0x17f: {  	v8 =	vld [tilespmem:s11+$0x22C0];
	v12 =	vadd.s32 v12, v11;
	v11 =	vmpcnt.ones.xlane vm2;
	vm2 =	vge.s32 v13, v4  }
0x180: {  	vm3 =	vge.s32 v9, v4;
	v9 =	vld [tilespmem:s11+$0x22D0];
	v10 =	vadd.s32 v10, v12;
	v12 =	vmpcnt.ones.xlane vm2  }
0x181: {  	v13 =	vmpcnt.ones.xlane vm3;
	vm2 =	vge.s32 v6, v4;
	v6 =	vadd.s32 v11, v10  }
0x182: {  	v10 =	vmpcnt.ones.xlane vm2;
	vm2 =	vge.s32 v7, v4;
	v6 =	vadd.s32 v12, v6  }
0x183: {  	v6 =	vadd.s32 v6, v13;
	v7 =	vmpcnt.ones.xlane vm2;
	vm2 =	vge.s32 v5, v4  }
0x184: {  	v5 =	vadd.s32 v10, v6;
	v6 =	vmpcnt.ones.xlane vm2;
	vm2 =	vge.s32 v8, v4  }
0x185: {  	v5 =	vadd.s32 v7, v5;
	v7 =	vmpcnt.ones.xlane vm2;
	vm2 =	vge.s32 v9, v4  }
0x186: {  	s12 =	simm.s32 $0x0;
	v5 =	vadd.s32 v6, v5;
	v6 =	vmpcnt.ones.xlane vm2  }
0x187: {  	v5 =	vadd.s32 v7, v5;
	v7 =	vld [tilespmem:s12+$0x2280]  }
0x188: {  	v5 =	vadd.s32 v6, v5;
	v6 =	vld [tilespmem:s12+$0x2290]  }
0x189: {  	vm2 =	vlt.s32 v5, v2;
	v5 =	vld [tilespmem:s12+$0x22A0]  }
0x18a: {  	v8 =	vld [tilespmem:s12+$0x22B0];
	v3 =	vsel vm2, v3, v4  }
0x18b: {  	v11 =	vld [tilespmem:s12+$0x22C0];
	v4 =	vor.u32 $0x80000, v3  }
0x18c: {  	s11 =	simm.s32 $0x60;
	v13 =	vld [tilespmem:s12+$0x22D0];
	vm2 =	vge.s32 v7, v4  }
0x18d: {  	v9 =	vld [tilespmem:s11+$0x2280];
	v10 =	vmpcnt.ones.xlane vm2;
	vm2 =	vge.s32 v6, v4  }
0x18e: {  	v12 =	vimm.s32 $0x0;
	v6 =	vld [tilespmem:s11+$0x2290];
	v14 =	vmpcnt.ones.xlane vm2;
	vm2 =	vge.s32 v5, v4  }
0x18f: {  	v7 =	vld [tilespmem:s11+$0x22A0];
	v10 =	vadd.s32 v12, v10;
	v12 =	vmpcnt.ones.xlane vm2;
	vm2 =	vge.s32 v8, v4  }
0x190: {  	v5 =	vld [tilespmem:s11+$0x22B0];
	v14 =	vadd.s32 v14, v10;
	v10 =	vmpcnt.ones.xlane vm2;
	vm2 =	vge.s32 v11, v4  }
0x191: {  	s12 =	simm.s32 $0x300;
	v8 =	vld [tilespmem:s11+$0x22C0];
	v12 =	vadd.s32 v12, v14;
	v11 =	vmpcnt.ones.xlane vm2;
	vm2 =	vge.s32 v13, v4  }
.LBB2_26:
0x192: {  	p0 =	sne.s32 s12, $0x8700;
	vm3 =	vge.s32 v9, v4;
	v13 =	vld [tilespmem:s11+$0x22D0];
	s11 =	sshra.s32 s12, $0x2;
	s12 =	sadd.s32 $0x180, s12;
	v10 =	vadd.s32 v10, v12;
	v12 =	vmpcnt.ones.xlane vm2  }
.Ltmp12:
0x193: {  	v9 =	vld [tilespmem:s11+$0x2280];
	v14 =	vmpcnt.ones.xlane vm3;
	vm2 =	vge.s32 v6, v4;
	v10 =	vadd.s32 v11, v10;
	(pc) =	sbr.rel @p0 .LBB2_26-.Ltmp12, $4  }
0x194: {  	v6 =	vld [tilespmem:s11+$0x2290];
	v11 =	vmpcnt.ones.xlane vm2;
	vm2 =	vge.s32 v7, v4;
	v10 =	vadd.s32 v12, v10  }
0x195: {  	v7 =	vld [tilespmem:s11+$0x22A0];
	v10 =	vadd.s32 v10, v14;
	v12 =	vmpcnt.ones.xlane vm2;
	vm2 =	vge.s32 v5, v4  }
0x196: {  	v5 =	vld [tilespmem:s11+$0x22B0];
	v11 =	vadd.s32 v11, v10;
	v10 =	vmpcnt.ones.xlane vm2;
	vm2 =	vge.s32 v8, v4  }
0x197: {  	v8 =	vld [tilespmem:s11+$0x22C0];
	v12 =	vadd.s32 v12, v11;
	v11 =	vmpcnt.ones.xlane vm2;
	vm2 =	vge.s32 v13, v4  }
0x198: {  	vm3 =	vge.s32 v9, v4;
	v9 =	vld [tilespmem:s11+$0x22D0];
	v10 =	vadd.s32 v10, v12;
	v12 =	vmpcnt.ones.xlane vm2  }
0x199: {  	v13 =	vmpcnt.ones.xlane vm3;
	vm2 =	vge.s32 v6, v4;
	v6 =	vadd.s32 v11, v10  }
0x19a: {  	v10 =	vmpcnt.ones.xlane vm2;
	vm2 =	vge.s32 v7, v4;
	v6 =	vadd.s32 v12, v6  }
0x19b: {  	v6 =	vadd.s32 v6, v13;
	v7 =	vmpcnt.ones.xlane vm2;
	vm2 =	vge.s32 v5, v4  }
0x19c: {  	v5 =	vadd.s32 v10, v6;
	v6 =	vmpcnt.ones.xlane vm2;
	vm2 =	vge.s32 v8, v4  }
0x19d: {  	v5 =	vadd.s32 v7, v5;
	v7 =	vmpcnt.ones.xlane vm2;
	vm2 =	vge.s32 v9, v4  }
0x19e: {  	s12 =	simm.s32 $0x0;
	v5 =	vadd.s32 v6, v5;
	v6 =	vmpcnt.ones.xlane vm2  }
0x19f: {  	v5 =	vadd.s32 v7, v5;
	v7 =	vld [tilespmem:s12+$0x2280]  }
0x1a0: {  	v5 =	vadd.s32 v6, v5;
	v6 =	vld [tilespmem:s12+$0x2290]  }
0x1a1: {  	vm2 =	vlt.s32 v5, v2;
	v5 =	vld [tilespmem:s12+$0x22A0]  }
0x1a2: {  	v8 =	vld [tilespmem:s12+$0x22B0];
	v3 =	vsel vm2, v3, v4  }
0x1a3: {  	v11 =	vld [tilespmem:s12+$0x22C0];
	v4 =	vor.u32 $0x40000, v3  }
0x1a4: {  	s11 =	simm.s32 $0x60;
	v13 =	vld [tilespmem:s12+$0x22D0];
	vm2 =	vge.s32 v7, v4  }
0x1a5: {  	v9 =	vld [tilespmem:s11+$0x2280];
	v10 =	vmpcnt.ones.xlane vm2;
	vm2 =	vge.s32 v6, v4  }
0x1a6: {  	v12 =	vimm.s32 $0x0;
	v6 =	vld [tilespmem:s11+$0x2290];
	v14 =	vmpcnt.ones.xlane vm2;
	vm2 =	vge.s32 v5, v4  }
0x1a7: {  	v7 =	vld [tilespmem:s11+$0x22A0];
	v10 =	vadd.s32 v12, v10;
	v12 =	vmpcnt.ones.xlane vm2;
	vm2 =	vge.s32 v8, v4  }
0x1a8: {  	v5 =	vld [tilespmem:s11+$0x22B0];
	v14 =	vadd.s32 v14, v10;
	v10 =	vmpcnt.ones.xlane vm2;
	vm2 =	vge.s32 v11, v4  }
0x1a9: {  	s12 =	simm.s32 $0x300;
	v8 =	vld [tilespmem:s11+$0x22C0];
	v12 =	vadd.s32 v12, v14;
	v11 =	vmpcnt.ones.xlane vm2;
	vm2 =	vge.s32 v13, v4  }
.LBB2_28:
0x1aa: {  	p0 =	sne.s32 s12, $0x8700;
	vm3 =	vge.s32 v9, v4;
	v13 =	vld [tilespmem:s11+$0x22D0];
	s11 =	sshra.s32 s12, $0x2;
	s12 =	sadd.s32 $0x180, s12;
	v10 =	vadd.s32 v10, v12;
	v12 =	vmpcnt.ones.xlane vm2  }
.Ltmp13:
0x1ab: {  	v9 =	vld [tilespmem:s11+$0x2280];
	v14 =	vmpcnt.ones.xlane vm3;
	vm2 =	vge.s32 v6, v4;
	v10 =	vadd.s32 v11, v10;
	(pc) =	sbr.rel @p0 .LBB2_28-.Ltmp13, $4  }
0x1ac: {  	v6 =	vld [tilespmem:s11+$0x2290];
	v11 =	vmpcnt.ones.xlane vm2;
	vm2 =	vge.s32 v7, v4;
	v10 =	vadd.s32 v12, v10  }
0x1ad: {  	v7 =	vld [tilespmem:s11+$0x22A0];
	v10 =	vadd.s32 v10, v14;
	v12 =	vmpcnt.ones.xlane vm2;
	vm2 =	vge.s32 v5, v4  }
0x1ae: {  	v5 =	vld [tilespmem:s11+$0x22B0];
	v11 =	vadd.s32 v11, v10;
	v10 =	vmpcnt.ones.xlane vm2;
	vm2 =	vge.s32 v8, v4  }
0x1af: {  	v8 =	vld [tilespmem:s11+$0x22C0];
	v12 =	vadd.s32 v12, v11;
	v11 =	vmpcnt.ones.xlane vm2;
	vm2 =	vge.s32 v13, v4  }
0x1b0: {  	vm3 =	vge.s32 v9, v4;
	v9 =	vld [tilespmem:s11+$0x22D0];
	v10 =	vadd.s32 v10, v12;
	v12 =	vmpcnt.ones.xlane vm2  }
0x1b1: {  	v13 =	vmpcnt.ones.xlane vm3;
	vm2 =	vge.s32 v6, v4;
	v6 =	vadd.s32 v11, v10  }
0x1b2: {  	v10 =	vmpcnt.ones.xlane vm2;
	vm2 =	vge.s32 v7, v4;
	v6 =	vadd.s32 v12, v6  }
0x1b3: {  	v6 =	vadd.s32 v6, v13;
	v7 =	vmpcnt.ones.xlane vm2;
	vm2 =	vge.s32 v5, v4  }
0x1b4: {  	v5 =	vadd.s32 v10, v6;
	v6 =	vmpcnt.ones.xlane vm2;
	vm2 =	vge.s32 v8, v4  }
0x1b5: {  	v5 =	vadd.s32 v7, v5;
	v7 =	vmpcnt.ones.xlane vm2;
	vm2 =	vge.s32 v9, v4  }
0x1b6: {  	s12 =	simm.s32 $0x0;
	v5 =	vadd.s32 v6, v5;
	v6 =	vmpcnt.ones.xlane vm2  }
0x1b7: {  	v5 =	vadd.s32 v7, v5;
	v7 =	vld [tilespmem:s12+$0x2280]  }
0x1b8: {  	v5 =	vadd.s32 v6, v5;
	v6 =	vld [tilespmem:s12+$0x2290]  }
0x1b9: {  	vm2 =	vlt.s32 v5, v2;
	v5 =	vld [tilespmem:s12+$0x22A0]  }
0x1ba: {  	v8 =	vld [tilespmem:s12+$0x22B0];
	v3 =	vsel vm2, v3, v4  }
0x1bb: {  	v11 =	vld [tilespmem:s12+$0x22C0];
	v4 =	vor.u32 $0x20000, v3  }
0x1bc: {  	s11 =	simm.s32 $0x60;
	v13 =	vld [tilespmem:s12+$0x22D0];
	vm2 =	vge.s32 v7, v4  }
0x1bd: {  	v9 =	vld [tilespmem:s11+$0x2280];
	v10 =	vmpcnt.ones.xlane vm2;
	vm2 =	vge.s32 v6, v4  }
0x1be: {  	v12 =	vimm.s32 $0x0;
	v6 =	vld [tilespmem:s11+$0x2290];
	v14 =	vmpcnt.ones.xlane vm2;
	vm2 =	vge.s32 v5, v4  }
0x1bf: {  	v7 =	vld [tilespmem:s11+$0x22A0];
	v10 =	vadd.s32 v12, v10;
	v12 =	vmpcnt.ones.xlane vm2;
	vm2 =	vge.s32 v8, v4  }
0x1c0: {  	v5 =	vld [tilespmem:s11+$0x22B0];
	v14 =	vadd.s32 v14, v10;
	v10 =	vmpcnt.ones.xlane vm2;
	vm2 =	vge.s32 v11, v4  }
0x1c1: {  	s12 =	simm.s32 $0x300;
	v8 =	vld [tilespmem:s11+$0x22C0];
	v12 =	vadd.s32 v12, v14;
	v11 =	vmpcnt.ones.xlane vm2;
	vm2 =	vge.s32 v13, v4  }
.LBB2_30:
0x1c2: {  	p0 =	sne.s32 s12, $0x8700;
	vm3 =	vge.s32 v9, v4;
	v13 =	vld [tilespmem:s11+$0x22D0];
	s11 =	sshra.s32 s12, $0x2;
	s12 =	sadd.s32 $0x180, s12;
	v10 =	vadd.s32 v10, v12;
	v12 =	vmpcnt.ones.xlane vm2  }
.Ltmp14:
0x1c3: {  	v9 =	vld [tilespmem:s11+$0x2280];
	v14 =	vmpcnt.ones.xlane vm3;
	vm2 =	vge.s32 v6, v4;
	v10 =	vadd.s32 v11, v10;
	(pc) =	sbr.rel @p0 .LBB2_30-.Ltmp14, $4  }
0x1c4: {  	v6 =	vld [tilespmem:s11+$0x2290];
	v11 =	vmpcnt.ones.xlane vm2;
	vm2 =	vge.s32 v7, v4;
	v10 =	vadd.s32 v12, v10  }
0x1c5: {  	v7 =	vld [tilespmem:s11+$0x22A0];
	v10 =	vadd.s32 v10, v14;
	v12 =	vmpcnt.ones.xlane vm2;
	vm2 =	vge.s32 v5, v4  }
0x1c6: {  	v5 =	vld [tilespmem:s11+$0x22B0];
	v11 =	vadd.s32 v11, v10;
	v10 =	vmpcnt.ones.xlane vm2;
	vm2 =	vge.s32 v8, v4  }
0x1c7: {  	v8 =	vld [tilespmem:s11+$0x22C0];
	v12 =	vadd.s32 v12, v11;
	v11 =	vmpcnt.ones.xlane vm2;
	vm2 =	vge.s32 v13, v4  }
0x1c8: {  	vm3 =	vge.s32 v9, v4;
	v9 =	vld [tilespmem:s11+$0x22D0];
	v10 =	vadd.s32 v10, v12;
	v12 =	vmpcnt.ones.xlane vm2  }
0x1c9: {  	v13 =	vmpcnt.ones.xlane vm3;
	vm2 =	vge.s32 v6, v4;
	v6 =	vadd.s32 v11, v10  }
0x1ca: {  	v10 =	vmpcnt.ones.xlane vm2;
	vm2 =	vge.s32 v7, v4;
	v6 =	vadd.s32 v12, v6  }
0x1cb: {  	v6 =	vadd.s32 v6, v13;
	v7 =	vmpcnt.ones.xlane vm2;
	vm2 =	vge.s32 v5, v4  }
0x1cc: {  	v5 =	vadd.s32 v10, v6;
	v6 =	vmpcnt.ones.xlane vm2;
	vm2 =	vge.s32 v8, v4  }
0x1cd: {  	v5 =	vadd.s32 v7, v5;
	v7 =	vmpcnt.ones.xlane vm2;
	vm2 =	vge.s32 v9, v4  }
0x1ce: {  	s12 =	simm.s32 $0x0;
	v5 =	vadd.s32 v6, v5;
	v6 =	vmpcnt.ones.xlane vm2  }
0x1cf: {  	v5 =	vadd.s32 v7, v5;
	v7 =	vld [tilespmem:s12+$0x2280]  }
0x1d0: {  	v5 =	vadd.s32 v6, v5;
	v6 =	vld [tilespmem:s12+$0x2290]  }
0x1d1: {  	vm2 =	vlt.s32 v5, v2;
	v5 =	vld [tilespmem:s12+$0x22A0]  }
0x1d2: {  	v8 =	vld [tilespmem:s12+$0x22B0];
	v3 =	vsel vm2, v3, v4  }
0x1d3: {  	v11 =	vld [tilespmem:s12+$0x22C0];
	v4 =	vor.u32 $0x10000, v3  }
0x1d4: {  	s11 =	simm.s32 $0x60;
	v13 =	vld [tilespmem:s12+$0x22D0];
	vm2 =	vge.s32 v7, v4  }
0x1d5: {  	v9 =	vld [tilespmem:s11+$0x2280];
	v10 =	vmpcnt.ones.xlane vm2;
	vm2 =	vge.s32 v6, v4  }
0x1d6: {  	v12 =	vimm.s32 $0x0;
	v6 =	vld [tilespmem:s11+$0x2290];
	v14 =	vmpcnt.ones.xlane vm2;
	vm2 =	vge.s32 v5, v4  }
0x1d7: {  	v7 =	vld [tilespmem:s11+$0x22A0];
	v10 =	vadd.s32 v12, v10;
	v12 =	vmpcnt.ones.xlane vm2;
	vm2 =	vge.s32 v8, v4  }
0x1d8: {  	v5 =	vld [tilespmem:s11+$0x22B0];
	v14 =	vadd.s32 v14, v10;
	v10 =	vmpcnt.ones.xlane vm2;
	vm2 =	vge.s32 v11, v4  }
0x1d9: {  	s12 =	simm.s32 $0x300;
	v8 =	vld [tilespmem:s11+$0x22C0];
	v12 =	vadd.s32 v12, v14;
	v11 =	vmpcnt.ones.xlane vm2;
	vm2 =	vge.s32 v13, v4  }
.LBB2_32:
0x1da: {  	p0 =	sne.s32 s12, $0x8700;
	vm3 =	vge.s32 v9, v4;
	v13 =	vld [tilespmem:s11+$0x22D0];
	s11 =	sshra.s32 s12, $0x2;
	s12 =	sadd.s32 $0x180, s12;
	v10 =	vadd.s32 v10, v12;
	v12 =	vmpcnt.ones.xlane vm2  }
.Ltmp15:
0x1db: {  	v9 =	vld [tilespmem:s11+$0x2280];
	v14 =	vmpcnt.ones.xlane vm3;
	vm2 =	vge.s32 v6, v4;
	v10 =	vadd.s32 v11, v10;
	(pc) =	sbr.rel @p0 .LBB2_32-.Ltmp15, $4  }
0x1dc: {  	v6 =	vld [tilespmem:s11+$0x2290];
	v11 =	vmpcnt.ones.xlane vm2;
	vm2 =	vge.s32 v7, v4;
	v10 =	vadd.s32 v12, v10  }
0x1dd: {  	v7 =	vld [tilespmem:s11+$0x22A0];
	v10 =	vadd.s32 v10, v14;
	v12 =	vmpcnt.ones.xlane vm2;
	vm2 =	vge.s32 v5, v4  }
0x1de: {  	v5 =	vld [tilespmem:s11+$0x22B0];
	v11 =	vadd.s32 v11, v10;
	v10 =	vmpcnt.ones.xlane vm2;
	vm2 =	vge.s32 v8, v4  }
0x1df: {  	v8 =	vld [tilespmem:s11+$0x22C0];
	v12 =	vadd.s32 v12, v11;
	v11 =	vmpcnt.ones.xlane vm2;
	vm2 =	vge.s32 v13, v4  }
0x1e0: {  	vm3 =	vge.s32 v9, v4;
	v9 =	vld [tilespmem:s11+$0x22D0];
	v10 =	vadd.s32 v10, v12;
	v63 =	vmpcnt.ones.xlane vm2  }
0x1e1: {  	v13 =	vmpcnt.ones.xlane vm3;
	vm2 =	vge.s32 v6, v4;
	v6 =	vadd.s32 v11, v10  }
0x1e2: {  	v10 =	vmpcnt.ones.xlane vm2;
	vm2 =	vge.s32 v7, v4;
	v6 =	vadd.s32 v63, v6  }
0x1e3: {  	v6 =	vadd.s32 v6, v13;
	v7 =	vmpcnt.ones.xlane vm2;
	vm2 =	vge.s32 v5, v4  }
0x1e4: {  	v5 =	vadd.s32 v10, v6;
	v6 =	vmpcnt.ones.xlane vm2;
	vm2 =	vge.s32 v8, v4  }
0x1e5: {  	s31 =	simm.s32 $0x0;
	v5 =	vadd.s32 v7, v5;
	v7 =	vmpcnt.ones.xlane vm2;
	vm2 =	vge.s32 v9, v4  }
0x1e6: {  	v8 =	vld [tilespmem:s31+$0x2280];
	v5 =	vadd.s32 v6, v5;
	v6 =	vmpcnt.ones.xlane vm2  }
0x1e7: {  	v5 =	vadd.s32 v7, v5  }
0x1e8: {  	v9 =	vld [tilespmem:s31+$0x2290];
	v5 =	vadd.s32 v6, v5  }
0x1e9: {  	v10 =	vld [tilespmem:s31+$0x22A0];
	vm2 =	vlt.s32 v5, v2  }
0x1ea: {  	v5 =	vld [tilespmem:s31+$0x22D0];
	v3 =	vsel vm2, v3, v4  }
0x1eb: {  	v4 =	vld [tilespmem:s31+$0x22C0];
	vm3 =	vgt.f32 v8, v3  }
0x1ec: {  	v7 =	vld [tilespmem:s31+$0x22B0];
	v6 =	vimm.f32 $0.0e+00;
	v8 =	vnsel vm3, $0x0, v8  }
0x1ed: {  	vm5 =	vgt.f32 v9, v3;
	v8 =	vadd.f32 v8, v6  }
0x1ee: {  	vm4 =	vgt.f32 v10, v3;
	v9 =	vnsel vm5, $0x0, v9  }
0x1ef: {  	v10 =	vnsel vm4, $0x0, v10;
	v6 =	vimm.s32 $0x0;
	v11 =	vadd.f32 v9, v8  }
0x1f0: {  	vm2 =	vgt.f32 v5, v3;
	v8 =	vmpcnt.ones.xlane vm3;
	vm3 =	vgt.f32 v4, v3  }
0x1f1: {  	s11 =	simm.s32 $0x60;
	s12 =	simm.s32 $0x300;
	v9 =	vmpcnt.ones.xlane vm5;
	vm5 =	vgt.f32 v7, v3;
	v10 =	vadd.f32 v10, v11  }
.LBB2_34:
0x1f2: {  	p0 =	sne.s32 s12, $0x8700;
	v11 =	vld [tilespmem:s11+$0x2280];
	v6 =	vadd.s32 v6, v8;
	v8 =	vmpcnt.ones.xlane vm4;
	v7 =	vnsel vm5, $0x0, v7  }
0x1f3: {  	v6 =	vadd.s32 v9, v6;
	v7 =	vadd.f32 v7, v10;
	v9 =	vmpcnt.ones.xlane vm5  }
0x1f4: {  	v4 =	vnsel vm3, $0x0, v4;
	v10 =	vld [tilespmem:s11+$0x2290];
	v6 =	vadd.s32 v8, v6;
	v8 =	vmpcnt.ones.xlane vm3  }
0x1f5: {  	v12 =	vld [tilespmem:s11+$0x22D0];
	v6 =	vadd.s32 v9, v6;
	v7 =	vadd.f32 v4, v7;
	v9 =	vmpcnt.ones.xlane vm2  }
0x1f6: {  	v5 =	vnsel vm2, $0x0, v5;
	v13 =	vld [tilespmem:s11+$0x22A0];
	v6 =	vadd.s32 v8, v6  }
0x1f7: {  	vm3 =	vgt.f32 v11, v3;
	v4 =	vld [tilespmem:s11+$0x22C0];
	v14 =	vadd.f32 v5, v7;
	v6 =	vadd.s32 v9, v6  }
0x1f8: {  	v8 =	vnsel vm3, $0x0, v11;
	v7 =	vld [tilespmem:s11+$0x22B0]  }
.Ltmp16:
0x1f9: {  	v8 =	vadd.f32 v8, v14;
	vm5 =	vgt.f32 v10, v3;
	(pc) =	sbr.rel @p0 .LBB2_34-.Ltmp16, $4  }
0x1fa: {  	v9 =	vnsel vm5, $0x0, v10;
	v5 =	vmov v12  }
0x1fb: {  	v10 =	vadd.f32 v9, v8;
	vm4 =	vgt.f32 v13, v3;
	vm2 =	vgt.f32 v5, v3  }
0x1fc: {  	v8 =	vmpcnt.ones.xlane vm3;
	v11 =	vnsel vm4, $0x0, v13;
	vm3 =	vgt.f32 v4, v3  }
0x1fd: {  	s11 =	sshra.s32 s12, $0x2;
	s12 =	sadd.s32 $0x180, s12;
	v9 =	vmpcnt.ones.xlane vm5;
	v10 =	vadd.f32 v11, v10;
	vm5 =	vgt.f32 v7, v3  }
0x1fe: {  	v11 =	vld [tilespmem:s11+$0x2280]  }
0x1ff: {  	v47 =	vld [tilespmem:s11+$0x2290]  }
0x200: {  	v50 =	vld [tilespmem:s11+$0x22D0]  }
0x201: {  	v7 =	vnsel vm5, $0x0, v7;
	v4 =	vnsel vm3, $0x0, v4;
	v51 =	vld [tilespmem:s11+$0x22A0]  }
0x202: {  	v6 =	vadd.s32 v6, v8;
	v48 =	vmpcnt.ones.xlane vm4;
	v53 =	vld [tilespmem:s11+$0x22C0];
	v7 =	vadd.f32 v7, v10  }
0x203: {  	v49 =	vmpcnt.ones.xlane vm5;
	v5 =	vnsel vm2, $0x0, v5;
	v6 =	vadd.s32 v9, v6  }
0x204: {  	v52 =	vmpcnt.ones.xlane vm3;
	v6 =	vadd.s32 v48, v6;
	v4 =	vadd.f32 v4, v7  }
0x205: {  	v12 =	vmpcnt.ones.xlane vm2;
	v54 =	vld [tilespmem:s11+$0x22B0];
	v6 =	vadd.s32 v49, v6;
	vm13 =	vgt.f32 v11, v3  }
0x206: {  	v4 =	vadd.f32 v5, v4;
	vm2 =	vgt.f32 v47, v3;
	v5 =	vadd.s32 v52, v6  }
0x207: {  	vm3 =	vgt.f32 v51, v3;
	vm14 =	vgt.f32 v50, v3;
	vm15 =	vgt.f32 v53, v3  }
0x208: {  	v11 =	vnsel vm13, $0x0, v11;
	v55 =	vnsel vm2, $0x0, v47;
	v56 =	vmpcnt.ones.xlane vm13  }
0x209: {  	v5 =	vadd.s32 v12, v5;
	v57 =	vmpcnt.ones.xlane vm2;
	v4 =	vadd.f32 v11, v4  }
0x20a: {  	vm2 =	vgt.f32 v54, v3;
	v58 =	vmpcnt.ones.xlane vm3;
	v5 =	vadd.s32 v5, v56  }
0x20b: {  	v59 =	vmpcnt.ones.xlane vm2;
	v4 =	vadd.f32 v55, v4;
	v5 =	vadd.s32 v57, v5  }
0x20c: {  	v8 =	vnsel vm3, $0x0, v51;
	v61 =	vmpcnt.ones.xlane vm15;
	v5 =	vadd.s32 v58, v5  }
0x20d: {  	v62 =	vmpcnt.ones.xlane vm14;
	v4 =	vadd.f32 v8, v4;
	v5 =	vadd.s32 v59, v5  }
0x20e: {  	v60 =	vnsel vm2, $0x0, v54;
	v5 =	vadd.s32 v61, v5  }
0x20f: {  	v2 =	vcvt.s32.f32 v2;
	v4 =	vadd.f32 v60, v4;
	v5 =	vadd.s32 v62, v5  }
0x210: {  	v7 =	vnsel vm15, $0x0, v53;
	v5 =	vcvt.s32.f32 v5  }
0x211: {  	v2 =	vsel vm0, $0x0, v2;
	v4 =	vadd.f32 v7, v4  }
0x212: {  	v63 =	vnsel vm14, $0x0, v50;
	vm2 =	vmmov $0x1;
	v2 =	vsel vm1, v2, v5  }
0x213: {  	[tilespmem:$0x4500] =	vst v1;
	s10 =	sadd.s32 $0x1, s10;
	v4 =	vadd.f32 v63, v4;
	v1 =	vsel vm2, v3, v2  }
0x214: {  	p0 =	sne.s32 s10, s5;
	[tilespmem:$0x4520] =	vst v1  }
.Ltmp17:
0x215: {  	[tilespmem:$0x4510] =	vst v4;
	(pc) =	sbr.rel @p0 .LBB2_1-.Ltmp17, $4  }
0x216: {  	[hbm4b:s4+s2] =	stream.linear.scatter [tilespmem:s9], [sflag:$0x1], $0x80, $0x38;
	[tilespmem:$0x4580] =	vst v63  }
0x217: {  	_ =	swait.ge [sflag:s8], $0x80  }
0x218: {  	[sflag:s8] =	ssyncset.done $0x0  }
0x219: {  	[sflag:s8] =	ssyncadd.s32 $0xFFFFFF80  }
0x21a: {  	_ =	sfence.sel $0x180000  }
0x21b: {  	[bflag:$0x0] =	sbarrier.arrive $0xFFFF  }
0x21c: {  	p0 =	sne.s32 s1, $0x0;
	_ =	strace $0x90000047  }
0x21d: {  	s0 =	sadd.s32 @!p0 $0x100000, s0;
	[bflag:$0x2] =	sbarrier.arrive $0xFFFF  }
0x21e: {  	[sflag:s0] =	ssyncadd.tile.s32 @!p0 $0x1;
	_ =	shalt  }
.Lfunc_end2:
_tile_overlayer_lowered:
.L_overlay_start_2:
0x21f: {  	(tag) =	ssettag $0x2  }
0x220: {  	s0 =	rddreg [dreg:$0x0];
	s2 =	stileid.u32  }
0x221: {  	s1 =	rddreg [dreg:$0x1];
	p0 =	sne.s32 s2, $0x0  }
0x222: {  	s3 =	rddreg [dreg:$0x2];
	[bflag:$0x3] =	sbarrier.arrive $0xFFFF;
	s2 =	simm.s32 @!p0 $0x1C01  }
0x223: {  	[timem:s3], [sflag:s2] =	dma.local @!p0 [hbm:s0], s1  }
0x224: {  	s0 =	simm.s32 @!p0 $0x1  }
0x225: {  	_ =	swait.ge @!p0 [sflag:s0], s1  }
0x226: {  	s1 =	ssub.s32 @!p0 $0x0, s1;
	[sflag:s0] =	ssyncset.done @!p0 $0x0  }
0x227: {  	[sflag:s0] =	ssyncadd.s32 @!p0 s1  }
0x228: {  	[bflag:$0x3] =	sbarrier.arrive $0xFFFF  }
0x229: {  	_ =	shalt  }

</sc_bundles>
